<compile_context>
chip_gen: v7x
topology: tpu7x:2x2x1
jax: 0.10.2.dev20260603
libtpu: 0.0.44.dev20260713+nightly
codegen_flags: <defaults>
</compile_context>

<pallas_src>
import functools

import jax
import jax.numpy as jnp
from jax import lax
from jax.experimental import pallas as pl
from jax.experimental.pallas import tpu as pltpu
from jax.experimental.pallas import tpu_sc as plsc

N_NODES = 10000
D = 128
N_EDGES = 320000
N_PAIRS = 16384

NC = 2
NS = 16
L = 16
NW = NC * NS
NP = 10240
EB = 128
EPW = 10240
NB = EPW // EB
NE_PAD = NW * EPW
PAD_IDX = N_NODES + 100
RPT = NP // NS
PPW = N_PAIRS // NW
BLK = 1024

_mesh = plsc.VectorSubcoreMesh(core_axis_name="c", subcore_axis_name="s")


@functools.partial(
    pl.kernel,
    out_type=jax.ShapeDtypeStruct((NC, NP, L), jnp.float32),
    mesh=_mesh,
    scratch_types=[
        pltpu.VMEM_SHARED((NP, L), jnp.float32),
        pltpu.VMEM((NB, EB), jnp.int32),
        pltpu.VMEM((EB, L), jnp.float32),
        pltpu.VMEM((RPT, L), jnp.float32),
    ],
    compiler_params=pltpu.CompilerParams(use_tc_tiling_on_sc=False),
)
def _deg_kernel(dst_hbm, out_hbm, acc_sh, dst_v, ones_v, z_v):
    cid = lax.axis_index("c")
    sid = lax.axis_index("s")
    wid = cid * NS + sid

    zeros16 = jnp.zeros((L,), jnp.float32)
    ones16 = jnp.ones((L,), jnp.float32)

    @pl.loop(0, RPT)
    def _(r):
        z_v[r] = zeros16

    @pl.loop(0, EB)
    def _(r):
        ones_v[r] = ones16

    pltpu.sync_copy(z_v, acc_sh.at[pl.ds(sid * RPT, RPT)])
    pltpu.sync_copy(dst_hbm.at[wid], dst_v)
    plsc.subcore_barrier()

    @pl.loop(0, NB)
    def _(b):
        pltpu.sync_copy(ones_v, acc_sh.at[dst_v.at[b]], add=True)

    plsc.subcore_barrier()
    pltpu.sync_copy(acc_sh.at[pl.ds(sid * RPT, RPT)],
                    out_hbm.at[cid, pl.ds(sid * RPT, RPT)])


DH = D // NC
NBT = NE_PAD // (NS * EB)
NBTH = NBT // 2

@functools.partial(
    pl.kernel,
    out_type=jax.ShapeDtypeStruct((NC, NP, DH), jnp.float32),
    mesh=_mesh,
    scratch_types=[
        pltpu.VMEM_SHARED((NP, DH), jnp.float32),
        pltpu.VMEM_SHARED((NP, DH), jnp.float32),
        pltpu.VMEM((NBTH, EB), jnp.int32),
        pltpu.VMEM((NBTH, EB), jnp.int32),
        pltpu.VMEM((EB, DH), jnp.float32),
        pltpu.VMEM((EB, DH), jnp.float32),
        pltpu.SemaphoreType.DMA,
        pltpu.SemaphoreType.DMA,
    ],
    compiler_params=pltpu.CompilerParams(use_tc_tiling_on_sc=False),
)
def _edge_kernel(g_hbm, src_hbm, dst_hbm, out_hbm,
                 g_sh, acc_sh, src_v, dst_v, b0, b1, g0, g1):
    cid = lax.axis_index("c")
    sid = lax.axis_index("s")

    zeros16 = jnp.zeros((L,), jnp.float32)

    @pl.loop(0, EB)
    def _(r):
        for c in range(DH // L):
            b0[r, pl.ds(c * L, L)] = zeros16

    @pl.loop(0, RPT // EB)
    def _(k):
        pltpu.sync_copy(b0, acc_sh.at[pl.ds(sid * RPT + k * EB, EB)])

    pltpu.sync_copy(g_hbm.at[cid, pl.ds(sid * RPT, RPT)],
                    g_sh.at[pl.ds(sid * RPT, RPT)])
    plsc.subcore_barrier()

    bufs = (b0, b1)
    gsem = (g0, g1)
    for p in range(2):
        base = p * NBTH
        pltpu.sync_copy(src_hbm.at[sid, pl.ds(base, NBTH)], src_v)
        pltpu.sync_copy(dst_hbm.at[sid, pl.ds(base, NBTH)], dst_v)
        pltpu.async_copy(g_sh.at[src_v.at[0]], b0, g0)

        @pl.loop(0, NBTH, step=2)
        def _(g):
            for kk in range(2):
                j = g + kk
                k, n = kk, 1 - kk
                pltpu.make_async_copy(
                    g_sh.at[src_v.at[j]], bufs[k], gsem[k]).wait()

                @pl.when(j + 1 < NBTH)
                def _():
                    pltpu.async_copy(g_sh.at[src_v.at[j + 1]], bufs[n], gsem[n])

                pltpu.sync_copy(bufs[k], acc_sh.at[dst_v.at[j]], add=True)

    plsc.subcore_barrier()
    pltpu.sync_copy(acc_sh.at[pl.ds(sid * RPT, RPT)],
                    out_hbm.at[cid, pl.ds(sid * RPT, RPT)])


@functools.partial(
    pl.kernel,
    out_type=jax.ShapeDtypeStruct((NW, PPW), jnp.float32),
    mesh=_mesh,
    scratch_types=[
        pltpu.VMEM((NP,), jnp.float32),
        pltpu.VMEM((NP,), jnp.float32),
        pltpu.VMEM((PPW,), jnp.int32),
        pltpu.VMEM((PPW,), jnp.int32),
        pltpu.VMEM((PPW,), jnp.float32),
        pltpu.VMEM((L,), jnp.float32),
    ],
    compiler_params=pltpu.CompilerParams(needs_layout_passes=False),
)
def _pair_kernel(u_hbm, v_hbm, i_hbm, j_hbm, bl_hbm, out_hbm,
                 u_v, v_v, i_v, j_v, o_v, bl_v):
    cid = lax.axis_index("c")
    sid = lax.axis_index("s")
    wid = cid * NS + sid

    pltpu.sync_copy(u_hbm, u_v)
    pltpu.sync_copy(v_hbm, v_v)
    pltpu.sync_copy(i_hbm.at[wid], i_v)
    pltpu.sync_copy(j_hbm.at[wid], j_v)
    pltpu.sync_copy(bl_hbm, bl_v)
    bl = bl_v[...]

    @pl.loop(0, PPW // L)
    def _(k):
        ii = i_v[pl.ds(k * L, L)]
        jj = j_v[pl.ds(k * L, L)]
        a = plsc.load_gather(u_v, [ii])
        b = plsc.load_gather(v_v, [jj])
        s = a + b + bl
        o_v[pl.ds(k * L, L)] = 1.0 / (1.0 + jnp.exp(-s))

    pltpu.sync_copy(o_v, out_hbm.at[wid])


def _rsqrt_deg(dp0_ref, dp1_ref):
    deg = dp0_ref[:, 0:1] + dp1_ref[:, 0:1] + 1.0
    return lax.rsqrt(deg)


def _split(g):
    return jnp.stack([g[:, :DH], g[:, DH:]], axis=0)


def _unsplit(s_ref, g_ref):
    s = s_ref[...]
    g = g_ref[...]
    return jnp.concatenate([s[0] + g[0], s[1] + g[1]], axis=-1)


def _mm1_body(x_ref, w_ref, dp0_ref, dp1_ref, g_ref):
    r = _rsqrt_deg(dp0_ref, dp1_ref)
    h = jnp.dot(x_ref[...], w_ref[...], preferred_element_type=jnp.float32)
    g_ref[...] = _split(r * h)


def _mm2_body(s_ref, g1_ref, dp0_ref, dp1_ref, w_ref, b_ref, g2_ref):
    r = _rsqrt_deg(dp0_ref, dp1_ref)
    t = _unsplit(s_ref, g1_ref)
    x2 = jnp.maximum(r * t + b_ref[...], 0.0)
    h2 = jnp.dot(x2, w_ref[...], preferred_element_type=jnp.float32)
    g2_ref[...] = _split(r * h2)


def _fin_body(s_ref, g2_ref, dp0_ref, dp1_ref, b_ref,
              wa_ref, wb_ref, u_ref, v_ref):
    r = _rsqrt_deg(dp0_ref, dp1_ref)
    h = r * _unsplit(s_ref, g2_ref) + b_ref[...]
    u_ref[...] = jnp.sum(h * wa_ref[...], axis=1, keepdims=True)
    v_ref[...] = jnp.sum(h * wb_ref[...], axis=1, keepdims=True)


_row_spec = pl.BlockSpec((BLK, D), lambda m: (m, 0))
_fs_spec = pl.BlockSpec((NC, BLK, DH), lambda m: (0, m, 0))
_dp_spec = pl.BlockSpec((BLK, L), lambda m: (m, 0))
_w_spec = pl.BlockSpec((D, D), lambda m: (0, 0))
_b_spec = pl.BlockSpec((1, D), lambda m: (0, 0))
_col_spec = pl.BlockSpec((BLK, 1), lambda m: (m, 0))

_mm1 = pl.pallas_call(
    _mm1_body,
    grid=(NP // BLK,),
    in_specs=[_row_spec, _w_spec, _dp_spec, _dp_spec],
    out_specs=_fs_spec,
    out_shape=jax.ShapeDtypeStruct((NC, NP, DH), jnp.float32),
)

_mm2 = pl.pallas_call(
    _mm2_body,
    grid=(NP // BLK,),
    in_specs=[_fs_spec, _fs_spec, _dp_spec, _dp_spec, _w_spec, _b_spec],
    out_specs=_fs_spec,
    out_shape=jax.ShapeDtypeStruct((NC, NP, DH), jnp.float32),
)

_fin = pl.pallas_call(
    _fin_body,
    grid=(NP // BLK,),
    in_specs=[_fs_spec, _fs_spec, _dp_spec, _dp_spec,
              _b_spec, _b_spec, _b_spec],
    out_specs=[_col_spec, _col_spec],
    out_shape=[jax.ShapeDtypeStruct((NP, 1), jnp.float32),
               jax.ShapeDtypeStruct((NP, 1), jnp.float32)],
)


def kernel(x, edge_index, i, j, W1, b1, W2, b2, Wlin, blin):
    src = edge_index[0].astype(jnp.int32)
    dst = edge_index[1].astype(jnp.int32)
    pad = jnp.full((NE_PAD - N_EDGES,), PAD_IDX, jnp.int32)
    src_p = jnp.concatenate([src, pad])
    dst_p = jnp.concatenate([dst, pad])
    src_fs = src_p.reshape(NS, NBT, EB)
    dst_fs = dst_p.reshape(NS, NBT, EB)
    dst_p = dst_p.reshape(NW, NB, EB)
    x_p = jnp.pad(x, ((0, NP - N_NODES), (0, 0)))
    i_p = i.astype(jnp.int32).reshape(NW, PPW)
    j_p = j.astype(jnp.int32).reshape(NW, PPW)
    bl_p = jnp.broadcast_to(blin.astype(jnp.float32), (L,))

    degp = _deg_kernel(dst_p)
    dp0, dp1 = degp[0], degp[1]

    g1 = _mm1(x_p, W1, dp0, dp1)
    s1 = _edge_kernel(g1, src_fs, dst_fs)
    g2 = _mm2(s1, g1, dp0, dp1, W2, b1.reshape(1, D))
    s2 = _edge_kernel(g2, src_fs, dst_fs)
    u, v = _fin(s2, g2, dp0, dp1, b2.reshape(1, D),
                Wlin[:D, 0].reshape(1, D), Wlin[D:, 0].reshape(1, D))
    out = _pair_kernel(u.reshape(NP), v.reshape(NP), i_p, j_p, bl_p)
    return out.reshape(N_PAIRS, 1)

# --- scband reference (transcript-rebuilt; emitter-appended) ---
"""Pipeline reference for scband-ddignn-66305705116452 (READ-ONLY COPY).

The authoritative reference and input builder live on the scoring server;
editing this copy changes nothing except your own understanding.
"""

import jax, jax.numpy as jnp
import numpy as np

N_NODES = 10000
D_IN = 128
D_HID = 128
N_EDGES = 320000
N_PAIRS = 16384


def gcn_conv(x, src, dst, W, b, num_nodes):
    # PyG GCNConv: x' = D^{-1/2} (A + I) D^{-1/2} (X W) + b
    loop = jnp.arange(num_nodes, dtype=src.dtype)
    src_sl = jnp.concatenate([src, loop])
    dst_sl = jnp.concatenate([dst, loop])
    deg = jnp.zeros((num_nodes,), dtype=x.dtype).at[dst_sl].add(1.0)
    deg_inv_sqrt = jnp.where(deg > 0, 1.0 / jnp.sqrt(deg), 0.0)
    norm = deg_inv_sqrt[src_sl] * deg_inv_sqrt[dst_sl]
    h = x @ W
    msg = h[src_sl] * norm[:, None]
    out = jnp.zeros((num_nodes, h.shape[1]), dtype=x.dtype).at[dst_sl].add(msg)
    return out + b


def setup_inputs(seed: int = 0) -> dict:
    key = jax.random.key(seed)
    ks = jax.random.split(key, 10)
    x = jax.random.normal(ks[0], (N_NODES, D_IN), dtype=jnp.float32)
    edge_index = jax.random.randint(ks[1], (2, N_EDGES), 0, N_NODES, dtype=jnp.int64 if jax.config.read('jax_enable_x64') else jnp.int32)
    i = jax.random.randint(ks[2], (N_PAIRS,), 0, N_NODES)
    j = jax.random.randint(ks[3], (N_PAIRS,), 0, N_NODES)
    s1 = 1.0 / np.sqrt(D_IN)
    s2 = 1.0 / np.sqrt(D_HID)
    sl = 1.0 / np.sqrt(2 * D_HID)
    W1 = jax.random.uniform(ks[4], (D_IN, D_HID), dtype=jnp.float32, minval=-s1, maxval=s1)
    b1 = jnp.zeros((D_HID,), dtype=jnp.float32)
    W2 = jax.random.uniform(ks[5], (D_HID, D_HID), dtype=jnp.float32, minval=-s2, maxval=s2)
    b2 = jnp.zeros((D_HID,), dtype=jnp.float32)
    Wlin = jax.random.uniform(ks[6], (2 * D_HID, 1), dtype=jnp.float32, minval=-sl, maxval=sl)
    blin = jax.random.uniform(ks[7], (1,), dtype=jnp.float32, minval=-sl, maxval=sl)
    return {"x": x, "edge_index": edge_index, "i": i, "j": j,
            "W1": W1, "b1": b1, "W2": W2, "b2": b2, "Wlin": Wlin, "blin": blin}


def reference(x, edge_index, i, j, W1, b1, W2, b2, Wlin, blin):
    src = edge_index[0]
    dst = edge_index[1]
    h = gcn_conv(x, src, dst, W1, b1, N_NODES)
    h = jax.nn.relu(h)
    h = gcn_conv(h, src, dst, W2, b2, N_NODES)
    h_i = h[i]
    h_j = h[j]
    hc = jnp.concatenate([h_i, h_j], axis=-1)
    return jax.nn.sigmoid(hc @ Wlin + blin)

if __name__ == "__main__":
    import jax
    _d = setup_inputs()
    print(jax.jit(kernel)(*tuple(_d.values())))

</pallas_src>

<mosaic_0001>
#map = affine_map<(d0, d1) -> (0, 0, 0)>
module attributes {stable_mosaic.version = 14 : i64} {
  func.func @_edge_kernel(%arg0: i32, %arg1: i32, %arg2: memref<2x10240x64xf32, #tpu.memory_space<hbm>>, %arg3: memref<16x160x128xi32, #tpu.memory_space<hbm>>, %arg4: memref<16x160x128xi32, #tpu.memory_space<hbm>>, %arg5: memref<2x10240x64xf32, #tpu.memory_space<hbm>>, %arg6: memref<10240x64xf32, #tpu.memory_space<vmem_shared>>, %arg7: memref<10240x64xf32, #tpu.memory_space<vmem_shared>>, %arg8: memref<80x128xi32, #tpu.memory_space<vmem>>, %arg9: memref<80x128xi32, #tpu.memory_space<vmem>>, %arg10: memref<128x64xf32, #tpu.memory_space<vmem>>, %arg11: memref<128x64xf32, #tpu.memory_space<vmem>>, %arg12: memref<!tpu.dma_semaphore, #tpu.memory_space<semaphore_mem>>, %arg13: memref<!tpu.dma_semaphore, #tpu.memory_space<semaphore_mem>>) attributes {dimension_semantics = [#tpu.dimension_semantics<core_parallel>, #tpu.dimension_semantics<subcore_parallel>], iteration_bounds = array<i64: 2, 16>, scalar_prefetch = 0 : i64, scratch_operands = 8 : i64, tpu.core_type = #tpu.core_type<sc_vector_subcore>, window_params = [{transform_indices = #map}, {transform_indices = #map}, {transform_indices = #map}, {transform_indices = #map}]} {
    %broadcast_in_dim3A = arith.constant 0.000000e+00 : f32
    %broadcast_in_dim3A_0 = vector.broadcast %broadcast_in_dim3A : f32 to vector<16xf32>
    %scan3A = arith.constant 0 : i32
    %scan3A_1 = arith.constant 128 : i32
    %scan3A_2 = arith.addi %scan3A, %scan3A_1 : i32
    %scan3A_3 = arith.constant 1 : i32
    scf.for %scan3A_41 = %scan3A to %scan3A_2 step %scan3A_3  : i32 {
      %mul3A_42 = arith.constant 1 : i32
      %mul3A_43 = arith.muli %scan3A_41, %mul3A_42 : i32
      %add3A = arith.constant 0 : i32
      %add3A_44 = arith.addi %add3A, %mul3A_43 : i32
      %swap3A = arith.index_cast %add3A_44 : i32 to index
      %swap3A_45 = arith.constant 0 : index
      %swap3A_46 = tpu.vector_load %arg10[%swap3A, %swap3A_45] {strides = array<i32>} : memref<128x64xf32, #tpu.memory_space<vmem>>, vector<1x16xf32>,
      %swap3A_47 = vector.shape_cast %swap3A_46 : vector<1x16xf32> to vector<16xf32>
      %swap3A_48 = vector.shape_cast %broadcast_in_dim3A_0 : vector<16xf32> to vector<1x16xf32>
      tpu.vector_store %arg10[%swap3A, %swap3A_45], %swap3A_48 {strides = array<i32>} : memref<128x64xf32, #tpu.memory_space<vmem>>, vector<1x16xf32>,
      %swap3A_49 = arith.index_cast %add3A_44 : i32 to index
      %swap3A_50 = arith.constant 16 : index
      %swap3A_51 = tpu.vector_load %arg10[%swap3A_49, %swap3A_50] {strides = array<i32>} : memref<128x64xf32, #tpu.memory_space<vmem>>, vector<1x16xf32>,
      %swap3A_52 = vector.shape_cast %swap3A_51 : vector<1x16xf32> to vector<16xf32>
      %swap3A_53 = vector.shape_cast %broadcast_in_dim3A_0 : vector<16xf32> to vector<1x16xf32>
      tpu.vector_store %arg10[%swap3A_49, %swap3A_50], %swap3A_53 {strides = array<i32>} : memref<128x64xf32, #tpu.memory_space<vmem>>, vector<1x16xf32>,
      %swap3A_54 = arith.index_cast %add3A_44 : i32 to index
      %swap3A_55 = arith.constant 32 : index
      %swap3A_56 = tpu.vector_load %arg10[%swap3A_54, %swap3A_55] {strides = array<i32>} : memref<128x64xf32, #tpu.memory_space<vmem>>, vector<1x16xf32>,
      %swap3A_57 = vector.shape_cast %swap3A_56 : vector<1x16xf32> to vector<16xf32>
      %swap3A_58 = vector.shape_cast %broadcast_in_dim3A_0 : vector<16xf32> to vector<1x16xf32>
      tpu.vector_store %arg10[%swap3A_54, %swap3A_55], %swap3A_58 {strides = array<i32>} : memref<128x64xf32, #tpu.memory_space<vmem>>, vector<1x16xf32>,
      %swap3A_59 = arith.index_cast %add3A_44 : i32 to index
      %swap3A_60 = arith.constant 48 : index
      %swap3A_61 = tpu.vector_load %arg10[%swap3A_59, %swap3A_60] {strides = array<i32>} : memref<128x64xf32, #tpu.memory_space<vmem>>, vector<1x16xf32>,
      %swap3A_62 = vector.shape_cast %swap3A_61 : vector<1x16xf32> to vector<16xf32>
      %swap3A_63 = vector.shape_cast %broadcast_in_dim3A_0 : vector<16xf32> to vector<1x16xf32>
      tpu.vector_store %arg10[%swap3A_59, %swap3A_60], %swap3A_63 {strides = array<i32>} : memref<128x64xf32, #tpu.memory_space<vmem>>, vector<1x16xf32>,
    }
    %scan3A_4 = arith.constant 128 : i32
    %scan3A_5 = arith.constant 0 : i32
    %scan3A_6 = arith.constant 5 : i32
    %scan3A_7 = arith.addi %scan3A_5, %scan3A_6 : i32
    %scan3A_8 = arith.constant 1 : i32
    scf.for %scan3A_41 = %scan3A_5 to %scan3A_7 step %scan3A_8  : i32 {
      %mul3A_42 = arith.constant 1 : i32
      %mul3A_43 = arith.muli %scan3A_41, %mul3A_42 : i32
      %add3A = arith.constant 0 : i32
      %add3A_44 = arith.addi %add3A, %mul3A_43 : i32
      %mul3A_45 = arith.constant 640 : i32
      %mul3A_46 = arith.muli %arg1, %mul3A_45 : i32
      %mul3A_47 = arith.constant 128 : i32
      %mul3A_48 = arith.muli %add3A_44, %mul3A_47 : i32
      %add3A_49 = arith.addi %mul3A_46, %mul3A_48 : i32
      "tpu.region"() ({
        %run_scoped3A = tpu.sem_alloc : memref<!tpu.dma_semaphore, #tpu.memory_space<semaphore_mem>>
        %dma_start3A_50 = arith.constant 0 : i32
        %dma_start3A_51 = tpu.memref_slice %arg7[%add3A_49, %dma_start3A_50] : memref<10240x64xf32, #tpu.memory_space<vmem_shared>> -> memref<128x64xf32, #tpu.memory_space<vmem_shared>>
        %dma_start3A_52 = arith.constant 0 : i32
        %dma_start3A_53 = tpu.memref_slice %arg7[%add3A_49, %dma_start3A_52] : memref<10240x64xf32, #tpu.memory_space<vmem_shared>> -> memref<128x64xf32, #tpu.memory_space<vmem_shared>>
        tpu.enqueue_dma source(%arg10 : memref<128x64xf32, #tpu.memory_space<vmem>>) target(%dma_start3A_53 : memref<128x64xf32, #tpu.memory_space<vmem_shared>>) target_semaphore(%run_scoped3A : memref<!tpu.dma_semaphore, #tpu.memory_space<semaphore_mem>>)
        %dma_wait3A = arith.constant 0 : i32
        %dma_wait3A_54 = tpu.memref_slice %arg7[%add3A_49, %dma_wait3A] : memref<10240x64xf32, #tpu.memory_space<vmem_shared>> -> memref<128x64xf32, #tpu.memory_space<vmem_shared>>
        %dma_wait3A_55 = arith.constant 0 : i32
        %dma_wait3A_56 = tpu.memref_slice %arg7[%add3A_49, %dma_wait3A_55] : memref<10240x64xf32, #tpu.memory_space<vmem_shared>> -> memref<128x64xf32, #tpu.memory_space<vmem_shared>>
        tpu.wait_dma2 semaphore(%run_scoped3A : memref<!tpu.dma_semaphore, #tpu.memory_space<semaphore_mem>>) src(%arg10 : memref<128x64xf32, #tpu.memory_space<vmem>>) dst(%dma_wait3A_56 : memref<128x64xf32, #tpu.memory_space<vmem_shared>>)
        tpu.yield
      }) : () -> ()
    }
    %scan3A_9 = arith.constant 5 : i32
    %mul3A = arith.constant 640 : i32
    %mul3A_10 = arith.muli %arg1, %mul3A : i32
    %mul3A_11 = arith.constant 640 : i32
    %mul3A_12 = arith.muli %arg1, %mul3A_11 : i32
    "tpu.region"() ({
      %run_scoped3A = tpu.sem_alloc : memref<!tpu.dma_semaphore, #tpu.memory_space<semaphore_mem>>
      %dma_start3A_41 = arith.constant 0 : i32
      %dma_start3A_42 = tpu.memref_slice %arg6[%mul3A_12, %dma_start3A_41] : memref<10240x64xf32, #tpu.memory_space<vmem_shared>> -> memref<640x64xf32, #tpu.memory_space<vmem_shared>>
      %dma_start3A_43 = arith.constant 0 : i32
      %dma_start3A_44 = tpu.memref_slice %arg2[%arg0, %mul3A_10, %dma_start3A_43] : memref<2x10240x64xf32, #tpu.memory_space<hbm>> -> memref<1x640x64xf32, #tpu.memory_space<hbm>>
      %dma_start3A_45 = tpu.memref_squeeze %dma_start3A_44 : memref<1x640x64xf32, #tpu.memory_space<hbm>> -> memref<640x64xf32, #tpu.memory_space<hbm>>
      tpu.enqueue_dma source(%dma_start3A_45 : memref<640x64xf32, #tpu.memory_space<hbm>>) target(%dma_start3A_42 : memref<640x64xf32, #tpu.memory_space<vmem_shared>>) target_semaphore(%run_scoped3A : memref<!tpu.dma_semaphore, #tpu.memory_space<semaphore_mem>>)
      %dma_wait3A = arith.constant 0 : i32
      %dma_wait3A_46 = tpu.memref_slice %arg6[%mul3A_12, %dma_wait3A] : memref<10240x64xf32, #tpu.memory_space<vmem_shared>> -> memref<640x64xf32, #tpu.memory_space<vmem_shared>>
      %dma_wait3A_47 = arith.constant 0 : i32
      %dma_wait3A_48 = tpu.memref_slice %arg2[%arg0, %mul3A_10, %dma_wait3A_47] : memref<2x10240x64xf32, #tpu.memory_space<hbm>> -> memref<1x640x64xf32, #tpu.memory_space<hbm>>
      %dma_wait3A_49 = tpu.memref_squeeze %dma_wait3A_48 : memref<1x640x64xf32, #tpu.memory_space<hbm>> -> memref<640x64xf32, #tpu.memory_space<hbm>>
      tpu.wait_dma2 semaphore(%run_scoped3A : memref<!tpu.dma_semaphore, #tpu.memory_space<semaphore_mem>>) src(%dma_wait3A_49 : memref<640x64xf32, #tpu.memory_space<hbm>>) dst(%dma_wait3A_46 : memref<640x64xf32, #tpu.memory_space<vmem_shared>>)
      tpu.yield
    }) : () -> ()
    %barrier3A = arith.constant 0 : index
    tpu.barrier barrier_id(%barrier3A)
    "tpu.region"() ({
      %run_scoped3A = tpu.sem_alloc : memref<!tpu.dma_semaphore, #tpu.memory_space<semaphore_mem>>
      %dma_start3A_41 = arith.constant 0 : i32
      %dma_start3A_42 = arith.constant 0 : i32
      %dma_start3A_43 = tpu.memref_slice %arg3[%arg1, %dma_start3A_41, %dma_start3A_42] : memref<16x160x128xi32, #tpu.memory_space<hbm>> -> memref<1x80x128xi32, #tpu.memory_space<hbm>>
      %dma_start3A_44 = tpu.memref_squeeze %dma_start3A_43 : memref<1x80x128xi32, #tpu.memory_space<hbm>> -> memref<80x128xi32, #tpu.memory_space<hbm>>
      %dma_start3A_45 = arith.constant 0 : i32
      %dma_start3A_46 = arith.constant 0 : i32
      %dma_start3A_47 = tpu.memref_slice %arg3[%arg1, %dma_start3A_45, %dma_start3A_46] : memref<16x160x128xi32, #tpu.memory_space<hbm>> -> memref<1x80x128xi32, #tpu.memory_space<hbm>>
      %dma_start3A_48 = tpu.memref_squeeze %dma_start3A_47 : memref<1x80x128xi32, #tpu.memory_space<hbm>> -> memref<80x128xi32, #tpu.memory_space<hbm>>
      tpu.enqueue_dma source(%dma_start3A_48 : memref<80x128xi32, #tpu.memory_space<hbm>>) target(%arg8 : memref<80x128xi32, #tpu.memory_space<vmem>>) target_semaphore(%run_scoped3A : memref<!tpu.dma_semaphore, #tpu.memory_space<semaphore_mem>>)
      %dma_wait3A = arith.constant 0 : i32
      %dma_wait3A_49 = arith.constant 0 : i32
      %dma_wait3A_50 = tpu.memref_slice %arg3[%arg1, %dma_wait3A, %dma_wait3A_49] : memref<16x160x128xi32, #tpu.memory_space<hbm>> -> memref<1x80x128xi32, #tpu.memory_space<hbm>>
      %dma_wait3A_51 = tpu.memref_squeeze %dma_wait3A_50 : memref<1x80x128xi32, #tpu.memory_space<hbm>> -> memref<80x128xi32, #tpu.memory_space<hbm>>
      %dma_wait3A_52 = arith.constant 0 : i32
      %dma_wait3A_53 = arith.constant 0 : i32
      %dma_wait3A_54 = tpu.memref_slice %arg3[%arg1, %dma_wait3A_52, %dma_wait3A_53] : memref<16x160x128xi32, #tpu.memory_space<hbm>> -> memref<1x80x128xi32, #tpu.memory_space<hbm>>
      %dma_wait3A_55 = tpu.memref_squeeze %dma_wait3A_54 : memref<1x80x128xi32, #tpu.memory_space<hbm>> -> memref<80x128xi32, #tpu.memory_space<hbm>>
      tpu.wait_dma2 semaphore(%run_scoped3A : memref<!tpu.dma_semaphore, #tpu.memory_space<semaphore_mem>>) src(%dma_wait3A_55 : memref<80x128xi32, #tpu.memory_space<hbm>>) dst(%arg8 : memref<80x128xi32, #tpu.memory_space<vmem>>)
      tpu.yield
    }) : () -> ()
    "tpu.region"() ({
      %run_scoped3A = tpu.sem_alloc : memref<!tpu.dma_semaphore, #tpu.memory_space<semaphore_mem>>
      %dma_start3A_41 = arith.constant 0 : i32
      %dma_start3A_42 = arith.constant 0 : i32
      %dma_start3A_43 = tpu.memref_slice %arg4[%arg1, %dma_start3A_41, %dma_start3A_42] : memref<16x160x128xi32, #tpu.memory_space<hbm>> -> memref<1x80x128xi32, #tpu.memory_space<hbm>>
      %dma_start3A_44 = tpu.memref_squeeze %dma_start3A_43 : memref<1x80x128xi32, #tpu.memory_space<hbm>> -> memref<80x128xi32, #tpu.memory_space<hbm>>
      %dma_start3A_45 = arith.constant 0 : i32
      %dma_start3A_46 = arith.constant 0 : i32
      %dma_start3A_47 = tpu.memref_slice %arg4[%arg1, %dma_start3A_45, %dma_start3A_46] : memref<16x160x128xi32, #tpu.memory_space<hbm>> -> memref<1x80x128xi32, #tpu.memory_space<hbm>>
      %dma_start3A_48 = tpu.memref_squeeze %dma_start3A_47 : memref<1x80x128xi32, #tpu.memory_space<hbm>> -> memref<80x128xi32, #tpu.memory_space<hbm>>
      tpu.enqueue_dma source(%dma_start3A_48 : memref<80x128xi32, #tpu.memory_space<hbm>>) target(%arg9 : memref<80x128xi32, #tpu.memory_space<vmem>>) target_semaphore(%run_scoped3A : memref<!tpu.dma_semaphore, #tpu.memory_space<semaphore_mem>>)
      %dma_wait3A = arith.constant 0 : i32
      %dma_wait3A_49 = arith.constant 0 : i32
      %dma_wait3A_50 = tpu.memref_slice %arg4[%arg1, %dma_wait3A, %dma_wait3A_49] : memref<16x160x128xi32, #tpu.memory_space<hbm>> -> memref<1x80x128xi32, #tpu.memory_space<hbm>>
      %dma_wait3A_51 = tpu.memref_squeeze %dma_wait3A_50 : memref<1x80x128xi32, #tpu.memory_space<hbm>> -> memref<80x128xi32, #tpu.memory_space<hbm>>
      %dma_wait3A_52 = arith.constant 0 : i32
      %dma_wait3A_53 = arith.constant 0 : i32
      %dma_wait3A_54 = tpu.memref_slice %arg4[%arg1, %dma_wait3A_52, %dma_wait3A_53] : memref<16x160x128xi32, #tpu.memory_space<hbm>> -> memref<1x80x128xi32, #tpu.memory_space<hbm>>
      %dma_wait3A_55 = tpu.memref_squeeze %dma_wait3A_54 : memref<1x80x128xi32, #tpu.memory_space<hbm>> -> memref<80x128xi32, #tpu.memory_space<hbm>>
      tpu.wait_dma2 semaphore(%run_scoped3A : memref<!tpu.dma_semaphore, #tpu.memory_space<semaphore_mem>>) src(%dma_wait3A_55 : memref<80x128xi32, #tpu.memory_space<hbm>>) dst(%arg9 : memref<80x128xi32, #tpu.memory_space<vmem>>)
      tpu.yield
    }) : () -> ()
    %dma_start3A = arith.constant 0 : i32
    %dma_start3A_13 = arith.constant 0 : i32
    %dma_start3A_14 = tpu.memref_slice %arg8[%dma_start3A, %dma_start3A_13] : memref<80x128xi32, #tpu.memory_space<vmem>> -> memref<1x128xi32, #tpu.memory_space<vmem>>
    %dma_start3A_15 = tpu.memref_squeeze %dma_start3A_14 : memref<1x128xi32, #tpu.memory_space<vmem>> -> memref<128xi32, #tpu.memory_space<vmem>>
    %dma_start3A_16 = arith.constant 0 : i32
    %dma_start3A_17 = arith.constant 0 : i32
    %dma_start3A_18 = tpu.memref_slice %arg6[%dma_start3A_16, %dma_start3A_17] : memref<10240x64xf32, #tpu.memory_space<vmem_shared>> -> memref<10240x64xf32, #tpu.memory_space<vmem_shared>>
    tpu.enqueue_indirect_dma source(%dma_start3A_18 : memref<10240x64xf32, #tpu.memory_space<vmem_shared>>) target(%arg10 : memref<128x64xf32, #tpu.memory_space<vmem>>) offsets(%dma_start3A_15 : memref<128xi32, #tpu.memory_space<vmem>>) semaphore(%arg12 : memref<!tpu.dma_semaphore, #tpu.memory_space<semaphore_mem>>)
    %scan3A_19 = arith.constant 0 : i32
    %scan3A_20 = arith.constant 40 : i32
    %scan3A_21 = arith.addi %scan3A_19, %scan3A_20 : i32
    %scan3A_22 = arith.constant 1 : i32
    scf.for %scan3A_41 = %scan3A_19 to %scan3A_21 step %scan3A_22  : i32 {
      %mul3A_42 = arith.constant 2 : i32
      %mul3A_43 = arith.muli %scan3A_41, %mul3A_42 : i32
      %add3A = arith.constant 0 : i32
      %add3A_44 = arith.addi %add3A, %mul3A_43 : i32
      %add3A_45 = arith.constant 0 : i32
      %add3A_46 = arith.addi %add3A_44, %add3A_45 : i32
      %dma_wait3A = arith.constant 0 : i32
      %dma_wait3A_47 = tpu.memref_slice %arg8[%add3A_46, %dma_wait3A] : memref<80x128xi32, #tpu.memory_space<vmem>> -> memref<1x128xi32, #tpu.memory_space<vmem>>
      %dma_wait3A_48 = tpu.memref_squeeze %dma_wait3A_47 : memref<1x128xi32, #tpu.memory_space<vmem>> -> memref<128xi32, #tpu.memory_space<vmem>>
      %dma_wait3A_49 = arith.constant 0 : i32
      %dma_wait3A_50 = arith.constant 0 : i32
      %dma_wait3A_51 = tpu.memref_slice %arg6[%dma_wait3A_49, %dma_wait3A_50] : memref<10240x64xf32, #tpu.memory_space<vmem_shared>> -> memref<10240x64xf32, #tpu.memory_space<vmem_shared>>
      tpu.wait_indirect_dma semaphore(%arg12 : memref<!tpu.dma_semaphore, #tpu.memory_space<semaphore_mem>>) src(%dma_wait3A_51 : memref<10240x64xf32, #tpu.memory_space<vmem_shared>>) dst(%arg10 : memref<128x64xf32, #tpu.memory_space<vmem>>)
      %add3A_52 = arith.constant 1 : i32
      %add3A_53 = arith.addi %add3A_46, %add3A_52 : i32
      %lt3A = arith.constant 80 : i32
      %lt3A_54 = arith.cmpi slt, %add3A_53, %lt3A : i32
      %convert_element_type3A = arith.extui %lt3A_54 : i1 to i32
      %cond3A = arith.constant 0 : i32
      %cond3A_55 = arith.cmpi ne, %convert_element_type3A, %cond3A : i32
      scf.if %cond3A_55 {
        %add3A_71 = arith.constant 1 : i32
        %add3A_72 = arith.addi %add3A_46, %add3A_71 : i32
        %dma_start3A_73 = arith.constant 0 : i32
        %dma_start3A_74 = tpu.memref_slice %arg8[%add3A_72, %dma_start3A_73] : memref<80x128xi32, #tpu.memory_space<vmem>> -> memref<1x128xi32, #tpu.memory_space<vmem>>
        %dma_start3A_75 = tpu.memref_squeeze %dma_start3A_74 : memref<1x128xi32, #tpu.memory_space<vmem>> -> memref<128xi32, #tpu.memory_space<vmem>>
        %dma_start3A_76 = arith.constant 0 : i32
        %dma_start3A_77 = arith.constant 0 : i32
        %dma_start3A_78 = tpu.memref_slice %arg6[%dma_start3A_76, %dma_start3A_77] : memref<10240x64xf32, #tpu.memory_space<vmem_shared>> -> memref<10240x64xf32, #tpu.memory_space<vmem_shared>>
        tpu.enqueue_indirect_dma source(%dma_start3A_78 : memref<10240x64xf32, #tpu.memory_space<vmem_shared>>) target(%arg11 : memref<128x64xf32, #tpu.memory_space<vmem>>) offsets(%dma_start3A_75 : memref<128xi32, #tpu.memory_space<vmem>>) semaphore(%arg13 : memref<!tpu.dma_semaphore, #tpu.memory_space<semaphore_mem>>)
      } else {
      }
      "tpu.region"() ({
        %run_scoped3A = tpu.sem_alloc : memref<!tpu.dma_semaphore, #tpu.memory_space<semaphore_mem>>
        %dma_start3A_71 = arith.constant 0 : i32
        %dma_start3A_72 = tpu.memref_slice %arg9[%add3A_46, %dma_start3A_71] : memref<80x128xi32, #tpu.memory_space<vmem>> -> memref<1x128xi32, #tpu.memory_space<vmem>>
        %dma_start3A_73 = tpu.memref_squeeze %dma_start3A_72 : memref<1x128xi32, #tpu.memory_space<vmem>> -> memref<128xi32, #tpu.memory_space<vmem>>
        %dma_start3A_74 = arith.constant 0 : i32
        %dma_start3A_75 = arith.constant 0 : i32
        %dma_start3A_76 = tpu.memref_slice %arg7[%dma_start3A_74, %dma_start3A_75] : memref<10240x64xf32, #tpu.memory_space<vmem_shared>> -> memref<10240x64xf32, #tpu.memory_space<vmem_shared>>
        tpu.enqueue_indirect_dma source(%arg10 : memref<128x64xf32, #tpu.memory_space<vmem>>) target(%dma_start3A_76 : memref<10240x64xf32, #tpu.memory_space<vmem_shared>>) offsets(%dma_start3A_73 : memref<128xi32, #tpu.memory_space<vmem>>) semaphore(%run_scoped3A : memref<!tpu.dma_semaphore, #tpu.memory_space<semaphore_mem>>) {add = true}
        %dma_wait3A_77 = arith.constant 0 : i32
        %dma_wait3A_78 = tpu.memref_slice %arg9[%add3A_46, %dma_wait3A_77] : memref<80x128xi32, #tpu.memory_space<vmem>> -> memref<1x128xi32, #tpu.memory_space<vmem>>
        %dma_wait3A_79 = tpu.memref_squeeze %dma_wait3A_78 : memref<1x128xi32, #tpu.memory_space<vmem>> -> memref<128xi32, #tpu.memory_space<vmem>>
        %dma_wait3A_80 = arith.constant 0 : i32
        %dma_wait3A_81 = arith.constant 0 : i32
        %dma_wait3A_82 = tpu.memref_slice %arg7[%dma_wait3A_80, %dma_wait3A_81] : memref<10240x64xf32, #tpu.memory_space<vmem_shared>> -> memref<10240x64xf32, #tpu.memory_space<vmem_shared>>
        tpu.wait_indirect_dma semaphore(%run_scoped3A : memref<!tpu.dma_semaphore, #tpu.memory_space<semaphore_mem>>) src(%arg10 : memref<128x64xf32, #tpu.memory_space<vmem>>) dst(%dma_wait3A_82 : memref<10240x64xf32, #tpu.memory_space<vmem_shared>>)
        tpu.yield
      }) : () -> ()
      %add3A_56 = arith.constant 1 : i32
      %add3A_57 = arith.addi %add3A_44, %add3A_56 : i32
      %dma_wait3A_58 = arith.constant 0 : i32
      %dma_wait3A_59 = tpu.memref_slice %arg8[%add3A_57, %dma_wait3A_58] : memref<80x128xi32, #tpu.memory_space<vmem>> -> memref<1x128xi32, #tpu.memory_space<vmem>>
      %dma_wait3A_60 = tpu.memref_squeeze %dma_wait3A_59 : memref<1x128xi32, #tpu.memory_space<vmem>> -> memref<128xi32, #tpu.memory_space<vmem>>
      %dma_wait3A_61 = arith.constant 0 : i32
      %dma_wait3A_62 = arith.constant 0 : i32
      %dma_wait3A_63 = tpu.memref_slice %arg6[%dma_wait3A_61, %dma_wait3A_62] : memref<10240x64xf32, #tpu.memory_space<vmem_shared>> -> memref<10240x64xf32, #tpu.memory_space<vmem_shared>>
      tpu.wait_indirect_dma semaphore(%arg13 : memref<!tpu.dma_semaphore, #tpu.memory_space<semaphore_mem>>) src(%dma_wait3A_63 : memref<10240x64xf32, #tpu.memory_space<vmem_shared>>) dst(%arg11 : memref<128x64xf32, #tpu.memory_space<vmem>>)
      %add3A_64 = arith.constant 1 : i32
      %add3A_65 = arith.addi %add3A_57, %add3A_64 : i32
      %lt3A_66 = arith.constant 80 : i32
      %lt3A_67 = arith.cmpi slt, %add3A_65, %lt3A_66 : i32
      %convert_element_type3A_68 = arith.extui %lt3A_67 : i1 to i32
      %cond3A_69 = arith.constant 0 : i32
      %cond3A_70 = arith.cmpi ne, %convert_element_type3A_68, %cond3A_69 : i32
      scf.if %cond3A_70 {
        %add3A_71 = arith.constant 1 : i32
        %add3A_72 = arith.addi %add3A_57, %add3A_71 : i32
        %dma_start3A_73 = arith.constant 0 : i32
        %dma_start3A_74 = tpu.memref_slice %arg8[%add3A_72, %dma_start3A_73] : memref<80x128xi32, #tpu.memory_space<vmem>> -> memref<1x128xi32, #tpu.memory_space<vmem>>
        %dma_start3A_75 = tpu.memref_squeeze %dma_start3A_74 : memref<1x128xi32, #tpu.memory_space<vmem>> -> memref<128xi32, #tpu.memory_space<vmem>>
        %dma_start3A_76 = arith.constant 0 : i32
        %dma_start3A_77 = arith.constant 0 : i32
        %dma_start3A_78 = tpu.memref_slice %arg6[%dma_start3A_76, %dma_start3A_77] : memref<10240x64xf32, #tpu.memory_space<vmem_shared>> -> memref<10240x64xf32, #tpu.memory_space<vmem_shared>>
        tpu.enqueue_indirect_dma source(%dma_start3A_78 : memref<10240x64xf32, #tpu.memory_space<vmem_shared>>) target(%arg10 : memref<128x64xf32, #tpu.memory_space<vmem>>) offsets(%dma_start3A_75 : memref<128xi32, #tpu.memory_space<vmem>>) semaphore(%arg12 : memref<!tpu.dma_semaphore, #tpu.memory_space<semaphore_mem>>)
      } else {
      }
      "tpu.region"() ({
        %run_scoped3A = tpu.sem_alloc : memref<!tpu.dma_semaphore, #tpu.memory_space<semaphore_mem>>
        %dma_start3A_71 = arith.constant 0 : i32
        %dma_start3A_72 = tpu.memref_slice %arg9[%add3A_57, %dma_start3A_71] : memref<80x128xi32, #tpu.memory_space<vmem>> -> memref<1x128xi32, #tpu.memory_space<vmem>>
        %dma_start3A_73 = tpu.memref_squeeze %dma_start3A_72 : memref<1x128xi32, #tpu.memory_space<vmem>> -> memref<128xi32, #tpu.memory_space<vmem>>
        %dma_start3A_74 = arith.constant 0 : i32
        %dma_start3A_75 = arith.constant 0 : i32
        %dma_start3A_76 = tpu.memref_slice %arg7[%dma_start3A_74, %dma_start3A_75] : memref<10240x64xf32, #tpu.memory_space<vmem_shared>> -> memref<10240x64xf32, #tpu.memory_space<vmem_shared>>
        tpu.enqueue_indirect_dma source(%arg11 : memref<128x64xf32, #tpu.memory_space<vmem>>) target(%dma_start3A_76 : memref<10240x64xf32, #tpu.memory_space<vmem_shared>>) offsets(%dma_start3A_73 : memref<128xi32, #tpu.memory_space<vmem>>) semaphore(%run_scoped3A : memref<!tpu.dma_semaphore, #tpu.memory_space<semaphore_mem>>) {add = true}
        %dma_wait3A_77 = arith.constant 0 : i32
        %dma_wait3A_78 = tpu.memref_slice %arg9[%add3A_57, %dma_wait3A_77] : memref<80x128xi32, #tpu.memory_space<vmem>> -> memref<1x128xi32, #tpu.memory_space<vmem>>
        %dma_wait3A_79 = tpu.memref_squeeze %dma_wait3A_78 : memref<1x128xi32, #tpu.memory_space<vmem>> -> memref<128xi32, #tpu.memory_space<vmem>>
        %dma_wait3A_80 = arith.constant 0 : i32
        %dma_wait3A_81 = arith.constant 0 : i32
        %dma_wait3A_82 = tpu.memref_slice %arg7[%dma_wait3A_80, %dma_wait3A_81] : memref<10240x64xf32, #tpu.memory_space<vmem_shared>> -> memref<10240x64xf32, #tpu.memory_space<vmem_shared>>
        tpu.wait_indirect_dma semaphore(%run_scoped3A : memref<!tpu.dma_semaphore, #tpu.memory_space<semaphore_mem>>) src(%arg11 : memref<128x64xf32, #tpu.memory_space<vmem>>) dst(%dma_wait3A_82 : memref<10240x64xf32, #tpu.memory_space<vmem_shared>>)
        tpu.yield
      }) : () -> ()
    }
    %scan3A_23 = arith.constant 40 : i32
    "tpu.region"() ({
      %run_scoped3A = tpu.sem_alloc : memref<!tpu.dma_semaphore, #tpu.memory_space<semaphore_mem>>
      %dma_start3A_41 = arith.constant 80 : i32
      %dma_start3A_42 = arith.constant 0 : i32
      %dma_start3A_43 = tpu.memref_slice %arg3[%arg1, %dma_start3A_41, %dma_start3A_42] : memref<16x160x128xi32, #tpu.memory_space<hbm>> -> memref<1x80x128xi32, #tpu.memory_space<hbm>>
      %dma_start3A_44 = tpu.memref_squeeze %dma_start3A_43 : memref<1x80x128xi32, #tpu.memory_space<hbm>> -> memref<80x128xi32, #tpu.memory_space<hbm>>
      %dma_start3A_45 = arith.constant 80 : i32
      %dma_start3A_46 = arith.constant 0 : i32
      %dma_start3A_47 = tpu.memref_slice %arg3[%arg1, %dma_start3A_45, %dma_start3A_46] : memref<16x160x128xi32, #tpu.memory_space<hbm>> -> memref<1x80x128xi32, #tpu.memory_space<hbm>>
      %dma_start3A_48 = tpu.memref_squeeze %dma_start3A_47 : memref<1x80x128xi32, #tpu.memory_space<hbm>> -> memref<80x128xi32, #tpu.memory_space<hbm>>
      tpu.enqueue_dma source(%dma_start3A_48 : memref<80x128xi32, #tpu.memory_space<hbm>>) target(%arg8 : memref<80x128xi32, #tpu.memory_space<vmem>>) target_semaphore(%run_scoped3A : memref<!tpu.dma_semaphore, #tpu.memory_space<semaphore_mem>>)
      %dma_wait3A = arith.constant 80 : i32
      %dma_wait3A_49 = arith.constant 0 : i32
      %dma_wait3A_50 = tpu.memref_slice %arg3[%arg1, %dma_wait3A, %dma_wait3A_49] : memref<16x160x128xi32, #tpu.memory_space<hbm>> -> memref<1x80x128xi32, #tpu.memory_space<hbm>>
      %dma_wait3A_51 = tpu.memref_squeeze %dma_wait3A_50 : memref<1x80x128xi32, #tpu.memory_space<hbm>> -> memref<80x128xi32, #tpu.memory_space<hbm>>
      %dma_wait3A_52 = arith.constant 80 : i32
      %dma_wait3A_53 = arith.constant 0 : i32
      %dma_wait3A_54 = tpu.memref_slice %arg3[%arg1, %dma_wait3A_52, %dma_wait3A_53] : memref<16x160x128xi32, #tpu.memory_space<hbm>> -> memref<1x80x128xi32, #tpu.memory_space<hbm>>
      %dma_wait3A_55 = tpu.memref_squeeze %dma_wait3A_54 : memref<1x80x128xi32, #tpu.memory_space<hbm>> -> memref<80x128xi32, #tpu.memory_space<hbm>>
      tpu.wait_dma2 semaphore(%run_scoped3A : memref<!tpu.dma_semaphore, #tpu.memory_space<semaphore_mem>>) src(%dma_wait3A_55 : memref<80x128xi32, #tpu.memory_space<hbm>>) dst(%arg8 : memref<80x128xi32, #tpu.memory_space<vmem>>)
      tpu.yield
    }) : () -> ()
    "tpu.region"() ({
      %run_scoped3A = tpu.sem_alloc : memref<!tpu.dma_semaphore, #tpu.memory_space<semaphore_mem>>
      %dma_start3A_41 = arith.constant 80 : i32
      %dma_start3A_42 = arith.constant 0 : i32
      %dma_start3A_43 = tpu.memref_slice %arg4[%arg1, %dma_start3A_41, %dma_start3A_42] : memref<16x160x128xi32, #tpu.memory_space<hbm>> -> memref<1x80x128xi32, #tpu.memory_space<hbm>>
      %dma_start3A_44 = tpu.memref_squeeze %dma_start3A_43 : memref<1x80x128xi32, #tpu.memory_space<hbm>> -> memref<80x128xi32, #tpu.memory_space<hbm>>
      %dma_start3A_45 = arith.constant 80 : i32
      %dma_start3A_46 = arith.constant 0 : i32
      %dma_start3A_47 = tpu.memref_slice %arg4[%arg1, %dma_start3A_45, %dma_start3A_46] : memref<16x160x128xi32, #tpu.memory_space<hbm>> -> memref<1x80x128xi32, #tpu.memory_space<hbm>>
      %dma_start3A_48 = tpu.memref_squeeze %dma_start3A_47 : memref<1x80x128xi32, #tpu.memory_space<hbm>> -> memref<80x128xi32, #tpu.memory_space<hbm>>
      tpu.enqueue_dma source(%dma_start3A_48 : memref<80x128xi32, #tpu.memory_space<hbm>>) target(%arg9 : memref<80x128xi32, #tpu.memory_space<vmem>>) target_semaphore(%run_scoped3A : memref<!tpu.dma_semaphore, #tpu.memory_space<semaphore_mem>>)
      %dma_wait3A = arith.constant 80 : i32
      %dma_wait3A_49 = arith.constant 0 : i32
      %dma_wait3A_50 = tpu.memref_slice %arg4[%arg1, %dma_wait3A, %dma_wait3A_49] : memref<16x160x128xi32, #tpu.memory_space<hbm>> -> memref<1x80x128xi32, #tpu.memory_space<hbm>>
      %dma_wait3A_51 = tpu.memref_squeeze %dma_wait3A_50 : memref<1x80x128xi32, #tpu.memory_space<hbm>> -> memref<80x128xi32, #tpu.memory_space<hbm>>
      %dma_wait3A_52 = arith.constant 80 : i32
      %dma_wait3A_53 = arith.constant 0 : i32
      %dma_wait3A_54 = tpu.memref_slice %arg4[%arg1, %dma_wait3A_52, %dma_wait3A_53] : memref<16x160x128xi32, #tpu.memory_space<hbm>> -> memref<1x80x128xi32, #tpu.memory_space<hbm>>
      %dma_wait3A_55 = tpu.memref_squeeze %dma_wait3A_54 : memref<1x80x128xi32, #tpu.memory_space<hbm>> -> memref<80x128xi32, #tpu.memory_space<hbm>>
      tpu.wait_dma2 semaphore(%run_scoped3A : memref<!tpu.dma_semaphore, #tpu.memory_space<semaphore_mem>>) src(%dma_wait3A_55 : memref<80x128xi32, #tpu.memory_space<hbm>>) dst(%arg9 : memref<80x128xi32, #tpu.memory_space<vmem>>)
      tpu.yield
    }) : () -> ()
    %dma_start3A_24 = arith.constant 0 : i32
    %dma_start3A_25 = arith.constant 0 : i32
    %dma_start3A_26 = tpu.memref_slice %arg8[%dma_start3A_24, %dma_start3A_25] : memref<80x128xi32, #tpu.memory_space<vmem>> -> memref<1x128xi32, #tpu.memory_space<vmem>>
    %dma_start3A_27 = tpu.memref_squeeze %dma_start3A_26 : memref<1x128xi32, #tpu.memory_space<vmem>> -> memref<128xi32, #tpu.memory_space<vmem>>
    %dma_start3A_28 = arith.constant 0 : i32
    %dma_start3A_29 = arith.constant 0 : i32
    %dma_start3A_30 = tpu.memref_slice %arg6[%dma_start3A_28, %dma_start3A_29] : memref<10240x64xf32, #tpu.memory_space<vmem_shared>> -> memref<10240x64xf32, #tpu.memory_space<vmem_shared>>
    tpu.enqueue_indirect_dma source(%dma_start3A_30 : memref<10240x64xf32, #tpu.memory_space<vmem_shared>>) target(%arg10 : memref<128x64xf32, #tpu.memory_space<vmem>>) offsets(%dma_start3A_27 : memref<128xi32, #tpu.memory_space<vmem>>) semaphore(%arg12 : memref<!tpu.dma_semaphore, #tpu.memory_space<semaphore_mem>>)
    %scan3A_31 = arith.constant 0 : i32
    %scan3A_32 = arith.constant 40 : i32
    %scan3A_33 = arith.addi %scan3A_31, %scan3A_32 : i32
    %scan3A_34 = arith.constant 1 : i32
    scf.for %scan3A_41 = %scan3A_31 to %scan3A_33 step %scan3A_34  : i32 {
      %mul3A_42 = arith.constant 2 : i32
      %mul3A_43 = arith.muli %scan3A_41, %mul3A_42 : i32
      %add3A = arith.constant 0 : i32
      %add3A_44 = arith.addi %add3A, %mul3A_43 : i32
      %add3A_45 = arith.constant 0 : i32
      %add3A_46 = arith.addi %add3A_44, %add3A_45 : i32
      %dma_wait3A = arith.constant 0 : i32
      %dma_wait3A_47 = tpu.memref_slice %arg8[%add3A_46, %dma_wait3A] : memref<80x128xi32, #tpu.memory_space<vmem>> -> memref<1x128xi32, #tpu.memory_space<vmem>>
      %dma_wait3A_48 = tpu.memref_squeeze %dma_wait3A_47 : memref<1x128xi32, #tpu.memory_space<vmem>> -> memref<128xi32, #tpu.memory_space<vmem>>
      %dma_wait3A_49 = arith.constant 0 : i32
      %dma_wait3A_50 = arith.constant 0 : i32
      %dma_wait3A_51 = tpu.memref_slice %arg6[%dma_wait3A_49, %dma_wait3A_50] : memref<10240x64xf32, #tpu.memory_space<vmem_shared>> -> memref<10240x64xf32, #tpu.memory_space<vmem_shared>>
      tpu.wait_indirect_dma semaphore(%arg12 : memref<!tpu.dma_semaphore, #tpu.memory_space<semaphore_mem>>) src(%dma_wait3A_51 : memref<10240x64xf32, #tpu.memory_space<vmem_shared>>) dst(%arg10 : memref<128x64xf32, #tpu.memory_space<vmem>>)
      %add3A_52 = arith.constant 1 : i32
      %add3A_53 = arith.addi %add3A_46, %add3A_52 : i32
      %lt3A = arith.constant 80 : i32
      %lt3A_54 = arith.cmpi slt, %add3A_53, %lt3A : i32
      %convert_element_type3A = arith.extui %lt3A_54 : i1 to i32
      %cond3A = arith.constant 0 : i32
      %cond3A_55 = arith.cmpi ne, %convert_element_type3A, %cond3A : i32
      scf.if %cond3A_55 {
        %add3A_71 = arith.constant 1 : i32
        %add3A_72 = arith.addi %add3A_46, %add3A_71 : i32
        %dma_start3A_73 = arith.constant 0 : i32
        %dma_start3A_74 = tpu.memref_slice %arg8[%add3A_72, %dma_start3A_73] : memref<80x128xi32, #tpu.memory_space<vmem>> -> memref<1x128xi32, #tpu.memory_space<vmem>>
        %dma_start3A_75 = tpu.memref_squeeze %dma_start3A_74 : memref<1x128xi32, #tpu.memory_space<vmem>> -> memref<128xi32, #tpu.memory_space<vmem>>
        %dma_start3A_76 = arith.constant 0 : i32
        %dma_start3A_77 = arith.constant 0 : i32
        %dma_start3A_78 = tpu.memref_slice %arg6[%dma_start3A_76, %dma_start3A_77] : memref<10240x64xf32, #tpu.memory_space<vmem_shared>> -> memref<10240x64xf32, #tpu.memory_space<vmem_shared>>
        tpu.enqueue_indirect_dma source(%dma_start3A_78 : memref<10240x64xf32, #tpu.memory_space<vmem_shared>>) target(%arg11 : memref<128x64xf32, #tpu.memory_space<vmem>>) offsets(%dma_start3A_75 : memref<128xi32, #tpu.memory_space<vmem>>) semaphore(%arg13 : memref<!tpu.dma_semaphore, #tpu.memory_space<semaphore_mem>>)
      } else {
      }
      "tpu.region"() ({
        %run_scoped3A = tpu.sem_alloc : memref<!tpu.dma_semaphore, #tpu.memory_space<semaphore_mem>>
        %dma_start3A_71 = arith.constant 0 : i32
        %dma_start3A_72 = tpu.memref_slice %arg9[%add3A_46, %dma_start3A_71] : memref<80x128xi32, #tpu.memory_space<vmem>> -> memref<1x128xi32, #tpu.memory_space<vmem>>
        %dma_start3A_73 = tpu.memref_squeeze %dma_start3A_72 : memref<1x128xi32, #tpu.memory_space<vmem>> -> memref<128xi32, #tpu.memory_space<vmem>>
        %dma_start3A_74 = arith.constant 0 : i32
        %dma_start3A_75 = arith.constant 0 : i32
        %dma_start3A_76 = tpu.memref_slice %arg7[%dma_start3A_74, %dma_start3A_75] : memref<10240x64xf32, #tpu.memory_space<vmem_shared>> -> memref<10240x64xf32, #tpu.memory_space<vmem_shared>>
        tpu.enqueue_indirect_dma source(%arg10 : memref<128x64xf32, #tpu.memory_space<vmem>>) target(%dma_start3A_76 : memref<10240x64xf32, #tpu.memory_space<vmem_shared>>) offsets(%dma_start3A_73 : memref<128xi32, #tpu.memory_space<vmem>>) semaphore(%run_scoped3A : memref<!tpu.dma_semaphore, #tpu.memory_space<semaphore_mem>>) {add = true}
        %dma_wait3A_77 = arith.constant 0 : i32
        %dma_wait3A_78 = tpu.memref_slice %arg9[%add3A_46, %dma_wait3A_77] : memref<80x128xi32, #tpu.memory_space<vmem>> -> memref<1x128xi32, #tpu.memory_space<vmem>>
        %dma_wait3A_79 = tpu.memref_squeeze %dma_wait3A_78 : memref<1x128xi32, #tpu.memory_space<vmem>> -> memref<128xi32, #tpu.memory_space<vmem>>
        %dma_wait3A_80 = arith.constant 0 : i32
        %dma_wait3A_81 = arith.constant 0 : i32
        %dma_wait3A_82 = tpu.memref_slice %arg7[%dma_wait3A_80, %dma_wait3A_81] : memref<10240x64xf32, #tpu.memory_space<vmem_shared>> -> memref<10240x64xf32, #tpu.memory_space<vmem_shared>>
        tpu.wait_indirect_dma semaphore(%run_scoped3A : memref<!tpu.dma_semaphore, #tpu.memory_space<semaphore_mem>>) src(%arg10 : memref<128x64xf32, #tpu.memory_space<vmem>>) dst(%dma_wait3A_82 : memref<10240x64xf32, #tpu.memory_space<vmem_shared>>)
        tpu.yield
      }) : () -> ()
      %add3A_56 = arith.constant 1 : i32
      %add3A_57 = arith.addi %add3A_44, %add3A_56 : i32
      %dma_wait3A_58 = arith.constant 0 : i32
      %dma_wait3A_59 = tpu.memref_slice %arg8[%add3A_57, %dma_wait3A_58] : memref<80x128xi32, #tpu.memory_space<vmem>> -> memref<1x128xi32, #tpu.memory_space<vmem>>
      %dma_wait3A_60 = tpu.memref_squeeze %dma_wait3A_59 : memref<1x128xi32, #tpu.memory_space<vmem>> -> memref<128xi32, #tpu.memory_space<vmem>>
      %dma_wait3A_61 = arith.constant 0 : i32
      %dma_wait3A_62 = arith.constant 0 : i32
      %dma_wait3A_63 = tpu.memref_slice %arg6[%dma_wait3A_61, %dma_wait3A_62] : memref<10240x64xf32, #tpu.memory_space<vmem_shared>> -> memref<10240x64xf32, #tpu.memory_space<vmem_shared>>
      tpu.wait_indirect_dma semaphore(%arg13 : memref<!tpu.dma_semaphore, #tpu.memory_space<semaphore_mem>>) src(%dma_wait3A_63 : memref<10240x64xf32, #tpu.memory_space<vmem_shared>>) dst(%arg11 : memref<128x64xf32, #tpu.memory_space<vmem>>)
      %add3A_64 = arith.constant 1 : i32
      %add3A_65 = arith.addi %add3A_57, %add3A_64 : i32
      %lt3A_66 = arith.constant 80 : i32
      %lt3A_67 = arith.cmpi slt, %add3A_65, %lt3A_66 : i32
      %convert_element_type3A_68 = arith.extui %lt3A_67 : i1 to i32
      %cond3A_69 = arith.constant 0 : i32
      %cond3A_70 = arith.cmpi ne, %convert_element_type3A_68, %cond3A_69 : i32
      scf.if %cond3A_70 {
        %add3A_71 = arith.constant 1 : i32
        %add3A_72 = arith.addi %add3A_57, %add3A_71 : i32
        %dma_start3A_73 = arith.constant 0 : i32
        %dma_start3A_74 = tpu.memref_slice %arg8[%add3A_72, %dma_start3A_73] : memref<80x128xi32, #tpu.memory_space<vmem>> -> memref<1x128xi32, #tpu.memory_space<vmem>>
        %dma_start3A_75 = tpu.memref_squeeze %dma_start3A_74 : memref<1x128xi32, #tpu.memory_space<vmem>> -> memref<128xi32, #tpu.memory_space<vmem>>
        %dma_start3A_76 = arith.constant 0 : i32
        %dma_start3A_77 = arith.constant 0 : i32
        %dma_start3A_78 = tpu.memref_slice %arg6[%dma_start3A_76, %dma_start3A_77] : memref<10240x64xf32, #tpu.memory_space<vmem_shared>> -> memref<10240x64xf32, #tpu.memory_space<vmem_shared>>
        tpu.enqueue_indirect_dma source(%dma_start3A_78 : memref<10240x64xf32, #tpu.memory_space<vmem_shared>>) target(%arg10 : memref<128x64xf32, #tpu.memory_space<vmem>>) offsets(%dma_start3A_75 : memref<128xi32, #tpu.memory_space<vmem>>) semaphore(%arg12 : memref<!tpu.dma_semaphore, #tpu.memory_space<semaphore_mem>>)
      } else {
      }
      "tpu.region"() ({
        %run_scoped3A = tpu.sem_alloc : memref<!tpu.dma_semaphore, #tpu.memory_space<semaphore_mem>>
        %dma_start3A_71 = arith.constant 0 : i32
        %dma_start3A_72 = tpu.memref_slice %arg9[%add3A_57, %dma_start3A_71] : memref<80x128xi32, #tpu.memory_space<vmem>> -> memref<1x128xi32, #tpu.memory_space<vmem>>
        %dma_start3A_73 = tpu.memref_squeeze %dma_start3A_72 : memref<1x128xi32, #tpu.memory_space<vmem>> -> memref<128xi32, #tpu.memory_space<vmem>>
        %dma_start3A_74 = arith.constant 0 : i32
        %dma_start3A_75 = arith.constant 0 : i32
        %dma_start3A_76 = tpu.memref_slice %arg7[%dma_start3A_74, %dma_start3A_75] : memref<10240x64xf32, #tpu.memory_space<vmem_shared>> -> memref<10240x64xf32, #tpu.memory_space<vmem_shared>>
        tpu.enqueue_indirect_dma source(%arg11 : memref<128x64xf32, #tpu.memory_space<vmem>>) target(%dma_start3A_76 : memref<10240x64xf32, #tpu.memory_space<vmem_shared>>) offsets(%dma_start3A_73 : memref<128xi32, #tpu.memory_space<vmem>>) semaphore(%run_scoped3A : memref<!tpu.dma_semaphore, #tpu.memory_space<semaphore_mem>>) {add = true}
        %dma_wait3A_77 = arith.constant 0 : i32
        %dma_wait3A_78 = tpu.memref_slice %arg9[%add3A_57, %dma_wait3A_77] : memref<80x128xi32, #tpu.memory_space<vmem>> -> memref<1x128xi32, #tpu.memory_space<vmem>>
        %dma_wait3A_79 = tpu.memref_squeeze %dma_wait3A_78 : memref<1x128xi32, #tpu.memory_space<vmem>> -> memref<128xi32, #tpu.memory_space<vmem>>
        %dma_wait3A_80 = arith.constant 0 : i32
        %dma_wait3A_81 = arith.constant 0 : i32
        %dma_wait3A_82 = tpu.memref_slice %arg7[%dma_wait3A_80, %dma_wait3A_81] : memref<10240x64xf32, #tpu.memory_space<vmem_shared>> -> memref<10240x64xf32, #tpu.memory_space<vmem_shared>>
        tpu.wait_indirect_dma semaphore(%run_scoped3A : memref<!tpu.dma_semaphore, #tpu.memory_space<semaphore_mem>>) src(%arg11 : memref<128x64xf32, #tpu.memory_space<vmem>>) dst(%dma_wait3A_82 : memref<10240x64xf32, #tpu.memory_space<vmem_shared>>)
        tpu.yield
      }) : () -> ()
    }
    %scan3A_35 = arith.constant 40 : i32
    %barrier3A_36 = arith.constant 0 : index
    tpu.barrier barrier_id(%barrier3A_36)
    %mul3A_37 = arith.constant 640 : i32
    %mul3A_38 = arith.muli %arg1, %mul3A_37 : i32
    %mul3A_39 = arith.constant 640 : i32
    %mul3A_40 = arith.muli %arg1, %mul3A_39 : i32
    "tpu.region"() ({
      %run_scoped3A = tpu.sem_alloc : memref<!tpu.dma_semaphore, #tpu.memory_space<semaphore_mem>>
      %dma_start3A_41 = arith.constant 0 : i32
      %dma_start3A_42 = tpu.memref_slice %arg5[%arg0, %mul3A_40, %dma_start3A_41] : memref<2x10240x64xf32, #tpu.memory_space<hbm>> -> memref<1x640x64xf32, #tpu.memory_space<hbm>>
      %dma_start3A_43 = tpu.memref_squeeze %dma_start3A_42 : memref<1x640x64xf32, #tpu.memory_space<hbm>> -> memref<640x64xf32, #tpu.memory_space<hbm>>
      %dma_start3A_44 = arith.constant 0 : i32
      %dma_start3A_45 = tpu.memref_slice %arg7[%mul3A_38, %dma_start3A_44] : memref<10240x64xf32, #tpu.memory_space<vmem_shared>> -> memref<640x64xf32, #tpu.memory_space<vmem_shared>>
      tpu.enqueue_dma source(%dma_start3A_45 : memref<640x64xf32, #tpu.memory_space<vmem_shared>>) target(%dma_start3A_43 : memref<640x64xf32, #tpu.memory_space<hbm>>) target_semaphore(%run_scoped3A : memref<!tpu.dma_semaphore, #tpu.memory_space<semaphore_mem>>)
      %dma_wait3A = arith.constant 0 : i32
      %dma_wait3A_46 = tpu.memref_slice %arg5[%arg0, %mul3A_40, %dma_wait3A] : memref<2x10240x64xf32, #tpu.memory_space<hbm>> -> memref<1x640x64xf32, #tpu.memory_space<hbm>>
      %dma_wait3A_47 = tpu.memref_squeeze %dma_wait3A_46 : memref<1x640x64xf32, #tpu.memory_space<hbm>> -> memref<640x64xf32, #tpu.memory_space<hbm>>
      %dma_wait3A_48 = arith.constant 0 : i32
      %dma_wait3A_49 = tpu.memref_slice %arg7[%mul3A_38, %dma_wait3A_48] : memref<10240x64xf32, #tpu.memory_space<vmem_shared>> -> memref<640x64xf32, #tpu.memory_space<vmem_shared>>
      tpu.wait_dma2 semaphore(%run_scoped3A : memref<!tpu.dma_semaphore, #tpu.memory_space<semaphore_mem>>) src(%dma_wait3A_49 : memref<640x64xf32, #tpu.memory_space<vmem_shared>>) dst(%dma_wait3A_47 : memref<640x64xf32, #tpu.memory_space<hbm>>)
      tpu.yield
    }) : () -> ()
    return
  }
}

#map = affine_map<(d0, d1) -> (0)>
#map1 = affine_map<(d0, d1) -> (0, 0)>
module attributes {stable_mosaic.version = 14 : i64} {
  func.func @_pair_kernel(%arg0: i32, %arg1: i32, %arg2: memref<10240xf32, #tpu.memory_space<hbm>>, %arg3: memref<10240xf32, #tpu.memory_space<hbm>>, %arg4: memref<32x512xi32, #tpu.memory_space<hbm>>, %arg5: memref<32x512xi32, #tpu.memory_space<hbm>>, %arg6: memref<16xf32, #tpu.memory_space<hbm>>, %arg7: memref<32x512xf32, #tpu.memory_space<hbm>>, %arg8: memref<10240xf32, #tpu.memory_space<vmem>>, %arg9: memref<10240xf32, #tpu.memory_space<vmem>>, %arg10: memref<512xi32, #tpu.memory_space<vmem>>, %arg11: memref<512xi32, #tpu.memory_space<vmem>>, %arg12: memref<512xf32, #tpu.memory_space<vmem>>, %arg13: memref<16xf32, #tpu.memory_space<vmem>>) attributes {dimension_semantics = [#tpu.dimension_semantics<core_parallel>, #tpu.dimension_semantics<subcore_parallel>], iteration_bounds = array<i64: 2, 16>, scalar_prefetch = 0 : i64, scratch_operands = 6 : i64, tpu.core_type = #tpu.core_type<sc_vector_subcore>, window_params = [{transform_indices = #map}, {transform_indices = #map}, {transform_indices = #map1}, {transform_indices = #map1}, {transform_indices = #map}, {transform_indices = #map1}]} {
    %mul3A = arith.constant 16 : i32
    %mul3A_0 = arith.muli %arg0, %mul3A : i32
    %add3A = arith.addi %mul3A_0, %arg1 : i32
    "tpu.region"() ({
      %run_scoped3A = tpu.sem_alloc : memref<!tpu.dma_semaphore, #tpu.memory_space<semaphore_mem>>
      tpu.enqueue_dma source(%arg2 : memref<10240xf32, #tpu.memory_space<hbm>>) target(%arg8 : memref<10240xf32, #tpu.memory_space<vmem>>) target_semaphore(%run_scoped3A : memref<!tpu.dma_semaphore, #tpu.memory_space<semaphore_mem>>)
      tpu.wait_dma2 semaphore(%run_scoped3A : memref<!tpu.dma_semaphore, #tpu.memory_space<semaphore_mem>>) src(%arg2 : memref<10240xf32, #tpu.memory_space<hbm>>) dst(%arg8 : memref<10240xf32, #tpu.memory_space<vmem>>)
      tpu.yield
    }) : () -> ()
    "tpu.region"() ({
      %run_scoped3A = tpu.sem_alloc : memref<!tpu.dma_semaphore, #tpu.memory_space<semaphore_mem>>
      tpu.enqueue_dma source(%arg3 : memref<10240xf32, #tpu.memory_space<hbm>>) target(%arg9 : memref<10240xf32, #tpu.memory_space<vmem>>) target_semaphore(%run_scoped3A : memref<!tpu.dma_semaphore, #tpu.memory_space<semaphore_mem>>)
      tpu.wait_dma2 semaphore(%run_scoped3A : memref<!tpu.dma_semaphore, #tpu.memory_space<semaphore_mem>>) src(%arg3 : memref<10240xf32, #tpu.memory_space<hbm>>) dst(%arg9 : memref<10240xf32, #tpu.memory_space<vmem>>)
      tpu.yield
    }) : () -> ()
    "tpu.region"() ({
      %run_scoped3A = tpu.sem_alloc : memref<!tpu.dma_semaphore, #tpu.memory_space<semaphore_mem>>
      %dma_start3A = arith.constant 0 : i32
      %dma_start3A_6 = tpu.memref_slice %arg4[%add3A, %dma_start3A] : memref<32x512xi32, #tpu.memory_space<hbm>> -> memref<1x512xi32, #tpu.memory_space<hbm>>
      %dma_start3A_7 = tpu.memref_squeeze %dma_start3A_6 : memref<1x512xi32, #tpu.memory_space<hbm>> -> memref<512xi32, #tpu.memory_space<hbm>>
      %dma_start3A_8 = arith.constant 0 : i32
      %dma_start3A_9 = tpu.memref_slice %arg4[%add3A, %dma_start3A_8] : memref<32x512xi32, #tpu.memory_space<hbm>> -> memref<1x512xi32, #tpu.memory_space<hbm>>
      %dma_start3A_10 = tpu.memref_squeeze %dma_start3A_9 : memref<1x512xi32, #tpu.memory_space<hbm>> -> memref<512xi32, #tpu.memory_space<hbm>>
      tpu.enqueue_dma source(%dma_start3A_10 : memref<512xi32, #tpu.memory_space<hbm>>) target(%arg10 : memref<512xi32, #tpu.memory_space<vmem>>) target_semaphore(%run_scoped3A : memref<!tpu.dma_semaphore, #tpu.memory_space<semaphore_mem>>)
      %dma_wait3A = arith.constant 0 : i32
      %dma_wait3A_11 = tpu.memref_slice %arg4[%add3A, %dma_wait3A] : memref<32x512xi32, #tpu.memory_space<hbm>> -> memref<1x512xi32, #tpu.memory_space<hbm>>
      %dma_wait3A_12 = tpu.memref_squeeze %dma_wait3A_11 : memref<1x512xi32, #tpu.memory_space<hbm>> -> memref<512xi32, #tpu.memory_space<hbm>>
      %dma_wait3A_13 = arith.constant 0 : i32
      %dma_wait3A_14 = tpu.memref_slice %arg4[%add3A, %dma_wait3A_13] : memref<32x512xi32, #tpu.memory_space<hbm>> -> memref<1x512xi32, #tpu.memory_space<hbm>>
      %dma_wait3A_15 = tpu.memref_squeeze %dma_wait3A_14 : memref<1x512xi32, #tpu.memory_space<hbm>> -> memref<512xi32, #tpu.memory_space<hbm>>
      tpu.wait_dma2 semaphore(%run_scoped3A : memref<!tpu.dma_semaphore, #tpu.memory_space<semaphore_mem>>) src(%dma_wait3A_15 : memref<512xi32, #tpu.memory_space<hbm>>) dst(%arg10 : memref<512xi32, #tpu.memory_space<vmem>>)
      tpu.yield
    }) : () -> ()
    "tpu.region"() ({
      %run_scoped3A = tpu.sem_alloc : memref<!tpu.dma_semaphore, #tpu.memory_space<semaphore_mem>>
      %dma_start3A = arith.constant 0 : i32
      %dma_start3A_6 = tpu.memref_slice %arg5[%add3A, %dma_start3A] : memref<32x512xi32, #tpu.memory_space<hbm>> -> memref<1x512xi32, #tpu.memory_space<hbm>>
      %dma_start3A_7 = tpu.memref_squeeze %dma_start3A_6 : memref<1x512xi32, #tpu.memory_space<hbm>> -> memref<512xi32, #tpu.memory_space<hbm>>
      %dma_start3A_8 = arith.constant 0 : i32
      %dma_start3A_9 = tpu.memref_slice %arg5[%add3A, %dma_start3A_8] : memref<32x512xi32, #tpu.memory_space<hbm>> -> memref<1x512xi32, #tpu.memory_space<hbm>>
      %dma_start3A_10 = tpu.memref_squeeze %dma_start3A_9 : memref<1x512xi32, #tpu.memory_space<hbm>> -> memref<512xi32, #tpu.memory_space<hbm>>
      tpu.enqueue_dma source(%dma_start3A_10 : memref<512xi32, #tpu.memory_space<hbm>>) target(%arg11 : memref<512xi32, #tpu.memory_space<vmem>>) target_semaphore(%run_scoped3A : memref<!tpu.dma_semaphore, #tpu.memory_space<semaphore_mem>>)
      %dma_wait3A = arith.constant 0 : i32
      %dma_wait3A_11 = tpu.memref_slice %arg5[%add3A, %dma_wait3A] : memref<32x512xi32, #tpu.memory_space<hbm>> -> memref<1x512xi32, #tpu.memory_space<hbm>>
      %dma_wait3A_12 = tpu.memref_squeeze %dma_wait3A_11 : memref<1x512xi32, #tpu.memory_space<hbm>> -> memref<512xi32, #tpu.memory_space<hbm>>
      %dma_wait3A_13 = arith.constant 0 : i32
      %dma_wait3A_14 = tpu.memref_slice %arg5[%add3A, %dma_wait3A_13] : memref<32x512xi32, #tpu.memory_space<hbm>> -> memref<1x512xi32, #tpu.memory_space<hbm>>
      %dma_wait3A_15 = tpu.memref_squeeze %dma_wait3A_14 : memref<1x512xi32, #tpu.memory_space<hbm>> -> memref<512xi32, #tpu.memory_space<hbm>>
      tpu.wait_dma2 semaphore(%run_scoped3A : memref<!tpu.dma_semaphore, #tpu.memory_space<semaphore_mem>>) src(%dma_wait3A_15 : memref<512xi32, #tpu.memory_space<hbm>>) dst(%arg11 : memref<512xi32, #tpu.memory_space<vmem>>)
      tpu.yield
    }) : () -> ()
    "tpu.region"() ({
      %run_scoped3A = tpu.sem_alloc : memref<!tpu.dma_semaphore, #tpu.memory_space<semaphore_mem>>
      tpu.enqueue_dma source(%arg6 : memref<16xf32, #tpu.memory_space<hbm>>) target(%arg13 : memref<16xf32, #tpu.memory_space<vmem>>) target_semaphore(%run_scoped3A : memref<!tpu.dma_semaphore, #tpu.memory_space<semaphore_mem>>)
      tpu.wait_dma2 semaphore(%run_scoped3A : memref<!tpu.dma_semaphore, #tpu.memory_space<semaphore_mem>>) src(%arg6 : memref<16xf32, #tpu.memory_space<hbm>>) dst(%arg13 : memref<16xf32, #tpu.memory_space<vmem>>)
      tpu.yield
    }) : () -> ()
    %get3A = arith.constant 0 : index
    %get3A_1 = tpu.vector_load %arg13[%get3A] {strides = array<i32>} : memref<16xf32, #tpu.memory_space<vmem>>, vector<16xf32>,
    %scan3A = arith.constant 0 : i32
    %scan3A_2 = arith.constant 32 : i32
    %scan3A_3 = arith.addi %scan3A, %scan3A_2 : i32
    %scan3A_4 = arith.constant 1 : i32
    scf.for %scan3A_6 = %scan3A to %scan3A_3 step %scan3A_4  : i32 {
      %mul3A_7 = arith.constant 1 : i32
      %mul3A_8 = arith.muli %scan3A_6, %mul3A_7 : i32
      %add3A_9 = arith.constant 0 : i32
      %add3A_10 = arith.addi %add3A_9, %mul3A_8 : i32
      %mul3A_11 = arith.constant 16 : i32
      %mul3A_12 = arith.muli %add3A_10, %mul3A_11 : i32
      %get3A_13 = arith.index_cast %mul3A_12 : i32 to index
      %get3A_14 = tpu.vector_load %arg10[%get3A_13] {strides = array<i32>} : memref<512xi32, #tpu.memory_space<vmem>>, vector<16xi32>,
      %mul3A_15 = arith.constant 16 : i32
      %mul3A_16 = arith.muli %add3A_10, %mul3A_15 : i32
      %get3A_17 = arith.index_cast %mul3A_16 : i32 to index
      %get3A_18 = tpu.vector_load %arg11[%get3A_17] {strides = array<i32>} : memref<512xi32, #tpu.memory_space<vmem>>, vector<16xi32>,
      %gather3A = tpu.vector_load_idx %arg8[%get3A_14] : memref<10240xf32, #tpu.memory_space<vmem>>[vector<16xi32>], vector<16xf32>,
      %gather3A_19 = tpu.vector_load_idx %arg9[%get3A_18] : memref<10240xf32, #tpu.memory_space<vmem>>[vector<16xi32>], vector<16xf32>,
      %add3A_20 = arith.addf %gather3A, %gather3A_19 : vector<16xf32>
      %add3A_21 = arith.addf %add3A_20, %get3A_1 : vector<16xf32>
      %neg3A = arith.constant 0.000000e+00 : f32
      %neg3A_22 = vector.broadcast %neg3A : f32 to vector<16xf32>
      %neg3A_23 = arith.subf %neg3A_22, %add3A_21 : vector<16xf32>
      %exp3A = math.exp %neg3A_23 : vector<16xf32>
      %add3A_24 = arith.constant 1.000000e+00 : f32
      %add3A_25 = vector.broadcast %add3A_24 : f32 to vector<16xf32>
      %add3A_26 = arith.addf %add3A_25, %exp3A : vector<16xf32>
      %div3A = arith.constant 1.000000e+00 : f32
      %div3A_27 = vector.broadcast %div3A : f32 to vector<16xf32>
      %div3A_28 = arith.divf %div3A_27, %add3A_26 : vector<16xf32>
      %mul3A_29 = arith.constant 16 : i32
      %mul3A_30 = arith.muli %add3A_10, %mul3A_29 : i32
      %swap3A = arith.index_cast %mul3A_30 : i32 to index
      %swap3A_31 = tpu.vector_load %arg12[%swap3A] {strides = array<i32>} : memref<512xf32, #tpu.memory_space<vmem>>, vector<16xf32>,
      tpu.vector_store %arg12[%swap3A], %div3A_28 {strides = array<i32>} : memref<512xf32, #tpu.memory_space<vmem>>, vector<16xf32>,
    }
    %scan3A_5 = arith.constant 32 : i32
    "tpu.region"() ({
      %run_scoped3A = tpu.sem_alloc : memref<!tpu.dma_semaphore, #tpu.memory_space<semaphore_mem>>
      %dma_start3A = arith.constant 0 : i32
      %dma_start3A_6 = tpu.memref_slice %arg7[%add3A, %dma_start3A] : memref<32x512xf32, #tpu.memory_space<hbm>> -> memref<1x512xf32, #tpu.memory_space<hbm>>
      %dma_start3A_7 = tpu.memref_squeeze %dma_start3A_6 : memref<1x512xf32, #tpu.memory_space<hbm>> -> memref<512xf32, #tpu.memory_space<hbm>>
      %dma_start3A_8 = arith.constant 0 : i32
      %dma_start3A_9 = tpu.memref_slice %arg7[%add3A, %dma_start3A_8] : memref<32x512xf32, #tpu.memory_space<hbm>> -> memref<1x512xf32, #tpu.memory_space<hbm>>
      %dma_start3A_10 = tpu.memref_squeeze %dma_start3A_9 : memref<1x512xf32, #tpu.memory_space<hbm>> -> memref<512xf32, #tpu.memory_space<hbm>>
      tpu.enqueue_dma source(%arg12 : memref<512xf32, #tpu.memory_space<vmem>>) target(%dma_start3A_10 : memref<512xf32, #tpu.memory_space<hbm>>) target_semaphore(%run_scoped3A : memref<!tpu.dma_semaphore, #tpu.memory_space<semaphore_mem>>)
      %dma_wait3A = arith.constant 0 : i32
      %dma_wait3A_11 = tpu.memref_slice %arg7[%add3A, %dma_wait3A] : memref<32x512xf32, #tpu.memory_space<hbm>> -> memref<1x512xf32, #tpu.memory_space<hbm>>
      %dma_wait3A_12 = tpu.memref_squeeze %dma_wait3A_11 : memref<1x512xf32, #tpu.memory_space<hbm>> -> memref<512xf32, #tpu.memory_space<hbm>>
      %dma_wait3A_13 = arith.constant 0 : i32
      %dma_wait3A_14 = tpu.memref_slice %arg7[%add3A, %dma_wait3A_13] : memref<32x512xf32, #tpu.memory_space<hbm>> -> memref<1x512xf32, #tpu.memory_space<hbm>>
      %dma_wait3A_15 = tpu.memref_squeeze %dma_wait3A_14 : memref<1x512xf32, #tpu.memory_space<hbm>> -> memref<512xf32, #tpu.memory_space<hbm>>
      tpu.wait_dma2 semaphore(%run_scoped3A : memref<!tpu.dma_semaphore, #tpu.memory_space<semaphore_mem>>) src(%arg12 : memref<512xf32, #tpu.memory_space<vmem>>) dst(%dma_wait3A_15 : memref<512xf32, #tpu.memory_space<hbm>>)
      tpu.yield
    }) : () -> ()
    return
  }
}

#map = affine_map<(d0, d1) -> (0, 0, 0)>
module attributes {stable_mosaic.version = 14 : i64} {
  func.func @_deg_kernel(%arg0: i32, %arg1: i32, %arg2: memref<32x80x128xi32, #tpu.memory_space<hbm>>, %arg3: memref<2x10240x16xf32, #tpu.memory_space<hbm>>, %arg4: memref<10240x16xf32, #tpu.memory_space<vmem_shared>>, %arg5: memref<80x128xi32, #tpu.memory_space<vmem>>, %arg6: memref<128x16xf32, #tpu.memory_space<vmem>>, %arg7: memref<640x16xf32, #tpu.memory_space<vmem>>) attributes {dimension_semantics = [#tpu.dimension_semantics<core_parallel>, #tpu.dimension_semantics<subcore_parallel>], iteration_bounds = array<i64: 2, 16>, scalar_prefetch = 0 : i64, scratch_operands = 4 : i64, tpu.core_type = #tpu.core_type<sc_vector_subcore>, window_params = [{transform_indices = #map}, {transform_indices = #map}]} {
    %mul3A = arith.constant 16 : i32
    %mul3A_0 = arith.muli %arg0, %mul3A : i32
    %add3A = arith.addi %mul3A_0, %arg1 : i32
    %broadcast_in_dim3A = arith.constant 0.000000e+00 : f32
    %broadcast_in_dim3A_1 = vector.broadcast %broadcast_in_dim3A : f32 to vector<16xf32>
    %broadcast_in_dim3A_2 = arith.constant 1.000000e+00 : f32
    %broadcast_in_dim3A_3 = vector.broadcast %broadcast_in_dim3A_2 : f32 to vector<16xf32>
    %scan3A = arith.constant 0 : i32
    %scan3A_4 = arith.constant 640 : i32
    %scan3A_5 = arith.addi %scan3A, %scan3A_4 : i32
    %scan3A_6 = arith.constant 1 : i32
    scf.for %scan3A_25 = %scan3A to %scan3A_5 step %scan3A_6  : i32 {
      %mul3A_26 = arith.constant 1 : i32
      %mul3A_27 = arith.muli %scan3A_25, %mul3A_26 : i32
      %add3A_28 = arith.constant 0 : i32
      %add3A_29 = arith.addi %add3A_28, %mul3A_27 : i32
      %swap3A = arith.index_cast %add3A_29 : i32 to index
      %swap3A_30 = arith.constant 0 : index
      %swap3A_31 = tpu.vector_load %arg7[%swap3A, %swap3A_30] {strides = array<i32>} : memref<640x16xf32, #tpu.memory_space<vmem>>, vector<1x16xf32>,
      %swap3A_32 = vector.shape_cast %swap3A_31 : vector<1x16xf32> to vector<16xf32>
      %swap3A_33 = vector.shape_cast %broadcast_in_dim3A_1 : vector<16xf32> to vector<1x16xf32>
      tpu.vector_store %arg7[%swap3A, %swap3A_30], %swap3A_33 {strides = array<i32>} : memref<640x16xf32, #tpu.memory_space<vmem>>, vector<1x16xf32>,
    }
    %scan3A_7 = arith.constant 640 : i32
    %scan3A_8 = arith.constant 0 : i32
    %scan3A_9 = arith.constant 128 : i32
    %scan3A_10 = arith.addi %scan3A_8, %scan3A_9 : i32
    %scan3A_11 = arith.constant 1 : i32
    scf.for %scan3A_25 = %scan3A_8 to %scan3A_10 step %scan3A_11  : i32 {
      %mul3A_26 = arith.constant 1 : i32
      %mul3A_27 = arith.muli %scan3A_25, %mul3A_26 : i32
      %add3A_28 = arith.constant 0 : i32
      %add3A_29 = arith.addi %add3A_28, %mul3A_27 : i32
      %swap3A = arith.index_cast %add3A_29 : i32 to index
      %swap3A_30 = arith.constant 0 : index
      %swap3A_31 = tpu.vector_load %arg6[%swap3A, %swap3A_30] {strides = array<i32>} : memref<128x16xf32, #tpu.memory_space<vmem>>, vector<1x16xf32>,
      %swap3A_32 = vector.shape_cast %swap3A_31 : vector<1x16xf32> to vector<16xf32>
      %swap3A_33 = vector.shape_cast %broadcast_in_dim3A_3 : vector<16xf32> to vector<1x16xf32>
      tpu.vector_store %arg6[%swap3A, %swap3A_30], %swap3A_33 {strides = array<i32>} : memref<128x16xf32, #tpu.memory_space<vmem>>, vector<1x16xf32>,
    }
    %scan3A_12 = arith.constant 128 : i32
    %mul3A_13 = arith.constant 640 : i32
    %mul3A_14 = arith.muli %arg1, %mul3A_13 : i32
    "tpu.region"() ({
      %run_scoped3A = tpu.sem_alloc : memref<!tpu.dma_semaphore, #tpu.memory_space<semaphore_mem>>
      %dma_start3A = arith.constant 0 : i32
      %dma_start3A_25 = tpu.memref_slice %arg4[%mul3A_14, %dma_start3A] : memref<10240x16xf32, #tpu.memory_space<vmem_shared>> -> memref<640x16xf32, #tpu.memory_space<vmem_shared>>
      %dma_start3A_26 = arith.constant 0 : i32
      %dma_start3A_27 = tpu.memref_slice %arg4[%mul3A_14, %dma_start3A_26] : memref<10240x16xf32, #tpu.memory_space<vmem_shared>> -> memref<640x16xf32, #tpu.memory_space<vmem_shared>>
      tpu.enqueue_dma source(%arg7 : memref<640x16xf32, #tpu.memory_space<vmem>>) target(%dma_start3A_27 : memref<640x16xf32, #tpu.memory_space<vmem_shared>>) target_semaphore(%run_scoped3A : memref<!tpu.dma_semaphore, #tpu.memory_space<semaphore_mem>>)
      %dma_wait3A = arith.constant 0 : i32
      %dma_wait3A_28 = tpu.memref_slice %arg4[%mul3A_14, %dma_wait3A] : memref<10240x16xf32, #tpu.memory_space<vmem_shared>> -> memref<640x16xf32, #tpu.memory_space<vmem_shared>>
      %dma_wait3A_29 = arith.constant 0 : i32
      %dma_wait3A_30 = tpu.memref_slice %arg4[%mul3A_14, %dma_wait3A_29] : memref<10240x16xf32, #tpu.memory_space<vmem_shared>> -> memref<640x16xf32, #tpu.memory_space<vmem_shared>>
      tpu.wait_dma2 semaphore(%run_scoped3A : memref<!tpu.dma_semaphore, #tpu.memory_space<semaphore_mem>>) src(%arg7 : memref<640x16xf32, #tpu.memory_space<vmem>>) dst(%dma_wait3A_30 : memref<640x16xf32, #tpu.memory_space<vmem_shared>>)
      tpu.yield
    }) : () -> ()
    "tpu.region"() ({
      %run_scoped3A = tpu.sem_alloc : memref<!tpu.dma_semaphore, #tpu.memory_space<semaphore_mem>>
      %dma_start3A = arith.constant 0 : i32
      %dma_start3A_25 = arith.constant 0 : i32
      %dma_start3A_26 = tpu.memref_slice %arg2[%add3A, %dma_start3A, %dma_start3A_25] : memref<32x80x128xi32, #tpu.memory_space<hbm>> -> memref<1x80x128xi32, #tpu.memory_space<hbm>>
      %dma_start3A_27 = tpu.memref_squeeze %dma_start3A_26 : memref<1x80x128xi32, #tpu.memory_space<hbm>> -> memref<80x128xi32, #tpu.memory_space<hbm>>
      %dma_start3A_28 = arith.constant 0 : i32
      %dma_start3A_29 = arith.constant 0 : i32
      %dma_start3A_30 = tpu.memref_slice %arg2[%add3A, %dma_start3A_28, %dma_start3A_29] : memref<32x80x128xi32, #tpu.memory_space<hbm>> -> memref<1x80x128xi32, #tpu.memory_space<hbm>>
      %dma_start3A_31 = tpu.memref_squeeze %dma_start3A_30 : memref<1x80x128xi32, #tpu.memory_space<hbm>> -> memref<80x128xi32, #tpu.memory_space<hbm>>
      tpu.enqueue_dma source(%dma_start3A_31 : memref<80x128xi32, #tpu.memory_space<hbm>>) target(%arg5 : memref<80x128xi32, #tpu.memory_space<vmem>>) target_semaphore(%run_scoped3A : memref<!tpu.dma_semaphore, #tpu.memory_space<semaphore_mem>>)
      %dma_wait3A = arith.constant 0 : i32
      %dma_wait3A_32 = arith.constant 0 : i32
      %dma_wait3A_33 = tpu.memref_slice %arg2[%add3A, %dma_wait3A, %dma_wait3A_32] : memref<32x80x128xi32, #tpu.memory_space<hbm>> -> memref<1x80x128xi32, #tpu.memory_space<hbm>>
      %dma_wait3A_34 = tpu.memref_squeeze %dma_wait3A_33 : memref<1x80x128xi32, #tpu.memory_space<hbm>> -> memref<80x128xi32, #tpu.memory_space<hbm>>
      %dma_wait3A_35 = arith.constant 0 : i32
      %dma_wait3A_36 = arith.constant 0 : i32
      %dma_wait3A_37 = tpu.memref_slice %arg2[%add3A, %dma_wait3A_35, %dma_wait3A_36] : memref<32x80x128xi32, #tpu.memory_space<hbm>> -> memref<1x80x128xi32, #tpu.memory_space<hbm>>
      %dma_wait3A_38 = tpu.memref_squeeze %dma_wait3A_37 : memref<1x80x128xi32, #tpu.memory_space<hbm>> -> memref<80x128xi32, #tpu.memory_space<hbm>>
      tpu.wait_dma2 semaphore(%run_scoped3A : memref<!tpu.dma_semaphore, #tpu.memory_space<semaphore_mem>>) src(%dma_wait3A_38 : memref<80x128xi32, #tpu.memory_space<hbm>>) dst(%arg5 : memref<80x128xi32, #tpu.memory_space<vmem>>)
      tpu.yield
    }) : () -> ()
    %barrier3A = arith.constant 0 : index
    tpu.barrier barrier_id(%barrier3A)
    %scan3A_15 = arith.constant 0 : i32
    %scan3A_16 = arith.constant 80 : i32
    %scan3A_17 = arith.addi %scan3A_15, %scan3A_16 : i32
    %scan3A_18 = arith.constant 1 : i32
    scf.for %scan3A_25 = %scan3A_15 to %scan3A_17 step %scan3A_18  : i32 {
      %mul3A_26 = arith.constant 1 : i32
      %mul3A_27 = arith.muli %scan3A_25, %mul3A_26 : i32
      %add3A_28 = arith.constant 0 : i32
      %add3A_29 = arith.addi %add3A_28, %mul3A_27 : i32
      "tpu.region"() ({
        %run_scoped3A = tpu.sem_alloc : memref<!tpu.dma_semaphore, #tpu.memory_space<semaphore_mem>>
        %dma_start3A = arith.constant 0 : i32
        %dma_start3A_30 = tpu.memref_slice %arg5[%add3A_29, %dma_start3A] : memref<80x128xi32, #tpu.memory_space<vmem>> -> memref<1x128xi32, #tpu.memory_space<vmem>>
        %dma_start3A_31 = tpu.memref_squeeze %dma_start3A_30 : memref<1x128xi32, #tpu.memory_space<vmem>> -> memref<128xi32, #tpu.memory_space<vmem>>
        %dma_start3A_32 = arith.constant 0 : i32
        %dma_start3A_33 = arith.constant 0 : i32
        %dma_start3A_34 = tpu.memref_slice %arg4[%dma_start3A_32, %dma_start3A_33] : memref<10240x16xf32, #tpu.memory_space<vmem_shared>> -> memref<10240x16xf32, #tpu.memory_space<vmem_shared>>
        tpu.enqueue_indirect_dma source(%arg6 : memref<128x16xf32, #tpu.memory_space<vmem>>) target(%dma_start3A_34 : memref<10240x16xf32, #tpu.memory_space<vmem_shared>>) offsets(%dma_start3A_31 : memref<128xi32, #tpu.memory_space<vmem>>) semaphore(%run_scoped3A : memref<!tpu.dma_semaphore, #tpu.memory_space<semaphore_mem>>) {add = true}
        %dma_wait3A = arith.constant 0 : i32
        %dma_wait3A_35 = tpu.memref_slice %arg5[%add3A_29, %dma_wait3A] : memref<80x128xi32, #tpu.memory_space<vmem>> -> memref<1x128xi32, #tpu.memory_space<vmem>>
        %dma_wait3A_36 = tpu.memref_squeeze %dma_wait3A_35 : memref<1x128xi32, #tpu.memory_space<vmem>> -> memref<128xi32, #tpu.memory_space<vmem>>
        %dma_wait3A_37 = arith.constant 0 : i32
        %dma_wait3A_38 = arith.constant 0 : i32
        %dma_wait3A_39 = tpu.memref_slice %arg4[%dma_wait3A_37, %dma_wait3A_38] : memref<10240x16xf32, #tpu.memory_space<vmem_shared>> -> memref<10240x16xf32, #tpu.memory_space<vmem_shared>>
        tpu.wait_indirect_dma semaphore(%run_scoped3A : memref<!tpu.dma_semaphore, #tpu.memory_space<semaphore_mem>>) src(%arg6 : memref<128x16xf32, #tpu.memory_space<vmem>>) dst(%dma_wait3A_39 : memref<10240x16xf32, #tpu.memory_space<vmem_shared>>)
        tpu.yield
      }) : () -> ()
    }
    %scan3A_19 = arith.constant 80 : i32
    %barrier3A_20 = arith.constant 0 : index
    tpu.barrier barrier_id(%barrier3A_20)
    %mul3A_21 = arith.constant 640 : i32
    %mul3A_22 = arith.muli %arg1, %mul3A_21 : i32
    %mul3A_23 = arith.constant 640 : i32
    %mul3A_24 = arith.muli %arg1, %mul3A_23 : i32
    "tpu.region"() ({
      %run_scoped3A = tpu.sem_alloc : memref<!tpu.dma_semaphore, #tpu.memory_space<semaphore_mem>>
      %dma_start3A = arith.constant 0 : i32
      %dma_start3A_25 = tpu.memref_slice %arg3[%arg0, %mul3A_24, %dma_start3A] : memref<2x10240x16xf32, #tpu.memory_space<hbm>> -> memref<1x640x16xf32, #tpu.memory_space<hbm>>
      %dma_start3A_26 = tpu.memref_squeeze %dma_start3A_25 : memref<1x640x16xf32, #tpu.memory_space<hbm>> -> memref<640x16xf32, #tpu.memory_space<hbm>>
      %dma_start3A_27 = arith.constant 0 : i32
      %dma_start3A_28 = tpu.memref_slice %arg4[%mul3A_22, %dma_start3A_27] : memref<10240x16xf32, #tpu.memory_space<vmem_shared>> -> memref<640x16xf32, #tpu.memory_space<vmem_shared>>
      tpu.enqueue_dma source(%dma_start3A_28 : memref<640x16xf32, #tpu.memory_space<vmem_shared>>) target(%dma_start3A_26 : memref<640x16xf32, #tpu.memory_space<hbm>>) target_semaphore(%run_scoped3A : memref<!tpu.dma_semaphore, #tpu.memory_space<semaphore_mem>>)
      %dma_wait3A = arith.constant 0 : i32
      %dma_wait3A_29 = tpu.memref_slice %arg3[%arg0, %mul3A_24, %dma_wait3A] : memref<2x10240x16xf32, #tpu.memory_space<hbm>> -> memref<1x640x16xf32, #tpu.memory_space<hbm>>
      %dma_wait3A_30 = tpu.memref_squeeze %dma_wait3A_29 : memref<1x640x16xf32, #tpu.memory_space<hbm>> -> memref<640x16xf32, #tpu.memory_space<hbm>>
      %dma_wait3A_31 = arith.constant 0 : i32
      %dma_wait3A_32 = tpu.memref_slice %arg4[%mul3A_22, %dma_wait3A_31] : memref<10240x16xf32, #tpu.memory_space<vmem_shared>> -> memref<640x16xf32, #tpu.memory_space<vmem_shared>>
      tpu.wait_dma2 semaphore(%run_scoped3A : memref<!tpu.dma_semaphore, #tpu.memory_space<semaphore_mem>>) src(%dma_wait3A_32 : memref<640x16xf32, #tpu.memory_space<vmem_shared>>) dst(%dma_wait3A_30 : memref<640x16xf32, #tpu.memory_space<hbm>>)
      tpu.yield
    }) : () -> ()
    return
  }
}

#map = affine_map<(d0, d1) -> (0, 0, 0)>
module attributes {stable_mosaic.version = 14 : i64} {
  func.func @_edge_kernel(%arg0: i32, %arg1: i32, %arg2: memref<2x10240x64xf32, #tpu.memory_space<hbm>>, %arg3: memref<16x160x128xi32, #tpu.memory_space<hbm>>, %arg4: memref<16x160x128xi32, #tpu.memory_space<hbm>>, %arg5: memref<2x10240x64xf32, #tpu.memory_space<hbm>>, %arg6: memref<10240x64xf32, #tpu.memory_space<vmem_shared>>, %arg7: memref<10240x64xf32, #tpu.memory_space<vmem_shared>>, %arg8: memref<80x128xi32, #tpu.memory_space<vmem>>, %arg9: memref<80x128xi32, #tpu.memory_space<vmem>>, %arg10: memref<128x64xf32, #tpu.memory_space<vmem>>, %arg11: memref<128x64xf32, #tpu.memory_space<vmem>>, %arg12: memref<!tpu.dma_semaphore, #tpu.memory_space<semaphore_mem>>, %arg13: memref<!tpu.dma_semaphore, #tpu.memory_space<semaphore_mem>>) attributes {dimension_semantics = [#tpu.dimension_semantics<core_parallel>, #tpu.dimension_semantics<subcore_parallel>], iteration_bounds = array<i64: 2, 16>, scalar_prefetch = 0 : i64, scratch_operands = 8 : i64, tpu.core_type = #tpu.core_type<sc_vector_subcore>, window_params = [{transform_indices = #map}, {transform_indices = #map}, {transform_indices = #map}, {transform_indices = #map}]} {
    %broadcast_in_dim3A = arith.constant 0.000000e+00 : f32
    %broadcast_in_dim3A_0 = vector.broadcast %broadcast_in_dim3A : f32 to vector<16xf32>
    %scan3A = arith.constant 0 : i32
    %scan3A_1 = arith.constant 128 : i32
    %scan3A_2 = arith.addi %scan3A, %scan3A_1 : i32
    %scan3A_3 = arith.constant 1 : i32
    scf.for %scan3A_41 = %scan3A to %scan3A_2 step %scan3A_3  : i32 {
      %mul3A_42 = arith.constant 1 : i32
      %mul3A_43 = arith.muli %scan3A_41, %mul3A_42 : i32
      %add3A = arith.constant 0 : i32
      %add3A_44 = arith.addi %add3A, %mul3A_43 : i32
      %swap3A = arith.index_cast %add3A_44 : i32 to index
      %swap3A_45 = arith.constant 0 : index
      %swap3A_46 = tpu.vector_load %arg10[%swap3A, %swap3A_45] {strides = array<i32>} : memref<128x64xf32, #tpu.memory_space<vmem>>, vector<1x16xf32>,
      %swap3A_47 = vector.shape_cast %swap3A_46 : vector<1x16xf32> to vector<16xf32>
      %swap3A_48 = vector.shape_cast %broadcast_in_dim3A_0 : vector<16xf32> to vector<1x16xf32>
      tpu.vector_store %arg10[%swap3A, %swap3A_45], %swap3A_48 {strides = array<i32>} : memref<128x64xf32, #tpu.memory_space<vmem>>, vector<1x16xf32>,
      %swap3A_49 = arith.index_cast %add3A_44 : i32 to index
      %swap3A_50 = arith.constant 16 : index
      %swap3A_51 = tpu.vector_load %arg10[%swap3A_49, %swap3A_50] {strides = array<i32>} : memref<128x64xf32, #tpu.memory_space<vmem>>, vector<1x16xf32>,
      %swap3A_52 = vector.shape_cast %swap3A_51 : vector<1x16xf32> to vector<16xf32>
      %swap3A_53 = vector.shape_cast %broadcast_in_dim3A_0 : vector<16xf32> to vector<1x16xf32>
      tpu.vector_store %arg10[%swap3A_49, %swap3A_50], %swap3A_53 {strides = array<i32>} : memref<128x64xf32, #tpu.memory_space<vmem>>, vector<1x16xf32>,
      %swap3A_54 = arith.index_cast %add3A_44 : i32 to index
      %swap3A_55 = arith.constant 32 : index
      %swap3A_56 = tpu.vector_load %arg10[%swap3A_54, %swap3A_55] {strides = array<i32>} : memref<128x64xf32, #tpu.memory_space<vmem>>, vector<1x16xf32>,
      %swap3A_57 = vector.shape_cast %swap3A_56 : vector<1x16xf32> to vector<16xf32>
      %swap3A_58 = vector.shape_cast %broadcast_in_dim3A_0 : vector<16xf32> to vector<1x16xf32>
      tpu.vector_store %arg10[%swap3A_54, %swap3A_55], %swap3A_58 {strides = array<i32>} : memref<128x64xf32, #tpu.memory_space<vmem>>, vector<1x16xf32>,
      %swap3A_59 = arith.index_cast %add3A_44 : i32 to index
      %swap3A_60 = arith.constant 48 : index
      %swap3A_61 = tpu.vector_load %arg10[%swap3A_59, %swap3A_60] {strides = array<i32>} : memref<128x64xf32, #tpu.memory_space<vmem>>, vector<1x16xf32>,
      %swap3A_62 = vector.shape_cast %swap3A_61 : vector<1x16xf32> to vector<16xf32>
      %swap3A_63 = vector.shape_cast %broadcast_in_dim3A_0 : vector<16xf32> to vector<1x16xf32>
      tpu.vector_store %arg10[%swap3A_59, %swap3A_60], %swap3A_63 {strides = array<i32>} : memref<128x64xf32, #tpu.memory_space<vmem>>, vector<1x16xf32>,
    }
    %scan3A_4 = arith.constant 128 : i32
    %scan3A_5 = arith.constant 0 : i32
    %scan3A_6 = arith.constant 5 : i32
    %scan3A_7 = arith.addi %scan3A_5, %scan3A_6 : i32
    %scan3A_8 = arith.constant 1 : i32
    scf.for %scan3A_41 = %scan3A_5 to %scan3A_7 step %scan3A_8  : i32 {
      %mul3A_42 = arith.constant 1 : i32
      %mul3A_43 = arith.muli %scan3A_41, %mul3A_42 : i32
      %add3A = arith.constant 0 : i32
      %add3A_44 = arith.addi %add3A, %mul3A_43 : i32
      %mul3A_45 = arith.constant 640 : i32
      %mul3A_46 = arith.muli %arg1, %mul3A_45 : i32
      %mul3A_47 = arith.constant 128 : i32
      %mul3A_48 = arith.muli %add3A_44, %mul3A_47 : i32
      %add3A_49 = arith.addi %mul3A_46, %mul3A_48 : i32
      "tpu.region"() ({
        %run_scoped3A = tpu.sem_alloc : memref<!tpu.dma_semaphore, #tpu.memory_space<semaphore_mem>>
        %dma_start3A_50 = arith.constant 0 : i32
        %dma_start3A_51 = tpu.memref_slice %arg7[%add3A_49, %dma_start3A_50] : memref<10240x64xf32, #tpu.memory_space<vmem_shared>> -> memref<128x64xf32, #tpu.memory_space<vmem_shared>>
        %dma_start3A_52 = arith.constant 0 : i32
        %dma_start3A_53 = tpu.memref_slice %arg7[%add3A_49, %dma_start3A_52] : memref<10240x64xf32, #tpu.memory_space<vmem_shared>> -> memref<128x64xf32, #tpu.memory_space<vmem_shared>>
        tpu.enqueue_dma source(%arg10 : memref<128x64xf32, #tpu.memory_space<vmem>>) target(%dma_start3A_53 : memref<128x64xf32, #tpu.memory_space<vmem_shared>>) target_semaphore(%run_scoped3A : memref<!tpu.dma_semaphore, #tpu.memory_space<semaphore_mem>>)
        %dma_wait3A = arith.constant 0 : i32
        %dma_wait3A_54 = tpu.memref_slice %arg7[%add3A_49, %dma_wait3A] : memref<10240x64xf32, #tpu.memory_space<vmem_shared>> -> memref<128x64xf32, #tpu.memory_space<vmem_shared>>
        %dma_wait3A_55 = arith.constant 0 : i32
        %dma_wait3A_56 = tpu.memref_slice %arg7[%add3A_49, %dma_wait3A_55] : memref<10240x64xf32, #tpu.memory_space<vmem_shared>> -> memref<128x64xf32, #tpu.memory_space<vmem_shared>>
        tpu.wait_dma2 semaphore(%run_scoped3A : memref<!tpu.dma_semaphore, #tpu.memory_space<semaphore_mem>>) src(%arg10 : memref<128x64xf32, #tpu.memory_space<vmem>>) dst(%dma_wait3A_56 : memref<128x64xf32, #tpu.memory_space<vmem_shared>>)
        tpu.yield
      }) : () -> ()
    }
    %scan3A_9 = arith.constant 5 : i32
    %mul3A = arith.constant 640 : i32
    %mul3A_10 = arith.muli %arg1, %mul3A : i32
    %mul3A_11 = arith.constant 640 : i32
    %mul3A_12 = arith.muli %arg1, %mul3A_11 : i32
    "tpu.region"() ({
      %run_scoped3A = tpu.sem_alloc : memref<!tpu.dma_semaphore, #tpu.memory_space<semaphore_mem>>
      %dma_start3A_41 = arith.constant 0 : i32
      %dma_start3A_42 = tpu.memref_slice %arg6[%mul3A_12, %dma_start3A_41] : memref<10240x64xf32, #tpu.memory_space<vmem_shared>> -> memref<640x64xf32, #tpu.memory_space<vmem_shared>>
      %dma_start3A_43 = arith.constant 0 : i32
      %dma_start3A_44 = tpu.memref_slice %arg2[%arg0, %mul3A_10, %dma_start3A_43] : memref<2x10240x64xf32, #tpu.memory_space<hbm>> -> memref<1x640x64xf32, #tpu.memory_space<hbm>>
      %dma_start3A_45 = tpu.memref_squeeze %dma_start3A_44 : memref<1x640x64xf32, #tpu.memory_space<hbm>> -> memref<640x64xf32, #tpu.memory_space<hbm>>
      tpu.enqueue_dma source(%dma_start3A_45 : memref<640x64xf32, #tpu.memory_space<hbm>>) target(%dma_start3A_42 : memref<640x64xf32, #tpu.memory_space<vmem_shared>>) target_semaphore(%run_scoped3A : memref<!tpu.dma_semaphore, #tpu.memory_space<semaphore_mem>>)
      %dma_wait3A = arith.constant 0 : i32
      %dma_wait3A_46 = tpu.memref_slice %arg6[%mul3A_12, %dma_wait3A] : memref<10240x64xf32, #tpu.memory_space<vmem_shared>> -> memref<640x64xf32, #tpu.memory_space<vmem_shared>>
      %dma_wait3A_47 = arith.constant 0 : i32
      %dma_wait3A_48 = tpu.memref_slice %arg2[%arg0, %mul3A_10, %dma_wait3A_47] : memref<2x10240x64xf32, #tpu.memory_space<hbm>> -> memref<1x640x64xf32, #tpu.memory_space<hbm>>
      %dma_wait3A_49 = tpu.memref_squeeze %dma_wait3A_48 : memref<1x640x64xf32, #tpu.memory_space<hbm>> -> memref<640x64xf32, #tpu.memory_space<hbm>>
      tpu.wait_dma2 semaphore(%run_scoped3A : memref<!tpu.dma_semaphore, #tpu.memory_space<semaphore_mem>>) src(%dma_wait3A_49 : memref<640x64xf32, #tpu.memory_space<hbm>>) dst(%dma_wait3A_46 : memref<640x64xf32, #tpu.memory_space<vmem_shared>>)
      tpu.yield
    }) : () -> ()
    %barrier3A = arith.constant 0 : index
    tpu.barrier barrier_id(%barrier3A)
    "tpu.region"() ({
      %run_scoped3A = tpu.sem_alloc : memref<!tpu.dma_semaphore, #tpu.memory_space<semaphore_mem>>
      %dma_start3A_41 = arith.constant 0 : i32
      %dma_start3A_42 = arith.constant 0 : i32
      %dma_start3A_43 = tpu.memref_slice %arg3[%arg1, %dma_start3A_41, %dma_start3A_42] : memref<16x160x128xi32, #tpu.memory_space<hbm>> -> memref<1x80x128xi32, #tpu.memory_space<hbm>>
      %dma_start3A_44 = tpu.memref_squeeze %dma_start3A_43 : memref<1x80x128xi32, #tpu.memory_space<hbm>> -> memref<80x128xi32, #tpu.memory_space<hbm>>
      %dma_start3A_45 = arith.constant 0 : i32
      %dma_start3A_46 = arith.constant 0 : i32
      %dma_start3A_47 = tpu.memref_slice %arg3[%arg1, %dma_start3A_45, %dma_start3A_46] : memref<16x160x128xi32, #tpu.memory_space<hbm>> -> memref<1x80x128xi32, #tpu.memory_space<hbm>>
      %dma_start3A_48 = tpu.memref_squeeze %dma_start3A_47 : memref<1x80x128xi32, #tpu.memory_space<hbm>> -> memref<80x128xi32, #tpu.memory_space<hbm>>
      tpu.enqueue_dma source(%dma_start3A_48 : memref<80x128xi32, #tpu.memory_space<hbm>>) target(%arg8 : memref<80x128xi32, #tpu.memory_space<vmem>>) target_semaphore(%run_scoped3A : memref<!tpu.dma_semaphore, #tpu.memory_space<semaphore_mem>>)
      %dma_wait3A = arith.constant 0 : i32
      %dma_wait3A_49 = arith.constant 0 : i32
      %dma_wait3A_50 = tpu.memref_slice %arg3[%arg1, %dma_wait3A, %dma_wait3A_49] : memref<16x160x128xi32, #tpu.memory_space<hbm>> -> memref<1x80x128xi32, #tpu.memory_space<hbm>>
      %dma_wait3A_51 = tpu.memref_squeeze %dma_wait3A_50 : memref<1x80x128xi32, #tpu.memory_space<hbm>> -> memref<80x128xi32, #tpu.memory_space<hbm>>
      %dma_wait3A_52 = arith.constant 0 : i32
      %dma_wait3A_53 = arith.constant 0 : i32
      %dma_wait3A_54 = tpu.memref_slice %arg3[%arg1, %dma_wait3A_52, %dma_wait3A_53] : memref<16x160x128xi32, #tpu.memory_space<hbm>> -> memref<1x80x128xi32, #tpu.memory_space<hbm>>
      %dma_wait3A_55 = tpu.memref_squeeze %dma_wait3A_54 : memref<1x80x128xi32, #tpu.memory_space<hbm>> -> memref<80x128xi32, #tpu.memory_space<hbm>>
      tpu.wait_dma2 semaphore(%run_scoped3A : memref<!tpu.dma_semaphore, #tpu.memory_space<semaphore_mem>>) src(%dma_wait3A_55 : memref<80x128xi32, #tpu.memory_space<hbm>>) dst(%arg8 : memref<80x128xi32, #tpu.memory_space<vmem>>)
      tpu.yield
    }) : () -> ()
    "tpu.region"() ({
      %run_scoped3A = tpu.sem_alloc : memref<!tpu.dma_semaphore, #tpu.memory_space<semaphore_mem>>
      %dma_start3A_41 = arith.constant 0 : i32
      %dma_start3A_42 = arith.constant 0 : i32
      %dma_start3A_43 = tpu.memref_slice %arg4[%arg1, %dma_start3A_41, %dma_start3A_42] : memref<16x160x128xi32, #tpu.memory_space<hbm>> -> memref<1x80x128xi32, #tpu.memory_space<hbm>>
      %dma_start3A_44 = tpu.memref_squeeze %dma_start3A_43 : memref<1x80x128xi32, #tpu.memory_space<hbm>> -> memref<80x128xi32, #tpu.memory_space<hbm>>
      %dma_start3A_45 = arith.constant 0 : i32
      %dma_start3A_46 = arith.constant 0 : i32
      %dma_start3A_47 = tpu.memref_slice %arg4[%arg1, %dma_start3A_45, %dma_start3A_46] : memref<16x160x128xi32, #tpu.memory_space<hbm>> -> memref<1x80x128xi32, #tpu.memory_space<hbm>>
      %dma_start3A_48 = tpu.memref_squeeze %dma_start3A_47 : memref<1x80x128xi32, #tpu.memory_space<hbm>> -> memref<80x128xi32, #tpu.memory_space<hbm>>
      tpu.enqueue_dma source(%dma_start3A_48 : memref<80x128xi32, #tpu.memory_space<hbm>>) target(%arg9 : memref<80x128xi32, #tpu.memory_space<vmem>>) target_semaphore(%run_scoped3A : memref<!tpu.dma_semaphore, #tpu.memory_space<semaphore_mem>>)
      %dma_wait3A = arith.constant 0 : i32
      %dma_wait3A_49 = arith.constant 0 : i32
      %dma_wait3A_50 = tpu.memref_slice %arg4[%arg1, %dma_wait3A, %dma_wait3A_49] : memref<16x160x128xi32, #tpu.memory_space<hbm>> -> memref<1x80x128xi32, #tpu.memory_space<hbm>>
      %dma_wait3A_51 = tpu.memref_squeeze %dma_wait3A_50 : memref<1x80x128xi32, #tpu.memory_space<hbm>> -> memref<80x128xi32, #tpu.memory_space<hbm>>
      %dma_wait3A_52 = arith.constant 0 : i32
      %dma_wait3A_53 = arith.constant 0 : i32
      %dma_wait3A_54 = tpu.memref_slice %arg4[%arg1, %dma_wait3A_52, %dma_wait3A_53] : memref<16x160x128xi32, #tpu.memory_space<hbm>> -> memref<1x80x128xi32, #tpu.memory_space<hbm>>
      %dma_wait3A_55 = tpu.memref_squeeze %dma_wait3A_54 : memref<1x80x128xi32, #tpu.memory_space<hbm>> -> memref<80x128xi32, #tpu.memory_space<hbm>>
      tpu.wait_dma2 semaphore(%run_scoped3A : memref<!tpu.dma_semaphore, #tpu.memory_space<semaphore_mem>>) src(%dma_wait3A_55 : memref<80x128xi32, #tpu.memory_space<hbm>>) dst(%arg9 : memref<80x128xi32, #tpu.memory_space<vmem>>)
      tpu.yield
    }) : () -> ()
    %dma_start3A = arith.constant 0 : i32
    %dma_start3A_13 = arith.constant 0 : i32
    %dma_start3A_14 = tpu.memref_slice %arg8[%dma_start3A, %dma_start3A_13] : memref<80x128xi32, #tpu.memory_space<vmem>> -> memref<1x128xi32, #tpu.memory_space<vmem>>
    %dma_start3A_15 = tpu.memref_squeeze %dma_start3A_14 : memref<1x128xi32, #tpu.memory_space<vmem>> -> memref<128xi32, #tpu.memory_space<vmem>>
    %dma_start3A_16 = arith.constant 0 : i32
    %dma_start3A_17 = arith.constant 0 : i32
    %dma_start3A_18 = tpu.memref_slice %arg6[%dma_start3A_16, %dma_start3A_17] : memref<10240x64xf32, #tpu.memory_space<vmem_shared>> -> memref<10240x64xf32, #tpu.memory_space<vmem_shared>>
    tpu.enqueue_indirect_dma source(%dma_start3A_18 : memref<10240x64xf32, #tpu.memory_space<vmem_shared>>) target(%arg10 : memref<128x64xf32, #tpu.memory_space<vmem>>) offsets(%dma_start3A_15 : memref<128xi32, #tpu.memory_space<vmem>>) semaphore(%arg12 : memref<!tpu.dma_semaphore, #tpu.memory_space<semaphore_mem>>)
    %scan3A_19 = arith.constant 0 : i32
    %scan3A_20 = arith.constant 40 : i32
    %scan3A_21 = arith.addi %scan3A_19, %scan3A_20 : i32
    %scan3A_22 = arith.constant 1 : i32
    scf.for %scan3A_41 = %scan3A_19 to %scan3A_21 step %scan3A_22  : i32 {
      %mul3A_42 = arith.constant 2 : i32
      %mul3A_43 = arith.muli %scan3A_41, %mul3A_42 : i32
      %add3A = arith.constant 0 : i32
      %add3A_44 = arith.addi %add3A, %mul3A_43 : i32
      %add3A_45 = arith.constant 0 : i32
      %add3A_46 = arith.addi %add3A_44, %add3A_45 : i32
      %dma_wait3A = arith.constant 0 : i32
      %dma_wait3A_47 = tpu.memref_slice %arg8[%add3A_46, %dma_wait3A] : memref<80x128xi32, #tpu.memory_space<vmem>> -> memref<1x128xi32, #tpu.memory_space<vmem>>
      %dma_wait3A_48 = tpu.memref_squeeze %dma_wait3A_47 : memref<1x128xi32, #tpu.memory_space<vmem>> -> memref<128xi32, #tpu.memory_space<vmem>>
      %dma_wait3A_49 = arith.constant 0 : i32
      %dma_wait3A_50 = arith.constant 0 : i32
      %dma_wait3A_51 = tpu.memref_slice %arg6[%dma_wait3A_49, %dma_wait3A_50] : memref<10240x64xf32, #tpu.memory_space<vmem_shared>> -> memref<10240x64xf32, #tpu.memory_space<vmem_shared>>
      tpu.wait_indirect_dma semaphore(%arg12 : memref<!tpu.dma_semaphore, #tpu.memory_space<semaphore_mem>>) src(%dma_wait3A_51 : memref<10240x64xf32, #tpu.memory_space<vmem_shared>>) dst(%arg10 : memref<128x64xf32, #tpu.memory_space<vmem>>)
      %add3A_52 = arith.constant 1 : i32
      %add3A_53 = arith.addi %add3A_46, %add3A_52 : i32
      %lt3A = arith.constant 80 : i32
      %lt3A_54 = arith.cmpi slt, %add3A_53, %lt3A : i32
      %convert_element_type3A = arith.extui %lt3A_54 : i1 to i32
      %cond3A = arith.constant 0 : i32
      %cond3A_55 = arith.cmpi ne, %convert_element_type3A, %cond3A : i32
      scf.if %cond3A_55 {
        %add3A_71 = arith.constant 1 : i32
        %add3A_72 = arith.addi %add3A_46, %add3A_71 : i32
        %dma_start3A_73 = arith.constant 0 : i32
        %dma_start3A_74 = tpu.memref_slice %arg8[%add3A_72, %dma_start3A_73] : memref<80x128xi32, #tpu.memory_space<vmem>> -> memref<1x128xi32, #tpu.memory_space<vmem>>
        %dma_start3A_75 = tpu.memref_squeeze %dma_start3A_74 : memref<1x128xi32, #tpu.memory_space<vmem>> -> memref<128xi32, #tpu.memory_space<vmem>>
        %dma_start3A_76 = arith.constant 0 : i32
        %dma_start3A_77 = arith.constant 0 : i32
        %dma_start3A_78 = tpu.memref_slice %arg6[%dma_start3A_76, %dma_start3A_77] : memref<10240x64xf32, #tpu.memory_space<vmem_shared>> -> memref<10240x64xf32, #tpu.memory_space<vmem_shared>>
        tpu.enqueue_indirect_dma source(%dma_start3A_78 : memref<10240x64xf32, #tpu.memory_space<vmem_shared>>) target(%arg11 : memref<128x64xf32, #tpu.memory_space<vmem>>) offsets(%dma_start3A_75 : memref<128xi32, #tpu.memory_space<vmem>>) semaphore(%arg13 : memref<!tpu.dma_semaphore, #tpu.memory_space<semaphore_mem>>)
      } else {
      }
      "tpu.region"() ({
        %run_scoped3A = tpu.sem_alloc : memref<!tpu.dma_semaphore, #tpu.memory_space<semaphore_mem>>
        %dma_start3A_71 = arith.constant 0 : i32
        %dma_start3A_72 = tpu.memref_slice %arg9[%add3A_46, %dma_start3A_71] : memref<80x128xi32, #tpu.memory_space<vmem>> -> memref<1x128xi32, #tpu.memory_space<vmem>>
        %dma_start3A_73 = tpu.memref_squeeze %dma_start3A_72 : memref<1x128xi32, #tpu.memory_space<vmem>> -> memref<128xi32, #tpu.memory_space<vmem>>
        %dma_start3A_74 = arith.constant 0 : i32
        %dma_start3A_75 = arith.constant 0 : i32
        %dma_start3A_76 = tpu.memref_slice %arg7[%dma_start3A_74, %dma_start3A_75] : memref<10240x64xf32, #tpu.memory_space<vmem_shared>> -> memref<10240x64xf32, #tpu.memory_space<vmem_shared>>
        tpu.enqueue_indirect_dma source(%arg10 : memref<128x64xf32, #tpu.memory_space<vmem>>) target(%dma_start3A_76 : memref<10240x64xf32, #tpu.memory_space<vmem_shared>>) offsets(%dma_start3A_73 : memref<128xi32, #tpu.memory_space<vmem>>) semaphore(%run_scoped3A : memref<!tpu.dma_semaphore, #tpu.memory_space<semaphore_mem>>) {add = true}
        %dma_wait3A_77 = arith.constant 0 : i32
        %dma_wait3A_78 = tpu.memref_slice %arg9[%add3A_46, %dma_wait3A_77] : memref<80x128xi32, #tpu.memory_space<vmem>> -> memref<1x128xi32, #tpu.memory_space<vmem>>
        %dma_wait3A_79 = tpu.memref_squeeze %dma_wait3A_78 : memref<1x128xi32, #tpu.memory_space<vmem>> -> memref<128xi32, #tpu.memory_space<vmem>>
        %dma_wait3A_80 = arith.constant 0 : i32
        %dma_wait3A_81 = arith.constant 0 : i32
        %dma_wait3A_82 = tpu.memref_slice %arg7[%dma_wait3A_80, %dma_wait3A_81] : memref<10240x64xf32, #tpu.memory_space<vmem_shared>> -> memref<10240x64xf32, #tpu.memory_space<vmem_shared>>
        tpu.wait_indirect_dma semaphore(%run_scoped3A : memref<!tpu.dma_semaphore, #tpu.memory_space<semaphore_mem>>) src(%arg10 : memref<128x64xf32, #tpu.memory_space<vmem>>) dst(%dma_wait3A_82 : memref<10240x64xf32, #tpu.memory_space<vmem_shared>>)
        tpu.yield
      }) : () -> ()
      %add3A_56 = arith.constant 1 : i32
      %add3A_57 = arith.addi %add3A_44, %add3A_56 : i32
      %dma_wait3A_58 = arith.constant 0 : i32
      %dma_wait3A_59 = tpu.memref_slice %arg8[%add3A_57, %dma_wait3A_58] : memref<80x128xi32, #tpu.memory_space<vmem>> -> memref<1x128xi32, #tpu.memory_space<vmem>>
      %dma_wait3A_60 = tpu.memref_squeeze %dma_wait3A_59 : memref<1x128xi32, #tpu.memory_space<vmem>> -> memref<128xi32, #tpu.memory_space<vmem>>
      %dma_wait3A_61 = arith.constant 0 : i32
      %dma_wait3A_62 = arith.constant 0 : i32
      %dma_wait3A_63 = tpu.memref_slice %arg6[%dma_wait3A_61, %dma_wait3A_62] : memref<10240x64xf32, #tpu.memory_space<vmem_shared>> -> memref<10240x64xf32, #tpu.memory_space<vmem_shared>>
      tpu.wait_indirect_dma semaphore(%arg13 : memref<!tpu.dma_semaphore, #tpu.memory_space<semaphore_mem>>) src(%dma_wait3A_63 : memref<10240x64xf32, #tpu.memory_space<vmem_shared>>) dst(%arg11 : memref<128x64xf32, #tpu.memory_space<vmem>>)
      %add3A_64 = arith.constant 1 : i32
      %add3A_65 = arith.addi %add3A_57, %add3A_64 : i32
      %lt3A_66 = arith.constant 80 : i32
      %lt3A_67 = arith.cmpi slt, %add3A_65, %lt3A_66 : i32
      %convert_element_type3A_68 = arith.extui %lt3A_67 : i1 to i32
      %cond3A_69 = arith.constant 0 : i32
      %cond3A_70 = arith.cmpi ne, %convert_element_type3A_68, %cond3A_69 : i32
      scf.if %cond3A_70 {
        %add3A_71 = arith.constant 1 : i32
        %add3A_72 = arith.addi %add3A_57, %add3A_71 : i32
        %dma_start3A_73 = arith.constant 0 : i32
        %dma_start3A_74 = tpu.memref_slice %arg8[%add3A_72, %dma_start3A_73] : memref<80x128xi32, #tpu.memory_space<vmem>> -> memref<1x128xi32, #tpu.memory_space<vmem>>
        %dma_start3A_75 = tpu.memref_squeeze %dma_start3A_74 : memref<1x128xi32, #tpu.memory_space<vmem>> -> memref<128xi32, #tpu.memory_space<vmem>>
        %dma_start3A_76 = arith.constant 0 : i32
        %dma_start3A_77 = arith.constant 0 : i32
        %dma_start3A_78 = tpu.memref_slice %arg6[%dma_start3A_76, %dma_start3A_77] : memref<10240x64xf32, #tpu.memory_space<vmem_shared>> -> memref<10240x64xf32, #tpu.memory_space<vmem_shared>>
        tpu.enqueue_indirect_dma source(%dma_start3A_78 : memref<10240x64xf32, #tpu.memory_space<vmem_shared>>) target(%arg10 : memref<128x64xf32, #tpu.memory_space<vmem>>) offsets(%dma_start3A_75 : memref<128xi32, #tpu.memory_space<vmem>>) semaphore(%arg12 : memref<!tpu.dma_semaphore, #tpu.memory_space<semaphore_mem>>)
      } else {
      }
      "tpu.region"() ({
        %run_scoped3A = tpu.sem_alloc : memref<!tpu.dma_semaphore, #tpu.memory_space<semaphore_mem>>
        %dma_start3A_71 = arith.constant 0 : i32
        %dma_start3A_72 = tpu.memref_slice %arg9[%add3A_57, %dma_start3A_71] : memref<80x128xi32, #tpu.memory_space<vmem>> -> memref<1x128xi32, #tpu.memory_space<vmem>>
        %dma_start3A_73 = tpu.memref_squeeze %dma_start3A_72 : memref<1x128xi32, #tpu.memory_space<vmem>> -> memref<128xi32, #tpu.memory_space<vmem>>
        %dma_start3A_74 = arith.constant 0 : i32
        %dma_start3A_75 = arith.constant 0 : i32
        %dma_start3A_76 = tpu.memref_slice %arg7[%dma_start3A_74, %dma_start3A_75] : memref<10240x64xf32, #tpu.memory_space<vmem_shared>> -> memref<10240x64xf32, #tpu.memory_space<vmem_shared>>
        tpu.enqueue_indirect_dma source(%arg11 : memref<128x64xf32, #tpu.memory_space<vmem>>) target(%dma_start3A_76 : memref<10240x64xf32, #tpu.memory_space<vmem_shared>>) offsets(%dma_start3A_73 : memref<128xi32, #tpu.memory_space<vmem>>) semaphore(%run_scoped3A : memref<!tpu.dma_semaphore, #tpu.memory_space<semaphore_mem>>) {add = true}
        %dma_wait3A_77 = arith.constant 0 : i32
        %dma_wait3A_78 = tpu.memref_slice %arg9[%add3A_57, %dma_wait3A_77] : memref<80x128xi32, #tpu.memory_space<vmem>> -> memref<1x128xi32, #tpu.memory_space<vmem>>
        %dma_wait3A_79 = tpu.memref_squeeze %dma_wait3A_78 : memref<1x128xi32, #tpu.memory_space<vmem>> -> memref<128xi32, #tpu.memory_space<vmem>>
        %dma_wait3A_80 = arith.constant 0 : i32
        %dma_wait3A_81 = arith.constant 0 : i32
        %dma_wait3A_82 = tpu.memref_slice %arg7[%dma_wait3A_80, %dma_wait3A_81] : memref<10240x64xf32, #tpu.memory_space<vmem_shared>> -> memref<10240x64xf32, #tpu.memory_space<vmem_shared>>
        tpu.wait_indirect_dma semaphore(%run_scoped3A : memref<!tpu.dma_semaphore, #tpu.memory_space<semaphore_mem>>) src(%arg11 : memref<128x64xf32, #tpu.memory_space<vmem>>) dst(%dma_wait3A_82 : memref<10240x64xf32, #tpu.memory_space<vmem_shared>>)
        tpu.yield
      }) : () -> ()
    }
    %scan3A_23 = arith.constant 40 : i32
    "tpu.region"() ({
      %run_scoped3A = tpu.sem_alloc : memref<!tpu.dma_semaphore, #tpu.memory_space<semaphore_mem>>
      %dma_start3A_41 = arith.constant 80 : i32
      %dma_start3A_42 = arith.constant 0 : i32
      %dma_start3A_43 = tpu.memref_slice %arg3[%arg1, %dma_start3A_41, %dma_start3A_42] : memref<16x160x128xi32, #tpu.memory_space<hbm>> -> memref<1x80x128xi32, #tpu.memory_space<hbm>>
      %dma_start3A_44 = tpu.memref_squeeze %dma_start3A_43 : memref<1x80x128xi32, #tpu.memory_space<hbm>> -> memref<80x128xi32, #tpu.memory_space<hbm>>
      %dma_start3A_45 = arith.constant 80 : i32
      %dma_start3A_46 = arith.constant 0 : i32
      %dma_start3A_47 = tpu.memref_slice %arg3[%arg1, %dma_start3A_45, %dma_start3A_46] : memref<16x160x128xi32, #tpu.memory_space<hbm>> -> memref<1x80x128xi32, #tpu.memory_space<hbm>>
      %dma_start3A_48 = tpu.memref_squeeze %dma_start3A_47 : memref<1x80x128xi32, #tpu.memory_space<hbm>> -> memref<80x128xi32, #tpu.memory_space<hbm>>
      tpu.enqueue_dma source(%dma_start3A_48 : memref<80x128xi32, #tpu.memory_space<hbm>>) target(%arg8 : memref<80x128xi32, #tpu.memory_space<vmem>>) target_semaphore(%run_scoped3A : memref<!tpu.dma_semaphore, #tpu.memory_space<semaphore_mem>>)
      %dma_wait3A = arith.constant 80 : i32
      %dma_wait3A_49 = arith.constant 0 : i32
      %dma_wait3A_50 = tpu.memref_slice %arg3[%arg1, %dma_wait3A, %dma_wait3A_49] : memref<16x160x128xi32, #tpu.memory_space<hbm>> -> memref<1x80x128xi32, #tpu.memory_space<hbm>>
      %dma_wait3A_51 = tpu.memref_squeeze %dma_wait3A_50 : memref<1x80x128xi32, #tpu.memory_space<hbm>> -> memref<80x128xi32, #tpu.memory_space<hbm>>
      %dma_wait3A_52 = arith.constant 80 : i32
      %dma_wait3A_53 = arith.constant 0 : i32
      %dma_wait3A_54 = tpu.memref_slice %arg3[%arg1, %dma_wait3A_52, %dma_wait3A_53] : memref<16x160x128xi32, #tpu.memory_space<hbm>> -> memref<1x80x128xi32, #tpu.memory_space<hbm>>
      %dma_wait3A_55 = tpu.memref_squeeze %dma_wait3A_54 : memref<1x80x128xi32, #tpu.memory_space<hbm>> -> memref<80x128xi32, #tpu.memory_space<hbm>>
      tpu.wait_dma2 semaphore(%run_scoped3A : memref<!tpu.dma_semaphore, #tpu.memory_space<semaphore_mem>>) src(%dma_wait3A_55 : memref<80x128xi32, #tpu.memory_space<hbm>>) dst(%arg8 : memref<80x128xi32, #tpu.memory_space<vmem>>)
      tpu.yield
    }) : () -> ()
    "tpu.region"() ({
      %run_scoped3A = tpu.sem_alloc : memref<!tpu.dma_semaphore, #tpu.memory_space<semaphore_mem>>
      %dma_start3A_41 = arith.constant 80 : i32
      %dma_start3A_42 = arith.constant 0 : i32
      %dma_start3A_43 = tpu.memref_slice %arg4[%arg1, %dma_start3A_41, %dma_start3A_42] : memref<16x160x128xi32, #tpu.memory_space<hbm>> -> memref<1x80x128xi32, #tpu.memory_space<hbm>>
      %dma_start3A_44 = tpu.memref_squeeze %dma_start3A_43 : memref<1x80x128xi32, #tpu.memory_space<hbm>> -> memref<80x128xi32, #tpu.memory_space<hbm>>
      %dma_start3A_45 = arith.constant 80 : i32
      %dma_start3A_46 = arith.constant 0 : i32
      %dma_start3A_47 = tpu.memref_slice %arg4[%arg1, %dma_start3A_45, %dma_start3A_46] : memref<16x160x128xi32, #tpu.memory_space<hbm>> -> memref<1x80x128xi32, #tpu.memory_space<hbm>>
      %dma_start3A_48 = tpu.memref_squeeze %dma_start3A_47 : memref<1x80x128xi32, #tpu.memory_space<hbm>> -> memref<80x128xi32, #tpu.memory_space<hbm>>
      tpu.enqueue_dma source(%dma_start3A_48 : memref<80x128xi32, #tpu.memory_space<hbm>>) target(%arg9 : memref<80x128xi32, #tpu.memory_space<vmem>>) target_semaphore(%run_scoped3A : memref<!tpu.dma_semaphore, #tpu.memory_space<semaphore_mem>>)
      %dma_wait3A = arith.constant 80 : i32
      %dma_wait3A_49 = arith.constant 0 : i32
      %dma_wait3A_50 = tpu.memref_slice %arg4[%arg1, %dma_wait3A, %dma_wait3A_49] : memref<16x160x128xi32, #tpu.memory_space<hbm>> -> memref<1x80x128xi32, #tpu.memory_space<hbm>>
      %dma_wait3A_51 = tpu.memref_squeeze %dma_wait3A_50 : memref<1x80x128xi32, #tpu.memory_space<hbm>> -> memref<80x128xi32, #tpu.memory_space<hbm>>
      %dma_wait3A_52 = arith.constant 80 : i32
      %dma_wait3A_53 = arith.constant 0 : i32
      %dma_wait3A_54 = tpu.memref_slice %arg4[%arg1, %dma_wait3A_52, %dma_wait3A_53] : memref<16x160x128xi32, #tpu.memory_space<hbm>> -> memref<1x80x128xi32, #tpu.memory_space<hbm>>
      %dma_wait3A_55 = tpu.memref_squeeze %dma_wait3A_54 : memref<1x80x128xi32, #tpu.memory_space<hbm>> -> memref<80x128xi32, #tpu.memory_space<hbm>>
      tpu.wait_dma2 semaphore(%run_scoped3A : memref<!tpu.dma_semaphore, #tpu.memory_space<semaphore_mem>>) src(%dma_wait3A_55 : memref<80x128xi32, #tpu.memory_space<hbm>>) dst(%arg9 : memref<80x128xi32, #tpu.memory_space<vmem>>)
      tpu.yield
    }) : () -> ()
    %dma_start3A_24 = arith.constant 0 : i32
    %dma_start3A_25 = arith.constant 0 : i32
    %dma_start3A_26 = tpu.memref_slice %arg8[%dma_start3A_24, %dma_start3A_25] : memref<80x128xi32, #tpu.memory_space<vmem>> -> memref<1x128xi32, #tpu.memory_space<vmem>>
    %dma_start3A_27 = tpu.memref_squeeze %dma_start3A_26 : memref<1x128xi32, #tpu.memory_space<vmem>> -> memref<128xi32, #tpu.memory_space<vmem>>
    %dma_start3A_28 = arith.constant 0 : i32
    %dma_start3A_29 = arith.constant 0 : i32
    %dma_start3A_30 = tpu.memref_slice %arg6[%dma_start3A_28, %dma_start3A_29] : memref<10240x64xf32, #tpu.memory_space<vmem_shared>> -> memref<10240x64xf32, #tpu.memory_space<vmem_shared>>
    tpu.enqueue_indirect_dma source(%dma_start3A_30 : memref<10240x64xf32, #tpu.memory_space<vmem_shared>>) target(%arg10 : memref<128x64xf32, #tpu.memory_space<vmem>>) offsets(%dma_start3A_27 : memref<128xi32, #tpu.memory_space<vmem>>) semaphore(%arg12 : memref<!tpu.dma_semaphore, #tpu.memory_space<semaphore_mem>>)
    %scan3A_31 = arith.constant 0 : i32
    %scan3A_32 = arith.constant 40 : i32
    %scan3A_33 = arith.addi %scan3A_31, %scan3A_32 : i32
    %scan3A_34 = arith.constant 1 : i32
    scf.for %scan3A_41 = %scan3A_31 to %scan3A_33 step %scan3A_34  : i32 {
      %mul3A_42 = arith.constant 2 : i32
      %mul3A_43 = arith.muli %scan3A_41, %mul3A_42 : i32
      %add3A = arith.constant 0 : i32
      %add3A_44 = arith.addi %add3A, %mul3A_43 : i32
      %add3A_45 = arith.constant 0 : i32
      %add3A_46 = arith.addi %add3A_44, %add3A_45 : i32
      %dma_wait3A = arith.constant 0 : i32
      %dma_wait3A_47 = tpu.memref_slice %arg8[%add3A_46, %dma_wait3A] : memref<80x128xi32, #tpu.memory_space<vmem>> -> memref<1x128xi32, #tpu.memory_space<vmem>>
      %dma_wait3A_48 = tpu.memref_squeeze %dma_wait3A_47 : memref<1x128xi32, #tpu.memory_space<vmem>> -> memref<128xi32, #tpu.memory_space<vmem>>
      %dma_wait3A_49 = arith.constant 0 : i32
      %dma_wait3A_50 = arith.constant 0 : i32
      %dma_wait3A_51 = tpu.memref_slice %arg6[%dma_wait3A_49, %dma_wait3A_50] : memref<10240x64xf32, #tpu.memory_space<vmem_shared>> -> memref<10240x64xf32, #tpu.memory_space<vmem_shared>>
      tpu.wait_indirect_dma semaphore(%arg12 : memref<!tpu.dma_semaphore, #tpu.memory_space<semaphore_mem>>) src(%dma_wait3A_51 : memref<10240x64xf32, #tpu.memory_space<vmem_shared>>) dst(%arg10 : memref<128x64xf32, #tpu.memory_space<vmem>>)
      %add3A_52 = arith.constant 1 : i32
      %add3A_53 = arith.addi %add3A_46, %add3A_52 : i32
      %lt3A = arith.constant 80 : i32
      %lt3A_54 = arith.cmpi slt, %add3A_53, %lt3A : i32
      %convert_element_type3A = arith.extui %lt3A_54 : i1 to i32
      %cond3A = arith.constant 0 : i32
      %cond3A_55 = arith.cmpi ne, %convert_element_type3A, %cond3A : i32
      scf.if %cond3A_55 {
        %add3A_71 = arith.constant 1 : i32
        %add3A_72 = arith.addi %add3A_46, %add3A_71 : i32
        %dma_start3A_73 = arith.constant 0 : i32
        %dma_start3A_74 = tpu.memref_slice %arg8[%add3A_72, %dma_start3A_73] : memref<80x128xi32, #tpu.memory_space<vmem>> -> memref<1x128xi32, #tpu.memory_space<vmem>>
        %dma_start3A_75 = tpu.memref_squeeze %dma_start3A_74 : memref<1x128xi32, #tpu.memory_space<vmem>> -> memref<128xi32, #tpu.memory_space<vmem>>
        %dma_start3A_76 = arith.constant 0 : i32
        %dma_start3A_77 = arith.constant 0 : i32
        %dma_start3A_78 = tpu.memref_slice %arg6[%dma_start3A_76, %dma_start3A_77] : memref<10240x64xf32, #tpu.memory_space<vmem_shared>> -> memref<10240x64xf32, #tpu.memory_space<vmem_shared>>
        tpu.enqueue_indirect_dma source(%dma_start3A_78 : memref<10240x64xf32, #tpu.memory_space<vmem_shared>>) target(%arg11 : memref<128x64xf32, #tpu.memory_space<vmem>>) offsets(%dma_start3A_75 : memref<128xi32, #tpu.memory_space<vmem>>) semaphore(%arg13 : memref<!tpu.dma_semaphore, #tpu.memory_space<semaphore_mem>>)
      } else {
      }
      "tpu.region"() ({
        %run_scoped3A = tpu.sem_alloc : memref<!tpu.dma_semaphore, #tpu.memory_space<semaphore_mem>>
        %dma_start3A_71 = arith.constant 0 : i32
        %dma_start3A_72 = tpu.memref_slice %arg9[%add3A_46, %dma_start3A_71] : memref<80x128xi32, #tpu.memory_space<vmem>> -> memref<1x128xi32, #tpu.memory_space<vmem>>
        %dma_start3A_73 = tpu.memref_squeeze %dma_start3A_72 : memref<1x128xi32, #tpu.memory_space<vmem>> -> memref<128xi32, #tpu.memory_space<vmem>>
        %dma_start3A_74 = arith.constant 0 : i32
        %dma_start3A_75 = arith.constant 0 : i32
        %dma_start3A_76 = tpu.memref_slice %arg7[%dma_start3A_74, %dma_start3A_75] : memref<10240x64xf32, #tpu.memory_space<vmem_shared>> -> memref<10240x64xf32, #tpu.memory_space<vmem_shared>>
        tpu.enqueue_indirect_dma source(%arg10 : memref<128x64xf32, #tpu.memory_space<vmem>>) target(%dma_start3A_76 : memref<10240x64xf32, #tpu.memory_space<vmem_shared>>) offsets(%dma_start3A_73 : memref<128xi32, #tpu.memory_space<vmem>>) semaphore(%run_scoped3A : memref<!tpu.dma_semaphore, #tpu.memory_space<semaphore_mem>>) {add = true}
        %dma_wait3A_77 = arith.constant 0 : i32
        %dma_wait3A_78 = tpu.memref_slice %arg9[%add3A_46, %dma_wait3A_77] : memref<80x128xi32, #tpu.memory_space<vmem>> -> memref<1x128xi32, #tpu.memory_space<vmem>>
        %dma_wait3A_79 = tpu.memref_squeeze %dma_wait3A_78 : memref<1x128xi32, #tpu.memory_space<vmem>> -> memref<128xi32, #tpu.memory_space<vmem>>
        %dma_wait3A_80 = arith.constant 0 : i32
        %dma_wait3A_81 = arith.constant 0 : i32
        %dma_wait3A_82 = tpu.memref_slice %arg7[%dma_wait3A_80, %dma_wait3A_81] : memref<10240x64xf32, #tpu.memory_space<vmem_shared>> -> memref<10240x64xf32, #tpu.memory_space<vmem_shared>>
        tpu.wait_indirect_dma semaphore(%run_scoped3A : memref<!tpu.dma_semaphore, #tpu.memory_space<semaphore_mem>>) src(%arg10 : memref<128x64xf32, #tpu.memory_space<vmem>>) dst(%dma_wait3A_82 : memref<10240x64xf32, #tpu.memory_space<vmem_shared>>)
        tpu.yield
      }) : () -> ()
      %add3A_56 = arith.constant 1 : i32
      %add3A_57 = arith.addi %add3A_44, %add3A_56 : i32
      %dma_wait3A_58 = arith.constant 0 : i32
      %dma_wait3A_59 = tpu.memref_slice %arg8[%add3A_57, %dma_wait3A_58] : memref<80x128xi32, #tpu.memory_space<vmem>> -> memref<1x128xi32, #tpu.memory_space<vmem>>
      %dma_wait3A_60 = tpu.memref_squeeze %dma_wait3A_59 : memref<1x128xi32, #tpu.memory_space<vmem>> -> memref<128xi32, #tpu.memory_space<vmem>>
      %dma_wait3A_61 = arith.constant 0 : i32
      %dma_wait3A_62 = arith.constant 0 : i32
      %dma_wait3A_63 = tpu.memref_slice %arg6[%dma_wait3A_61, %dma_wait3A_62] : memref<10240x64xf32, #tpu.memory_space<vmem_shared>> -> memref<10240x64xf32, #tpu.memory_space<vmem_shared>>
      tpu.wait_indirect_dma semaphore(%arg13 : memref<!tpu.dma_semaphore, #tpu.memory_space<semaphore_mem>>) src(%dma_wait3A_63 : memref<10240x64xf32, #tpu.memory_space<vmem_shared>>) dst(%arg11 : memref<128x64xf32, #tpu.memory_space<vmem>>)
      %add3A_64 = arith.constant 1 : i32
      %add3A_65 = arith.addi %add3A_57, %add3A_64 : i32
      %lt3A_66 = arith.constant 80 : i32
      %lt3A_67 = arith.cmpi slt, %add3A_65, %lt3A_66 : i32
      %convert_element_type3A_68 = arith.extui %lt3A_67 : i1 to i32
      %cond3A_69 = arith.constant 0 : i32
      %cond3A_70 = arith.cmpi ne, %convert_element_type3A_68, %cond3A_69 : i32
      scf.if %cond3A_70 {
        %add3A_71 = arith.constant 1 : i32
        %add3A_72 = arith.addi %add3A_57, %add3A_71 : i32
        %dma_start3A_73 = arith.constant 0 : i32
        %dma_start3A_74 = tpu.memref_slice %arg8[%add3A_72, %dma_start3A_73] : memref<80x128xi32, #tpu.memory_space<vmem>> -> memref<1x128xi32, #tpu.memory_space<vmem>>
        %dma_start3A_75 = tpu.memref_squeeze %dma_start3A_74 : memref<1x128xi32, #tpu.memory_space<vmem>> -> memref<128xi32, #tpu.memory_space<vmem>>
        %dma_start3A_76 = arith.constant 0 : i32
        %dma_start3A_77 = arith.constant 0 : i32
        %dma_start3A_78 = tpu.memref_slice %arg6[%dma_start3A_76, %dma_start3A_77] : memref<10240x64xf32, #tpu.memory_space<vmem_shared>> -> memref<10240x64xf32, #tpu.memory_space<vmem_shared>>
        tpu.enqueue_indirect_dma source(%dma_start3A_78 : memref<10240x64xf32, #tpu.memory_space<vmem_shared>>) target(%arg10 : memref<128x64xf32, #tpu.memory_space<vmem>>) offsets(%dma_start3A_75 : memref<128xi32, #tpu.memory_space<vmem>>) semaphore(%arg12 : memref<!tpu.dma_semaphore, #tpu.memory_space<semaphore_mem>>)
      } else {
      }
      "tpu.region"() ({
        %run_scoped3A = tpu.sem_alloc : memref<!tpu.dma_semaphore, #tpu.memory_space<semaphore_mem>>
        %dma_start3A_71 = arith.constant 0 : i32
        %dma_start3A_72 = tpu.memref_slice %arg9[%add3A_57, %dma_start3A_71] : memref<80x128xi32, #tpu.memory_space<vmem>> -> memref<1x128xi32, #tpu.memory_space<vmem>>
        %dma_start3A_73 = tpu.memref_squeeze %dma_start3A_72 : memref<1x128xi32, #tpu.memory_space<vmem>> -> memref<128xi32, #tpu.memory_space<vmem>>
        %dma_start3A_74 = arith.constant 0 : i32
        %dma_start3A_75 = arith.constant 0 : i32
        %dma_start3A_76 = tpu.memref_slice %arg7[%dma_start3A_74, %dma_start3A_75] : memref<10240x64xf32, #tpu.memory_space<vmem_shared>> -> memref<10240x64xf32, #tpu.memory_space<vmem_shared>>
        tpu.enqueue_indirect_dma source(%arg11 : memref<128x64xf32, #tpu.memory_space<vmem>>) target(%dma_start3A_76 : memref<10240x64xf32, #tpu.memory_space<vmem_shared>>) offsets(%dma_start3A_73 : memref<128xi32, #tpu.memory_space<vmem>>) semaphore(%run_scoped3A : memref<!tpu.dma_semaphore, #tpu.memory_space<semaphore_mem>>) {add = true}
        %dma_wait3A_77 = arith.constant 0 : i32
        %dma_wait3A_78 = tpu.memref_slice %arg9[%add3A_57, %dma_wait3A_77] : memref<80x128xi32, #tpu.memory_space<vmem>> -> memref<1x128xi32, #tpu.memory_space<vmem>>
        %dma_wait3A_79 = tpu.memref_squeeze %dma_wait3A_78 : memref<1x128xi32, #tpu.memory_space<vmem>> -> memref<128xi32, #tpu.memory_space<vmem>>
        %dma_wait3A_80 = arith.constant 0 : i32
        %dma_wait3A_81 = arith.constant 0 : i32
        %dma_wait3A_82 = tpu.memref_slice %arg7[%dma_wait3A_80, %dma_wait3A_81] : memref<10240x64xf32, #tpu.memory_space<vmem_shared>> -> memref<10240x64xf32, #tpu.memory_space<vmem_shared>>
        tpu.wait_indirect_dma semaphore(%run_scoped3A : memref<!tpu.dma_semaphore, #tpu.memory_space<semaphore_mem>>) src(%arg11 : memref<128x64xf32, #tpu.memory_space<vmem>>) dst(%dma_wait3A_82 : memref<10240x64xf32, #tpu.memory_space<vmem_shared>>)
        tpu.yield
      }) : () -> ()
    }
    %scan3A_35 = arith.constant 40 : i32
    %barrier3A_36 = arith.constant 0 : index
    tpu.barrier barrier_id(%barrier3A_36)
    %mul3A_37 = arith.constant 640 : i32
    %mul3A_38 = arith.muli %arg1, %mul3A_37 : i32
    %mul3A_39 = arith.constant 640 : i32
    %mul3A_40 = arith.muli %arg1, %mul3A_39 : i32
    "tpu.region"() ({
      %run_scoped3A = tpu.sem_alloc : memref<!tpu.dma_semaphore, #tpu.memory_space<semaphore_mem>>
      %dma_start3A_41 = arith.constant 0 : i32
      %dma_start3A_42 = tpu.memref_slice %arg5[%arg0, %mul3A_40, %dma_start3A_41] : memref<2x10240x64xf32, #tpu.memory_space<hbm>> -> memref<1x640x64xf32, #tpu.memory_space<hbm>>
      %dma_start3A_43 = tpu.memref_squeeze %dma_start3A_42 : memref<1x640x64xf32, #tpu.memory_space<hbm>> -> memref<640x64xf32, #tpu.memory_space<hbm>>
      %dma_start3A_44 = arith.constant 0 : i32
      %dma_start3A_45 = tpu.memref_slice %arg7[%mul3A_38, %dma_start3A_44] : memref<10240x64xf32, #tpu.memory_space<vmem_shared>> -> memref<640x64xf32, #tpu.memory_space<vmem_shared>>
      tpu.enqueue_dma source(%dma_start3A_45 : memref<640x64xf32, #tpu.memory_space<vmem_shared>>) target(%dma_start3A_43 : memref<640x64xf32, #tpu.memory_space<hbm>>) target_semaphore(%run_scoped3A : memref<!tpu.dma_semaphore, #tpu.memory_space<semaphore_mem>>)
      %dma_wait3A = arith.constant 0 : i32
      %dma_wait3A_46 = tpu.memref_slice %arg5[%arg0, %mul3A_40, %dma_wait3A] : memref<2x10240x64xf32, #tpu.memory_space<hbm>> -> memref<1x640x64xf32, #tpu.memory_space<hbm>>
      %dma_wait3A_47 = tpu.memref_squeeze %dma_wait3A_46 : memref<1x640x64xf32, #tpu.memory_space<hbm>> -> memref<640x64xf32, #tpu.memory_space<hbm>>
      %dma_wait3A_48 = arith.constant 0 : i32
      %dma_wait3A_49 = tpu.memref_slice %arg7[%mul3A_38, %dma_wait3A_48] : memref<10240x64xf32, #tpu.memory_space<vmem_shared>> -> memref<640x64xf32, #tpu.memory_space<vmem_shared>>
      tpu.wait_dma2 semaphore(%run_scoped3A : memref<!tpu.dma_semaphore, #tpu.memory_space<semaphore_mem>>) src(%dma_wait3A_49 : memref<640x64xf32, #tpu.memory_space<vmem_shared>>) dst(%dma_wait3A_47 : memref<640x64xf32, #tpu.memory_space<hbm>>)
      tpu.yield
    }) : () -> ()
    return
  }
}

module attributes {stable_mosaic.version = 14 : i64} {
  func.func @_mm1_body(%arg0: i32, %arg1: memref<1024x128xf32, #tpu.memory_space<vmem>>, %arg2: memref<128x128xf32, #tpu.memory_space<vmem>>, %arg3: memref<1024x16xf32, #tpu.memory_space<vmem>>, %arg4: memref<1024x16xf32, #tpu.memory_space<vmem>>, %arg5: memref<2x1024x64xf32, #tpu.memory_space<vmem>>) attributes {dimension_semantics = [#tpu.dimension_semantics<arbitrary>], iteration_bounds = array<i64: 10>, scalar_prefetch = 0 : i64, scratch_operands = 0 : i64, tpu.core_type = #tpu.core_type<tc>, window_params = [{transform_indices = @transform_0, window_bounds = array<i64: 1024, 128>}, {pipeline_mode = #tpu.pipeline_mode<synchronous>, transform_indices = @transform_1, window_bounds = array<i64: 128, 128>}, {transform_indices = @transform_2, window_bounds = array<i64: 1024, 16>}, {transform_indices = @transform_3, window_bounds = array<i64: 1024, 16>}, {transform_indices = @transform_4, window_bounds = array<i64: 2, 1024, 64>}]} {
    %get3A = arith.constant 0 : index
    %get3A_0 = arith.constant 0 : index
    %get3A_1 = vector.load %arg3[%get3A, %get3A_0] : memref<1024x16xf32, #tpu.memory_space<vmem>>, vector<1024x1xf32>
    %get3A_2 = arith.constant 0 : index
    %get3A_3 = arith.constant 0 : index
    %get3A_4 = vector.load %arg4[%get3A_2, %get3A_3] : memref<1024x16xf32, #tpu.memory_space<vmem>>, vector<1024x1xf32>
    %add3A = arith.addf %get3A_1, %get3A_4 : vector<1024x1xf32>
    %add3A_5 = arith.constant 1.000000e+00 : f32
    %add3A_6 = vector.broadcast %add3A_5 : f32 to vector<1024x1xf32>
    %add3A_7 = arith.addf %add3A, %add3A_6 : vector<1024x1xf32>
    %rsqrt3A = math.rsqrt %add3A_7 : vector<1024x1xf32>
    %get3A_8 = arith.constant 0 : index
    %get3A_9 = arith.constant 0 : index
    %get3A_10 = vector.load %arg1[%get3A_8, %get3A_9] : memref<1024x128xf32, #tpu.memory_space<vmem>>, vector<1024x128xf32>
    %get3A_11 = arith.constant 0 : index
    %get3A_12 = arith.constant 0 : index
    %get3A_13 = vector.load %arg2[%get3A_11, %get3A_12] : memref<128x128xf32, #tpu.memory_space<vmem>>, vector<128x128xf32>
    %dot_general3A = arith.constant dense<0.000000e+00> : vector<1024x128xf32>
    %dot_general3A_14 = tpu.matmul %get3A_10, %get3A_13, %dot_general3A {dimension_numbers = #tpu.dot_dimension_numbers<[1], [0], [0], [1], [0, 0, 1, 1], [], []>, transpose_lhs_hint = false} : vector<1024x128xf32>, vector<128x128xf32>, vector<1024x128xf32> -> vector<1024x128xf32>
    %mul3A = vector.broadcast %rsqrt3A : vector<1024x1xf32> to vector<1024x128xf32>
    %mul3A_15 = arith.mulf %mul3A, %dot_general3A_14 : vector<1024x128xf32>
    %slice3A = vector.extract_strided_slice %mul3A_15 {offsets = [0, 0], sizes = [1024, 64], strides = [1, 1]} : vector<1024x128xf32> to vector<1024x64xf32>
    %slice3A_16 = vector.extract_strided_slice %mul3A_15 {offsets = [0, 64], sizes = [1024, 64], strides = [1, 1]} : vector<1024x128xf32> to vector<1024x64xf32>
    %stack3A = vector.shape_cast %slice3A : vector<1024x64xf32> to vector<1x1024x64xf32>
    %stack3A_17 = vector.shape_cast %slice3A_16 : vector<1024x64xf32> to vector<1x1024x64xf32>
    %stack3A_18 = tpu.concatenate %stack3A, %stack3A_17 in 0 : vector<1x1024x64xf32>, vector<1x1024x64xf32> -> vector<2x1024x64xf32>
    %swap3A = arith.constant 0 : index
    %swap3A_19 = arith.constant 0 : index
    %swap3A_20 = arith.constant 0 : index
    %swap3A_21 = vector.load %arg5[%swap3A, %swap3A_19, %swap3A_20] : memref<2x1024x64xf32, #tpu.memory_space<vmem>>, vector<2x1024x64xf32>
    tpu.vector_store %arg5[%swap3A, %swap3A_19, %swap3A_20], %stack3A_18 {strides = array<i32>} : memref<2x1024x64xf32, #tpu.memory_space<vmem>>, vector<2x1024x64xf32>,
    return
  }
  func.func @transform_0(%arg0: i32) -> (i32, i32) {
    %c0_i32 = arith.constant 0 : i32
    %c0_i32_0 = arith.constant 0 : i32
    return %arg0, %c0_i32 : i32, i32
  }
  func.func @transform_1(%arg0: i32) -> (i32, i32) {
    %c0_i32 = arith.constant 0 : i32
    %c0_i32_0 = arith.constant 0 : i32
    %c0_i32_1 = arith.constant 0 : i32
    return %c0_i32, %c0_i32_0 : i32, i32
  }
  func.func @transform_2(%arg0: i32) -> (i32, i32) {
    %c0_i32 = arith.constant 0 : i32
    %c0_i32_0 = arith.constant 0 : i32
    return %arg0, %c0_i32 : i32, i32
  }
  func.func @transform_3(%arg0: i32) -> (i32, i32) {
    %c0_i32 = arith.constant 0 : i32
    %c0_i32_0 = arith.constant 0 : i32
    return %arg0, %c0_i32 : i32, i32
  }
  func.func @transform_4(%arg0: i32) -> (i32, i32, i32) {
    %c0_i32 = arith.constant 0 : i32
    %c0_i32_0 = arith.constant 0 : i32
    %c0_i32_1 = arith.constant 0 : i32
    return %c0_i32, %arg0, %c0_i32_0 : i32, i32, i32
  }
}

module attributes {stable_mosaic.version = 14 : i64} {
  func.func @_mm2_body(%arg0: i32, %arg1: memref<2x1024x64xf32, #tpu.memory_space<vmem>>, %arg2: memref<2x1024x64xf32, #tpu.memory_space<vmem>>, %arg3: memref<1024x16xf32, #tpu.memory_space<vmem>>, %arg4: memref<1024x16xf32, #tpu.memory_space<vmem>>, %arg5: memref<128x128xf32, #tpu.memory_space<vmem>>, %arg6: memref<1x128xf32, #tpu.memory_space<vmem>>, %arg7: memref<2x1024x64xf32, #tpu.memory_space<vmem>>) attributes {dimension_semantics = [#tpu.dimension_semantics<arbitrary>], iteration_bounds = array<i64: 10>, scalar_prefetch = 0 : i64, scratch_operands = 0 : i64, tpu.core_type = #tpu.core_type<tc>, window_params = [{transform_indices = @transform_0, window_bounds = array<i64: 2, 1024, 64>}, {transform_indices = @transform_1, window_bounds = array<i64: 2, 1024, 64>}, {transform_indices = @transform_2, window_bounds = array<i64: 1024, 16>}, {transform_indices = @transform_3, window_bounds = array<i64: 1024, 16>}, {pipeline_mode = #tpu.pipeline_mode<synchronous>, transform_indices = @transform_4, window_bounds = array<i64: 128, 128>}, {pipeline_mode = #tpu.pipeline_mode<synchronous>, transform_indices = @transform_5, window_bounds = array<i64: 1, 128>}, {transform_indices = @transform_6, window_bounds = array<i64: 2, 1024, 64>}]} {
    %get3A = arith.constant 0 : index
    %get3A_0 = arith.constant 0 : index
    %get3A_1 = vector.load %arg3[%get3A, %get3A_0] : memref<1024x16xf32, #tpu.memory_space<vmem>>, vector<1024x1xf32>
    %get3A_2 = arith.constant 0 : index
    %get3A_3 = arith.constant 0 : index
    %get3A_4 = vector.load %arg4[%get3A_2, %get3A_3] : memref<1024x16xf32, #tpu.memory_space<vmem>>, vector<1024x1xf32>
    %add3A = arith.addf %get3A_1, %get3A_4 : vector<1024x1xf32>
    %add3A_5 = arith.constant 1.000000e+00 : f32
    %add3A_6 = vector.broadcast %add3A_5 : f32 to vector<1024x1xf32>
    %add3A_7 = arith.addf %add3A, %add3A_6 : vector<1024x1xf32>
    %rsqrt3A = math.rsqrt %add3A_7 : vector<1024x1xf32>
    %get3A_8 = arith.constant 0 : index
    %get3A_9 = arith.constant 0 : index
    %get3A_10 = arith.constant 0 : index
    %get3A_11 = vector.load %arg1[%get3A_8, %get3A_9, %get3A_10] : memref<2x1024x64xf32, #tpu.memory_space<vmem>>, vector<2x1024x64xf32>
    %get3A_12 = arith.constant 0 : index
    %get3A_13 = arith.constant 0 : index
    %get3A_14 = arith.constant 0 : index
    %get3A_15 = vector.load %arg2[%get3A_12, %get3A_13, %get3A_14] : memref<2x1024x64xf32, #tpu.memory_space<vmem>>, vector<2x1024x64xf32>
    %slice3A = vector.extract_strided_slice %get3A_11 {offsets = [0, 0, 0], sizes = [1, 1024, 64], strides = [1, 1, 1]} : vector<2x1024x64xf32> to vector<1x1024x64xf32>
    %squeeze3A = vector.shape_cast %slice3A : vector<1x1024x64xf32> to vector<1024x64xf32>
    %slice3A_16 = vector.extract_strided_slice %get3A_15 {offsets = [0, 0, 0], sizes = [1, 1024, 64], strides = [1, 1, 1]} : vector<2x1024x64xf32> to vector<1x1024x64xf32>
    %squeeze3A_17 = vector.shape_cast %slice3A_16 : vector<1x1024x64xf32> to vector<1024x64xf32>
    %add3A_18 = arith.addf %squeeze3A, %squeeze3A_17 : vector<1024x64xf32>
    %slice3A_19 = vector.extract_strided_slice %get3A_11 {offsets = [1, 0, 0], sizes = [1, 1024, 64], strides = [1, 1, 1]} : vector<2x1024x64xf32> to vector<1x1024x64xf32>
    %squeeze3A_20 = vector.shape_cast %slice3A_19 : vector<1x1024x64xf32> to vector<1024x64xf32>
    %slice3A_21 = vector.extract_strided_slice %get3A_15 {offsets = [1, 0, 0], sizes = [1, 1024, 64], strides = [1, 1, 1]} : vector<2x1024x64xf32> to vector<1x1024x64xf32>
    %squeeze3A_22 = vector.shape_cast %slice3A_21 : vector<1x1024x64xf32> to vector<1024x64xf32>
    %add3A_23 = arith.addf %squeeze3A_20, %squeeze3A_22 : vector<1024x64xf32>
    %concatenate3A = tpu.concatenate %add3A_18, %add3A_23 in 1 : vector<1024x64xf32>, vector<1024x64xf32> -> vector<1024x128xf32>
    %mul3A = vector.broadcast %rsqrt3A : vector<1024x1xf32> to vector<1024x128xf32>
    %mul3A_24 = arith.mulf %mul3A, %concatenate3A : vector<1024x128xf32>
    %get3A_25 = arith.constant 0 : index
    %get3A_26 = arith.constant 0 : index
    %get3A_27 = vector.load %arg6[%get3A_25, %get3A_26] : memref<1x128xf32, #tpu.memory_space<vmem>>, vector<1x128xf32>
    %add3A_28 = vector.broadcast %get3A_27 : vector<1x128xf32> to vector<1024x128xf32>
    %add3A_29 = arith.addf %mul3A_24, %add3A_28 : vector<1024x128xf32>
    %max3A = arith.constant 0.000000e+00 : f32
    %max3A_30 = vector.broadcast %max3A : f32 to vector<1024x128xf32>
    %max3A_31 = arith.maximumf %add3A_29, %max3A_30 : vector<1024x128xf32>
    %get3A_32 = arith.constant 0 : index
    %get3A_33 = arith.constant 0 : index
    %get3A_34 = vector.load %arg5[%get3A_32, %get3A_33] : memref<128x128xf32, #tpu.memory_space<vmem>>, vector<128x128xf32>
    %dot_general3A = arith.constant dense<0.000000e+00> : vector<1024x128xf32>
    %dot_general3A_35 = tpu.matmul %max3A_31, %get3A_34, %dot_general3A {dimension_numbers = #tpu.dot_dimension_numbers<[1], [0], [0], [1], [0, 0, 1, 1], [], []>, transpose_lhs_hint = false} : vector<1024x128xf32>, vector<128x128xf32>, vector<1024x128xf32> -> vector<1024x128xf32>
    %mul3A_36 = vector.broadcast %rsqrt3A : vector<1024x1xf32> to vector<1024x128xf32>
    %mul3A_37 = arith.mulf %mul3A_36, %dot_general3A_35 : vector<1024x128xf32>
    %slice3A_38 = vector.extract_strided_slice %mul3A_37 {offsets = [0, 0], sizes = [1024, 64], strides = [1, 1]} : vector<1024x128xf32> to vector<1024x64xf32>
    %slice3A_39 = vector.extract_strided_slice %mul3A_37 {offsets = [0, 64], sizes = [1024, 64], strides = [1, 1]} : vector<1024x128xf32> to vector<1024x64xf32>
    %stack3A = vector.shape_cast %slice3A_38 : vector<1024x64xf32> to vector<1x1024x64xf32>
    %stack3A_40 = vector.shape_cast %slice3A_39 : vector<1024x64xf32> to vector<1x1024x64xf32>
    %stack3A_41 = tpu.concatenate %stack3A, %stack3A_40 in 0 : vector<1x1024x64xf32>, vector<1x1024x64xf32> -> vector<2x1024x64xf32>
    %swap3A = arith.constant 0 : index
    %swap3A_42 = arith.constant 0 : index
    %swap3A_43 = arith.constant 0 : index
    %swap3A_44 = vector.load %arg7[%swap3A, %swap3A_42, %swap3A_43] : memref<2x1024x64xf32, #tpu.memory_space<vmem>>, vector<2x1024x64xf32>
    tpu.vector_store %arg7[%swap3A, %swap3A_42, %swap3A_43], %stack3A_41 {strides = array<i32>} : memref<2x1024x64xf32, #tpu.memory_space<vmem>>, vector<2x1024x64xf32>,
    return
  }
  func.func @transform_0(%arg0: i32) -> (i32, i32, i32) {
    %c0_i32 = arith.constant 0 : i32
    %c0_i32_0 = arith.constant 0 : i32
    %c0_i32_1 = arith.constant 0 : i32
    return %c0_i32, %arg0, %c0_i32_0 : i32, i32, i32
  }
  func.func @transform_1(%arg0: i32) -> (i32, i32, i32) {
    %c0_i32 = arith.constant 0 : i32
    %c0_i32_0 = arith.constant 0 : i32
    %c0_i32_1 = arith.constant 0 : i32
    return %c0_i32, %arg0, %c0_i32_0 : i32, i32, i32
  }
  func.func @transform_2(%arg0: i32) -> (i32, i32) {
    %c0_i32 = arith.constant 0 : i32
    %c0_i32_0 = arith.constant 0 : i32
    return %arg0, %c0_i32 : i32, i32
  }
  func.func @transform_3(%arg0: i32) -> (i32, i32) {
    %c0_i32 = arith.constant 0 : i32
    %c0_i32_0 = arith.constant 0 : i32
    return %arg0, %c0_i32 : i32, i32
  }
  func.func @transform_4(%arg0: i32) -> (i32, i32) {
    %c0_i32 = arith.constant 0 : i32
    %c0_i32_0 = arith.constant 0 : i32
    %c0_i32_1 = arith.constant 0 : i32
    return %c0_i32, %c0_i32_0 : i32, i32
  }
  func.func @transform_5(%arg0: i32) -> (i32, i32) {
    %c0_i32 = arith.constant 0 : i32
    %c0_i32_0 = arith.constant 0 : i32
    %c0_i32_1 = arith.constant 0 : i32
    return %c0_i32, %c0_i32_0 : i32, i32
  }
  func.func @transform_6(%arg0: i32) -> (i32, i32, i32) {
    %c0_i32 = arith.constant 0 : i32
    %c0_i32_0 = arith.constant 0 : i32
    %c0_i32_1 = arith.constant 0 : i32
    return %c0_i32, %arg0, %c0_i32_0 : i32, i32, i32
  }
}

module attributes {stable_mosaic.version = 14 : i64} {
  func.func @_fin_body(%arg0: i32, %arg1: memref<2x1024x64xf32, #tpu.memory_space<vmem>>, %arg2: memref<2x1024x64xf32, #tpu.memory_space<vmem>>, %arg3: memref<1024x16xf32, #tpu.memory_space<vmem>>, %arg4: memref<1024x16xf32, #tpu.memory_space<vmem>>, %arg5: memref<1x128xf32, #tpu.memory_space<vmem>>, %arg6: memref<1x128xf32, #tpu.memory_space<vmem>>, %arg7: memref<1x128xf32, #tpu.memory_space<vmem>>, %arg8: memref<1024x1xf32, #tpu.memory_space<vmem>>, %arg9: memref<1024x1xf32, #tpu.memory_space<vmem>>) attributes {dimension_semantics = [#tpu.dimension_semantics<arbitrary>], iteration_bounds = array<i64: 10>, scalar_prefetch = 0 : i64, scratch_operands = 0 : i64, tpu.core_type = #tpu.core_type<tc>, window_params = [{transform_indices = @transform_0, window_bounds = array<i64: 2, 1024, 64>}, {transform_indices = @transform_1, window_bounds = array<i64: 2, 1024, 64>}, {transform_indices = @transform_2, window_bounds = array<i64: 1024, 16>}, {transform_indices = @transform_3, window_bounds = array<i64: 1024, 16>}, {pipeline_mode = #tpu.pipeline_mode<synchronous>, transform_indices = @transform_4, window_bounds = array<i64: 1, 128>}, {pipeline_mode = #tpu.pipeline_mode<synchronous>, transform_indices = @transform_5, window_bounds = array<i64: 1, 128>}, {pipeline_mode = #tpu.pipeline_mode<synchronous>, transform_indices = @transform_6, window_bounds = array<i64: 1, 128>}, {transform_indices = @transform_7, window_bounds = array<i64: 1024, 1>}, {transform_indices = @transform_8, window_bounds = array<i64: 1024, 1>}]} {
    %get3A = arith.constant 0 : index
    %get3A_0 = arith.constant 0 : index
    %get3A_1 = vector.load %arg3[%get3A, %get3A_0] : memref<1024x16xf32, #tpu.memory_space<vmem>>, vector<1024x1xf32>
    %get3A_2 = arith.constant 0 : index
    %get3A_3 = arith.constant 0 : index
    %get3A_4 = vector.load %arg4[%get3A_2, %get3A_3] : memref<1024x16xf32, #tpu.memory_space<vmem>>, vector<1024x1xf32>
    %add3A = arith.addf %get3A_1, %get3A_4 : vector<1024x1xf32>
    %add3A_5 = arith.constant 1.000000e+00 : f32
    %add3A_6 = vector.broadcast %add3A_5 : f32 to vector<1024x1xf32>
    %add3A_7 = arith.addf %add3A, %add3A_6 : vector<1024x1xf32>
    %rsqrt3A = math.rsqrt %add3A_7 : vector<1024x1xf32>
    %get3A_8 = arith.constant 0 : index
    %get3A_9 = arith.constant 0 : index
    %get3A_10 = arith.constant 0 : index
    %get3A_11 = vector.load %arg1[%get3A_8, %get3A_9, %get3A_10] : memref<2x1024x64xf32, #tpu.memory_space<vmem>>, vector<2x1024x64xf32>
    %get3A_12 = arith.constant 0 : index
    %get3A_13 = arith.constant 0 : index
    %get3A_14 = arith.constant 0 : index
    %get3A_15 = vector.load %arg2[%get3A_12, %get3A_13, %get3A_14] : memref<2x1024x64xf32, #tpu.memory_space<vmem>>, vector<2x1024x64xf32>
    %slice3A = vector.extract_strided_slice %get3A_11 {offsets = [0, 0, 0], sizes = [1, 1024, 64], strides = [1, 1, 1]} : vector<2x1024x64xf32> to vector<1x1024x64xf32>
    %squeeze3A = vector.shape_cast %slice3A : vector<1x1024x64xf32> to vector<1024x64xf32>
    %slice3A_16 = vector.extract_strided_slice %get3A_15 {offsets = [0, 0, 0], sizes = [1, 1024, 64], strides = [1, 1, 1]} : vector<2x1024x64xf32> to vector<1x1024x64xf32>
    %squeeze3A_17 = vector.shape_cast %slice3A_16 : vector<1x1024x64xf32> to vector<1024x64xf32>
    %add3A_18 = arith.addf %squeeze3A, %squeeze3A_17 : vector<1024x64xf32>
    %slice3A_19 = vector.extract_strided_slice %get3A_11 {offsets = [1, 0, 0], sizes = [1, 1024, 64], strides = [1, 1, 1]} : vector<2x1024x64xf32> to vector<1x1024x64xf32>
    %squeeze3A_20 = vector.shape_cast %slice3A_19 : vector<1x1024x64xf32> to vector<1024x64xf32>
    %slice3A_21 = vector.extract_strided_slice %get3A_15 {offsets = [1, 0, 0], sizes = [1, 1024, 64], strides = [1, 1, 1]} : vector<2x1024x64xf32> to vector<1x1024x64xf32>
    %squeeze3A_22 = vector.shape_cast %slice3A_21 : vector<1x1024x64xf32> to vector<1024x64xf32>
    %add3A_23 = arith.addf %squeeze3A_20, %squeeze3A_22 : vector<1024x64xf32>
    %concatenate3A = tpu.concatenate %add3A_18, %add3A_23 in 1 : vector<1024x64xf32>, vector<1024x64xf32> -> vector<1024x128xf32>
    %mul3A = vector.broadcast %rsqrt3A : vector<1024x1xf32> to vector<1024x128xf32>
    %mul3A_24 = arith.mulf %mul3A, %concatenate3A : vector<1024x128xf32>
    %get3A_25 = arith.constant 0 : index
    %get3A_26 = arith.constant 0 : index
    %get3A_27 = vector.load %arg5[%get3A_25, %get3A_26] : memref<1x128xf32, #tpu.memory_space<vmem>>, vector<1x128xf32>
    %add3A_28 = vector.broadcast %get3A_27 : vector<1x128xf32> to vector<1024x128xf32>
    %add3A_29 = arith.addf %mul3A_24, %add3A_28 : vector<1024x128xf32>
    %get3A_30 = arith.constant 0 : index
    %get3A_31 = arith.constant 0 : index
    %get3A_32 = vector.load %arg6[%get3A_30, %get3A_31] : memref<1x128xf32, #tpu.memory_space<vmem>>, vector<1x128xf32>
    %mul3A_33 = vector.broadcast %get3A_32 : vector<1x128xf32> to vector<1024x128xf32>
    %mul3A_34 = arith.mulf %add3A_29, %mul3A_33 : vector<1024x128xf32>
    %reduce_sum3A = arith.constant dense<0.000000e+00> : vector<1024xf32>
    %reduce_sum3A_35 = vector.multi_reduction <add>, %mul3A_34, %reduce_sum3A [1] : vector<1024x128xf32> to vector<1024xf32>
    %broadcast_in_dim3A = vector.shape_cast %reduce_sum3A_35 : vector<1024xf32> to vector<1024x1xf32>
    %swap3A = arith.constant 0 : index
    %swap3A_36 = arith.constant 0 : index
    %swap3A_37 = vector.load %arg8[%swap3A, %swap3A_36] : memref<1024x1xf32, #tpu.memory_space<vmem>>, vector<1024x1xf32>
    tpu.vector_store %arg8[%swap3A, %swap3A_36], %broadcast_in_dim3A {strides = array<i32>} : memref<1024x1xf32, #tpu.memory_space<vmem>>, vector<1024x1xf32>,
    %get3A_38 = arith.constant 0 : index
    %get3A_39 = arith.constant 0 : index
    %get3A_40 = vector.load %arg7[%get3A_38, %get3A_39] : memref<1x128xf32, #tpu.memory_space<vmem>>, vector<1x128xf32>
    %mul3A_41 = vector.broadcast %get3A_40 : vector<1x128xf32> to vector<1024x128xf32>
    %mul3A_42 = arith.mulf %add3A_29, %mul3A_41 : vector<1024x128xf32>
    %reduce_sum3A_43 = arith.constant dense<0.000000e+00> : vector<1024xf32>
    %reduce_sum3A_44 = vector.multi_reduction <add>, %mul3A_42, %reduce_sum3A_43 [1] : vector<1024x128xf32> to vector<1024xf32>
    %broadcast_in_dim3A_45 = vector.shape_cast %reduce_sum3A_44 : vector<1024xf32> to vector<1024x1xf32>
    %swap3A_46 = arith.constant 0 : index
    %swap3A_47 = arith.constant 0 : index
    %swap3A_48 = vector.load %arg9[%swap3A_46, %swap3A_47] : memref<1024x1xf32, #tpu.memory_space<vmem>>, vector<1024x1xf32>
    tpu.vector_store %arg9[%swap3A_46, %swap3A_47], %broadcast_in_dim3A_45 {strides = array<i32>} : memref<1024x1xf32, #tpu.memory_space<vmem>>, vector<1024x1xf32>,
    return
  }
  func.func @transform_0(%arg0: i32) -> (i32, i32, i32) {
    %c0_i32 = arith.constant 0 : i32
    %c0_i32_0 = arith.constant 0 : i32
    %c0_i32_1 = arith.constant 0 : i32
    return %c0_i32, %arg0, %c0_i32_0 : i32, i32, i32
  }
  func.func @transform_1(%arg0: i32) -> (i32, i32, i32) {
    %c0_i32 = arith.constant 0 : i32
    %c0_i32_0 = arith.constant 0 : i32
    %c0_i32_1 = arith.constant 0 : i32
    return %c0_i32, %arg0, %c0_i32_0 : i32, i32, i32
  }
  func.func @transform_2(%arg0: i32) -> (i32, i32) {
    %c0_i32 = arith.constant 0 : i32
    %c0_i32_0 = arith.constant 0 : i32
    return %arg0, %c0_i32 : i32, i32
  }
  func.func @transform_3(%arg0: i32) -> (i32, i32) {
    %c0_i32 = arith.constant 0 : i32
    %c0_i32_0 = arith.constant 0 : i32
    return %arg0, %c0_i32 : i32, i32
  }
  func.func @transform_4(%arg0: i32) -> (i32, i32) {
    %c0_i32 = arith.constant 0 : i32
    %c0_i32_0 = arith.constant 0 : i32
    %c0_i32_1 = arith.constant 0 : i32
    return %c0_i32, %c0_i32_0 : i32, i32
  }
  func.func @transform_5(%arg0: i32) -> (i32, i32) {
    %c0_i32 = arith.constant 0 : i32
    %c0_i32_0 = arith.constant 0 : i32
    %c0_i32_1 = arith.constant 0 : i32
    return %c0_i32, %c0_i32_0 : i32, i32
  }
  func.func @transform_6(%arg0: i32) -> (i32, i32) {
    %c0_i32 = arith.constant 0 : i32
    %c0_i32_0 = arith.constant 0 : i32
    %c0_i32_1 = arith.constant 0 : i32
    return %c0_i32, %c0_i32_0 : i32, i32
  }
  func.func @transform_7(%arg0: i32) -> (i32, i32) {
    %c0_i32 = arith.constant 0 : i32
    %c0_i32_0 = arith.constant 0 : i32
    return %arg0, %c0_i32 : i32, i32
  }
  func.func @transform_8(%arg0: i32) -> (i32, i32) {
    %c0_i32 = arith.constant 0 : i32
    %c0_i32_0 = arith.constant 0 : i32
    return %arg0, %c0_i32 : i32, i32
  }
}

</mosaic_0001>

<sc_bundles>
// kernel: kernel.12.cloned.1.call-start
scs
__scs_entry_jumppad:
0x0: {  	(pc) =	sbr.rel $0x88, $3  }
0x1: {  	(tag) =	ssettag $0x0;
	lr =	simm.s32 $0x1  }
0x2: {  	[smem:$0x3F97] =	sst lr;
	_ =	strace $0xD0000000  }
0x3: {  	_ = 	snop  }
0x4: {  	_ = 	snop  }
0x5: {  	_ = 	snop  }
0x6: {  	_ = 	snop  }
0x7: {  	_ = 	snop  }
__scs_overlays_trampoline_lowered:
0x8: {  	[smem:$0x3FA6] =	sst s0  }
0x9: {  	[smem:$0x3FA7] =	sst s1  }
0xa: {  	[smem:$0x3FA8] =	sst s2  }
0xb: {  	[smem:$0x3FA9] =	sst s3  }
0xc: {  	[smem:$0x3FAA] =	sst s4  }
0xd: {  	[smem:$0x3FAB] =	sst s5  }
0xe: {  	[smem:$0x3FAC] =	sst s6  }
0xf: {  	[smem:$0x3FAD] =	sst s7  }
0x10: {  	[smem:$0x3FAE] =	sst s8  }
0x11: {  	[smem:$0x3FAF] =	sst s9;
	s0 =	simm.s32 @!p0 $0x0  }
0x12: {  	s1 =	sld [smem:$0x3F95];
	s0 =	simm.s32 @p0 $0x1  }
0x13: {  	[smem:$0x3FB0] =	sst s0;
	s0 =	simm.s32 @!p1 $0x0  }
0x14: {  	s2 =	sld [smem:$0x3F94];
	s0 =	simm.s32 @p1 $0x1  }
0x15: {  	[smem:$0x3FB1] =	sst s0;
	s0 =	simm.s32 @!p2 $0x0  }
0x16: {  	s3 =	sld [smem:$0x3FDB];
	s0 =	simm.s32 @p2 $0x1  }
0x17: {  	s4 =	simm.s32 $0x1BF5;
	[smem:$0x3FB3] =	sst s0  }
0x18: {  	s0 =	sld [smem:$0x3F96];
	_ =	swait.ge [sflag:s4], $0x0  }
0x19: {  	s7 =	sld [smem:$0x3F97]  }
0x1a: {  	s8 =	sadd.s32 $0xFFFFE003, lr  }
0x1b: {  	s9 =	sadd.s32 $0xFFFFFEF7, lr;
	s5 =	simm.s32 $0xFFFFFFFF;
	p2 =	slt.u32 s8, $0xFFFFF086  }
0x1c: {  	p1 =	slt.u32 s9, $0xF7A;
	s5 =	simm.s32 @!p2 $0x0  }
0x1d: {  	s5 =	simm.s32 @p1 $0x1;
	p0 =	seq.s32 s7, s2  }
0x1e: {  	s7 =	smul.u32 @!p0 $0xF7A, s2;
	p2 =	seq.s32 @!p0 s5, $0x0  }
0x1f: {  	s9 =	smul.u32 $0xF7A, s1;
	s8 =	simm.s32 @!p0 $0x1BF5;
	p2 =	por !p2, p0  }
0x20: {  	[sflag:s8] =	ssyncset.s32 @!p0 $0xFFFFF086;
	s6 =	sadd.s32 @!p0 s3, s7;
	s7 =	simm.s32 @!p0 $0x108  }
0x21: {  	s3 =	sadd.s32 s3, s9;
	s6 =	sadd.s32 @!p0 $0x88, s6;
	s7 =	simm.s32 @p2 $0x1082  }
0x22: {  	[simem:s7], [sflag:s8] =	dma.local @!p0 [hbm:s6], $0xF7A  }
0x23: {  	s9 =	sor.u32 $0xD0000000, s2;
	s6 =	simm.s32 $0x108;
	_ =	swait.ge @!p0 [sflag:s8], $0x0  }
0x24: {  	s3 =	sadd.s32 $0x88, s3;
	s6 =	simm.s32 @!p1 $0x1082;
	[sflag:s4] =	ssyncset.s32 $0xFFFFF086  }
0x25: {  	[simem:s6], [sflag:s4] =	dma.local [hbm:s3], $0xF7A  }
0x26: {  	[smem:$0x3F97] =	sst s1;
	(tag) =	ssettag s2;
	_ =	strace s9  }
0x27: {  	s1 =	sld [smem:$0x3FA7]  }
0x28: {  	s2 =	sld [smem:$0x3FA8]  }
0x29: {  	s4 =	sld [smem:$0x3FAA]  }
0x2a: {  	p0 =	seq.s32 s5, $0x0;
	s5 =	sld [smem:$0x3FAB]  }
0x2b: {  	s6 =	sld [smem:$0x3FAC]  }
0x2c: {  	s7 =	sld [smem:$0x3FAD]  }
0x2d: {  	s3 =	simm.s32 $0x108;
	s8 =	sld [smem:$0x3FAE]  }
0x2e: {  	s3 =	simm.s32 @!p0 $0x1082;
	s9 =	sld [smem:$0x3FAF]  }
0x2f: {  	lr =	sadd.s32 s0, s3;
	s0 =	sld [smem:$0x3FA6]  }
0x30: {  	s3 =	sld [smem:$0x3FA9]  }
0x31: {  	[smem:$0x3FB2] =	sst s10  }
0x32: {  	s10 =	sld [smem:$0x3FB0];
	_ =	sdelay $0x3  }
0x33: {  	p0 =	seq.s32 s10, $0x1;
	s10 =	sld [smem:$0x3FB2];
	_ =	sdelay $0x3  }
0x34: {  	[smem:$0x3FB2] =	sst s10  }
0x35: {  	s10 =	sld [smem:$0x3FB1];
	_ =	sdelay $0x3  }
0x36: {  	p1 =	seq.s32 s10, $0x1;
	s10 =	sld [smem:$0x3FB2];
	_ =	sdelay $0x3  }
0x37: {  	[smem:$0x3FB2] =	sst s10  }
0x38: {  	s10 =	sld [smem:$0x3FB3]  }
0x39: {  	_ = 	snop;
	(pc) =	sbr.ind lr, $3  }
0x3a: {  	_ = 	snop  }
0x3b: {  	_ = 	snop  }
0x3c: {  	p2 =	seq.s32 s10, $0x1;
	s10 =	sld [smem:$0x3FB2]  }
0x3d: {  	_ =	shalt  }
0x3e: {  	_ =	shalt  }
0x3f: {  	_ =	shalt  }
0x40: {  	_ =	shalt  }
0x41: {  	_ =	shalt  }
0x42: {  	_ =	shalt  }
0x43: {  	_ =	shalt  }
0x44: {  	_ =	shalt  }
0x45: {  	_ =	shalt  }
0x46: {  	_ =	shalt  }
0x47: {  	_ =	shalt  }
0x48: {  	_ =	shalt  }
0x49: {  	_ =	shalt  }
0x4a: {  	_ =	shalt  }
0x4b: {  	_ =	shalt  }
0x4c: {  	_ =	shalt  }
0x4d: {  	_ =	shalt  }
0x4e: {  	_ =	shalt  }
0x4f: {  	_ =	shalt  }
0x50: {  	_ =	shalt  }
0x51: {  	_ =	shalt  }
0x52: {  	_ =	shalt  }
0x53: {  	_ =	shalt  }
0x54: {  	_ =	shalt  }
0x55: {  	_ =	shalt  }
0x56: {  	_ =	shalt  }
0x57: {  	_ =	shalt  }
0x58: {  	_ =	shalt  }
0x59: {  	_ =	shalt  }
0x5a: {  	_ =	shalt  }
0x5b: {  	_ =	shalt  }
0x5c: {  	_ =	shalt  }
0x5d: {  	_ =	shalt  }
0x5e: {  	_ =	shalt  }
0x5f: {  	_ =	shalt  }
0x60: {  	_ =	shalt  }
0x61: {  	_ =	shalt  }
0x62: {  	_ =	shalt  }
0x63: {  	_ =	shalt  }
0x64: {  	_ =	shalt  }
0x65: {  	_ =	shalt  }
0x66: {  	_ =	shalt  }
0x67: {  	_ =	shalt  }
0x68: {  	_ =	shalt  }
0x69: {  	_ =	shalt  }
0x6a: {  	_ =	shalt  }
0x6b: {  	_ =	shalt  }
0x6c: {  	_ =	shalt  }
0x6d: {  	_ =	shalt  }
0x6e: {  	_ =	shalt  }
0x6f: {  	_ =	shalt  }
0x70: {  	_ =	shalt  }
0x71: {  	_ =	shalt  }
0x72: {  	_ =	shalt  }
0x73: {  	_ =	shalt  }
0x74: {  	_ =	shalt  }
0x75: {  	_ =	shalt  }
0x76: {  	_ =	shalt  }
0x77: {  	_ =	shalt  }
0x78: {  	_ =	shalt  }
0x79: {  	_ =	shalt  }
0x7a: {  	_ =	shalt  }
0x7b: {  	_ =	shalt  }
0x7c: {  	_ =	shalt  }
0x7d: {  	_ =	shalt  }
0x7e: {  	_ =	shalt  }
0x7f: {  	_ =	shalt  }
0x80: {  	_ =	shalt  }
0x81: {  	_ =	shalt  }
0x82: {  	_ =	shalt  }
0x83: {  	_ =	shalt  }
0x84: {  	_ =	shalt  }
0x85: {  	_ =	shalt  }
0x86: {  	_ =	shalt  }
0x87: {  	_ =	shalt  }
.Lfunc_end0:
.L_simem_size_0:
called_computation.1_lowered:
.L_overlay_start_0:
0x88: {  	s2 =	sld [smem:$0x3FD9]  }
0x89: {  	s3 =	sld [smem:$0x3FFE];
	_ =	sdelay $0x1  }
0x8a: {  	s1 =	srdreg.scid  }
0x8b: {  	s0 =	sand.u32 $0x1, s1  }
0x8c: {  	s16 =	sshll.u32 s0, $0xA;
	s2 =	sadd.s32 s3, s2  }
0x8d: {  	s2 =	sadd.s32 s2, s16  }
0x8e: {  	[smem:$0x3FBE] =	sst s2  }
0x8f: {  	_ = 	snop  }
0x90: {  	(tm) =	ssettm $0x1  }
0x91: {  	s17 =	sld [smem:$0x3FFB];
	_ =	sdelay $0x3  }
0x92: {  	_ =	strace s17  }
0x93: {  	s2 =	sld [smem:$0x3FFC];
	_ =	sdelay $0x3  }
0x94: {  	_ =	strace s2  }
0x95: {  	s2 =	sld [smem:$0x3FFD];
	_ =	sdelay $0x3  }
0x96: {  	_ =	strace s2  }
0x97: {  	_ =	strace $0x8FFFFFFF  }
0x98: {  	s18 =	sld [smem:$0x3FDB];
	_ =	sdelay $0x1  }
0x99: {  	s19 =	simm.s32 $_scs_section_size  }
0x9a: {  	s4 =	simm.s32 $_size__tile_overlayer_lowered;
	s5 =	simm.s32 $_tile_overlayer_lowered  }
0x9b: {  	s22 =	simm.s32 $0x1BFF;
	s21 =	sshll.u32 s5, $0x1;
	s2 =	sadd.s32 s19, s18  }
0x9c: {  	s6 =	simm.s32 $0x0;
	s20 =	sshll.u32 s4, $0x1;
	s4 =	sadd.s32 s21, s2  }
0x9d: {  	[timem:s6], [sflag:s22] =	dma.local [hbm:s4], s20  }
0x9e: {  	_ =	swait.ge [sflag:s22], s20  }
0x9f: {  	s3 =	ssub.s32 $0x0, s20;
	[sflag:s22] =	ssyncset.done $0x0  }
0xa0: {  	[sflag:s22] =	ssyncadd.s32 s3;
	_ =	sdelay $0x1  }
0xa1: {  	s23 =	simm.s32 $0x1B8B  }
0xa2: {  	_ =	swait.ge [sflag:s23], $0x1  }
0xa3: {  	[sflag:s23] =	ssyncset.done $0x0  }
0xa4: {  	s25 =	simm.s32 $0x1B8E;
	s24 =	sld [smem:$0x3FFE];
	[sflag:s23] =	ssyncadd.s32 $0xFFFFFFFF  }
0xa5: {  	s26 =	simm.s32 $execute0_lowered;
	[smem:$0x3FD2] =	sst s25  }
0xa6: {  	s4 =	sshll.u32 s26, $0x1;
	_ =	strace $0x80000049;
	[dreg:$0x1] =	wrdreg $0xFFFFFFFF  }
0xa7: {  	s28 =	simm.s32 $_size_execute0_lowered;
	s2 =	sadd.s32 s2, s4;
	[dreg:$0x0] =	wrdreg $0x0  }
0xa8: {  	s4 =	sshll.u32 s28, $0x1;
	[dreg:$0x2] =	wrdreg s2  }
0xa9: {  	[dreg:$0x3] =	wrdreg s4  }
0xaa: {  	[dreg:$0x4] =	wrdreg $0xC0  }
0xab: {  	_ =	task [dreg:s6], $0x5FFFF  }
0xac: {  	[dreg:$0x1] =	wrdreg $0xFFFFFFFF  }
0xad: {  	[dreg:$0x0] =	wrdreg $0x60  }
0xae: {  	[dreg:$0x2] =	wrdreg s24  }
0xaf: {  	[dreg:$0x3] =	wrdreg $0xA0000  }
0xb0: {  	[dreg:$0x4] =	wrdreg $0x0  }
0xb1: {  	[dreg:$0x5] =	wrdreg $0x9  }
0xb2: {  	_ =	task.clear_ibuf [dreg:s6], $0x6FFFF;
	_ =	strace $0x90000049  }
0xb3: {  	s29 =	simm.s32 $0x9;
	_ =	strace $0x8000004B  }
0xb4: {  	_ =	swait.ge [sflag:s29], $0x1  }
0xb5: {  	[sflag:s29] =	ssyncadd.s32 $0xFFFFFFFF  }
0xb6: {  	_ =	strace $0x9000004B  }
0xb7: {  	_ =	sfence  }
0xb8: {  	s30 =	sld [smem:$0x0];
	_ =	sdelay $0x2  }
0xb9: {  	s31 =	sshll.u32 s1, $0xD;
	s1 =	sshrl.u32 s1, $0x2  }
0xba: {  	s3 =	sand.u32 $0x4000, s31;
	s1 =	sadd.s32 s1, s30  }
0xbb: {  	s0 =	sor.u32 s3, s0;
	s1 =	sshll.u32 s1, $0x11  }
0xbc: {  	s0 =	sor.u32 s1, s0  }
0xbd: {  	s0 =	sadd.s32 $0x8F2B, s0  }
0xbe: {  	[sflag:s0] =	ssyncadd.remote.s32 $0x1  }
0xbf: {  	_ =	sfence.sel $0xFFFF  }
0xc0: {  	[dreg:$0x0] =	wrdreg $0xFFFFFFFF;
	(pc) =	sbr.abs _section_cstart, $3  }
0xc1: {  	[dreg:$0x1] =	wrdreg $0xFFFFFFFF  }
0xc2: {  	_ =	task.clear_ibuf [dreg:s6], $0x2FFFF;
	_ =	strace $0x9FFFFFFF  }
0xc3: {  	(tm) =	ssettm $0x7FFFFFFF  }
tec
execute0_lowered:
.L_overlay_start_1:
0x0: {  	(tag) =	ssettag $0x1  }
0x1: {  	s0 =	rddreg [dreg:$0x0]  }
0x2: {  	s2 =	rddreg [dreg:$0x1]  }
0x3: {  	s3 =	rddreg [dreg:$0x2];
	s5 =	srdreg.scid  }
0x4: {  	s1 =	stileid.u32;
	s4 =	simm.s32 $0x0;
	s17 =	simm.s32 $0x19000  }
0x5: {  	s18 =	simm.s32 $0x3;
	s20 =	simm.s32 $0x14000;
	s21 =	simm.s32 $0x16800  }
0x6: {  	s22 =	simm.s32 $0x80;
	s23 =	simm.s32 $0x1;
	s24 =	simm.s32 $0x1B000  }
0x7: {  	s28 =	simm.s32 $0x16780;
	s29 =	simm.s32 $0x18F00;
	s12 =	smul.u32 $0xA000, s1  }
0x8: {  	s30 =	simm.s32 $0x18F80;
	s5 =	sand.u32 $0x1, s5;
	s7 =	smul.u32 $0x28000, s1  }
0x9: {  	[smem:$0x7FF] =	sst s4;
	s9 =	sadd.s32 $0x16800, s0;
	s8 =	smul.u32 $0x5000, s1  }
0xa: {  	s10 =	sadd.s32 $0x2800, s0;
	s6 =	smul.u32 $0xA0000, s5;
	s5 =	ssub.s32 $0x2, s5  }
0xb: {  	_ =	strace $0x8000004A;
	s25 =	sshrl.u32 s5, $0x1;
	s7 =	sshrl.u32 s7, $0x2  }
0xc: {  	s8 =	sshrl.u32 s8, $0x3;
	s19 =	sadd.s32 s12, s3;
	s31 =	sadd.s32 s12, s2  }
0xd: {  	s6 =	sadd.s32 s12, s6;
	s13 =	ssub.s32 s5, s25;
	s5 =	sadd.s32 s7, s2  }
0xe: {  	s11 =	sadd.s32 $0x500, s8;
	s7 =	sadd.s32 s9, s8;
	s8 =	sadd.s32 s10, s8  }
0xf: {  	s19 =	sshrl.u32 s19, $0x3;
	s25 =	sshrl.u32 s31, $0x3;
	s6 =	sshrl.u32 s6, $0x3  }
0x10: {  	s9 =	sadd.s32 s9, s11;
	s10 =	sadd.s32 s10, s11;
	s12 =	smax.u32 s13, $0x1  }
0x11: {  	s13 =	sadd.s32 $0x2000, s5;
	s14 =	sadd.s32 $0x4000, s5;
	s0 =	sadd.s32 s6, s0  }
0x12: {  	s15 =	sadd.s32 $0x6000, s5;
	s16 =	sadd.s32 $0x8000, s5;
	s26 =	sadd.s32 $0xC0800, s0  }
0x13: {  	v0 =	vimm.f32 $0.0e+00;
	s11 =	sadd.s32 $0xE8800, s0;
	[dreg:$0x4] =	wrdreg s26;
	s26 =	simm.s32 $0x2  }
.LBB2_1:
0x14: {  	s31 =	simm.s32 $0x100;
	s0 =	simm.s32 $0x0  }
.LBB2_2:
0x15: {  	p0 =	sne.s32 s31, $0x7F00;
	[tilespmem:s0+$0x19030] =	vst v0;
	s1 =	smov.u32 s31;
	s31 =	sadd.s32 $0x100, s31  }
.Ltmp0:
0x16: {  	[tilespmem:s0+$0x19020] =	vst v0;
	(pc) =	sbr.rel @p0 .LBB2_2-.Ltmp0, $3  }
0x17: {  	[tilespmem:s0+$0x19000] =	vst v0  }
0x18: {  	[tilespmem:s0+$0x19010] =	vst v0;
	_ =	sdelay $0x1  }
0x19: {  	s0 =	sshra.s32 s1, $0x2  }
0x1a: {  	[tilespmem:s0+$0x19030] =	vst v0  }
0x1b: {  	[tilespmem:s0+$0x19020] =	vst v0  }
0x1c: {  	[tilespmem:s0+$0x19000] =	vst v0  }
0x1d: {  	[tilespmem:s0+$0x19010] =	vst v0  }
0x1e: {  	[spmem:s5] =	stream.linear.scatter [tilespmem:s17], [sflag:$0x3], $0x2000, $0x38;
	[tilespmem:$0x1D000] =	vst v63  }
0x1f: {  	_ =	swait.ge [sflag:s18], $0x2000  }
0x20: {  	[sflag:s18] =	ssyncset.done $0x0  }
0x21: {  	[sflag:s18] =	ssyncadd.s32 $0xFFFFE000  }
0x22: {  	[spmem:s13] =	stream.linear.scatter [tilespmem:s17], [sflag:$0x3], $0x2000, $0x38;
	[tilespmem:$0x1D000] =	vst v63  }
0x23: {  	_ =	swait.ge [sflag:s18], $0x2000  }
0x24: {  	[sflag:s18] =	ssyncset.done $0x0  }
0x25: {  	[sflag:s18] =	ssyncadd.s32 $0xFFFFE000  }
0x26: {  	[spmem:s14] =	stream.linear.scatter [tilespmem:s17], [sflag:$0x3], $0x2000, $0x38;
	[tilespmem:$0x1D000] =	vst v63  }
0x27: {  	_ =	swait.ge [sflag:s18], $0x2000  }
0x28: {  	[sflag:s18] =	ssyncset.done $0x0  }
0x29: {  	[sflag:s18] =	ssyncadd.s32 $0xFFFFE000  }
0x2a: {  	[spmem:s15] =	stream.linear.scatter [tilespmem:s17], [sflag:$0x3], $0x2000, $0x38;
	[tilespmem:$0x1D000] =	vst v63  }
0x2b: {  	_ =	swait.ge [sflag:s18], $0x2000  }
0x2c: {  	[sflag:s18] =	ssyncset.done $0x0  }
0x2d: {  	[sflag:s18] =	ssyncadd.s32 $0xFFFFE000  }
0x2e: {  	[spmem:s16] =	stream.linear.scatter [tilespmem:s17], [sflag:$0x3], $0x2000, $0x38;
	[tilespmem:$0x1D000] =	vst v63  }
0x2f: {  	s6 =	stileid.u32;
	_ =	swait.ge [sflag:s18], $0x2000  }
0x30: {  	s0 =	sshll.u32 s6, $0x6;
	[sflag:s18] =	ssyncset.done $0x0  }
0x31: {  	s31 =	sor.u32 $0x1C03, s0;
	s1 =	rddreg [dreg:$0x4];
	[sflag:s18] =	ssyncadd.s32 $0xFFFFE000  }
0x32: {  	[spmem:s19], [sflag:s31] =	dma.local [hbm:s1], $0x1400  }
0x33: {  	_ =	swait.ge [sflag:s18], $0x1400  }
0x34: {  	[sflag:s18] =	ssyncset.done $0x0  }
0x35: {  	[sflag:s18] =	ssyncadd.s32 $0xFFFFEC00  }
0x36: {  	s6 =	simm.s32 $0x0;
	[bflag:$0x0] =	sbarrier.arrive $0xFFFF  }
0x37: {  	[tilespmem:s20], [sflag:$0x3] =	stream.linear.gather [hbm4b:s7+s6], $0x2800, $0x38;
	[tilespmem:$0x1D000] =	vst v63  }
0x38: {  	_ =	swait.ge [sflag:s18], $0x2800  }
0x39: {  	[sflag:s18] =	ssyncset.done $0x0  }
0x3a: {  	[sflag:s18] =	ssyncadd.s32 $0xFFFFD800  }
0x3b: {  	[tilespmem:s21], [sflag:$0x3] =	stream.linear.gather [hbm4b:s8+s6], $0x2800, $0x38;
	[tilespmem:$0x1D000] =	vst v63  }
0x3c: {  	_ =	swait.ge [sflag:s18], $0x2800  }
0x3d: {  	[sflag:s18] =	ssyncset.done $0x0  }
0x3e: {  	[sflag:s18] =	ssyncadd.s32 $0xFFFFD800  }
0x3f: {  	[tilespmem:s17], [sflag:$0x1] =	stream.indirect.gather [spmem:s3], $0x40, s20, s22, $0xb8;
	[tilespmem:$0x1D000] =	vst v63  }
0x40: {  	_ =	swait.ge [sflag:s23], $0x2000  }
0x41: {  	[sflag:s23] =	ssyncset.done $0x0  }
0x42: {  	s1 =	simm.s32 $0x14080;
	[sflag:s23] =	ssyncadd.s32 $0xFFFFE000  }
0x43: {  	[tilespmem:s24], [sflag:$0x2] =	stream.indirect.gather [spmem:s3], $0x40, s1, s22, $0xb8;
	[tilespmem:$0x1D000] =	vst v63  }
0x44: {  	s6 =	simm.s32 $0x16800  }
0x45: {  	[spmem:s2] =	stream.indirect.scatter.add.f32 [tilespmem:s17], [sflag:$0x3], $0x40, s6, s22, $0xb8;
	[tilespmem:$0x1D000] =	vst v63  }
0x46: {  	_ =	swait.ge [sflag:s18], $0x2000  }
0x47: {  	[sflag:s18] =	ssyncset.done $0x0  }
0x48: {  	[sflag:s18] =	ssyncadd.s32 $0xFFFFE000  }
0x49: {  	_ =	swait.ge [sflag:s26], $0x2000  }
0x4a: {  	[sflag:s26] =	ssyncset.done $0x0  }
0x4b: {  	s1 =	simm.s32 $0x14100;
	[sflag:s26] =	ssyncadd.s32 $0xFFFFE000  }
0x4c: {  	[tilespmem:s17], [sflag:$0x1] =	stream.indirect.gather [spmem:s3], $0x40, s1, s22, $0xb8;
	[tilespmem:$0x1D000] =	vst v63  }
0x4d: {  	s6 =	simm.s32 $0x16880  }
0x4e: {  	[spmem:s2] =	stream.indirect.scatter.add.f32 [tilespmem:s24], [sflag:$0x3], $0x40, s6, s22, $0xb8;
	[tilespmem:$0x1D000] =	vst v63  }
0x4f: {  	_ =	swait.ge [sflag:s18], $0x2000  }
0x50: {  	s0 =	simm.s32 $0x400;
	[sflag:s18] =	ssyncset.done $0x0  }
.LBB2_4:
0x51: {  	p0 =	sne.s32 s0, $0x9800  }
0x52: {  	[sflag:s18] =	ssyncadd.s32 $0xFFFFE000;
	s1 =	smov.u32 s0;
	s0 =	sadd.s32 $0x400, s0  }
0x53: {  	_ = 	snop  }
0x54: {  	_ =	swait.ge [sflag:s23], $0x2000  }
0x55: {  	s1 =	sshra.s32 s1, $0x2;
	[sflag:s23] =	ssyncset.done $0x0  }
0x56: {  	s6 =	sadd.s32 $0x14080, s1;
	[sflag:s23] =	ssyncadd.s32 $0xFFFFE000  }
0x57: {  	[tilespmem:s24], [sflag:$0x2] =	stream.indirect.gather [spmem:s3], $0x40, s6, s22, $0xb8;
	[tilespmem:$0x1D000] =	vst v63  }
0x58: {  	s6 =	sadd.s32 $0x16800, s1  }
0x59: {  	[spmem:s2] =	stream.indirect.scatter.add.f32 [tilespmem:s17], [sflag:$0x3], $0x40, s6, s22, $0xb8;
	[tilespmem:$0x1D000] =	vst v63  }
0x5a: {  	_ =	swait.ge [sflag:s18], $0x2000  }
0x5b: {  	[sflag:s18] =	ssyncset.done $0x0  }
0x5c: {  	[sflag:s18] =	ssyncadd.s32 $0xFFFFE000  }
0x5d: {  	_ =	swait.ge [sflag:s26], $0x2000  }
0x5e: {  	[sflag:s26] =	ssyncset.done $0x0  }
0x5f: {  	s6 =	sadd.s32 $0x14100, s1;
	[sflag:s26] =	ssyncadd.s32 $0xFFFFE000  }
0x60: {  	[tilespmem:s17], [sflag:$0x1] =	stream.indirect.gather [spmem:s3], $0x40, s6, s22, $0xb8;
	[tilespmem:$0x1D000] =	vst v63  }
.Ltmp1:
0x61: {  	_ = 	snop;
	(pc) =	sbr.rel @p0 .LBB2_4-.Ltmp1, $4  }
0x62: {  	s1 =	sadd.s32 $0x16880, s1  }
0x63: {  	[spmem:s2] =	stream.indirect.scatter.add.f32 [tilespmem:s24], [sflag:$0x3], $0x40, s1, s22, $0xb8;
	[tilespmem:$0x1D000] =	vst v63  }
0x64: {  	_ =	swait.ge [sflag:s18], $0x2000  }
0x65: {  	[sflag:s18] =	ssyncset.done $0x0  }
0x66: {  	[sflag:s18] =	ssyncadd.s32 $0xFFFFE000  }
0x67: {  	_ =	swait.ge [sflag:s23], $0x2000  }
0x68: {  	[sflag:s23] =	ssyncset.done $0x0  }
0x69: {  	[sflag:s23] =	ssyncadd.s32 $0xFFFFE000  }
0x6a: {  	[tilespmem:s24], [sflag:$0x2] =	stream.indirect.gather [spmem:s3], $0x40, s28, s22, $0xb8;
	[tilespmem:$0x1D000] =	vst v63  }
0x6b: {  	_ = 	snop  }
0x6c: {  	[spmem:s2] =	stream.indirect.scatter.add.f32 [tilespmem:s17], [sflag:$0x3], $0x40, s29, s22, $0xb8;
	[tilespmem:$0x1D000] =	vst v63  }
0x6d: {  	_ =	swait.ge [sflag:s18], $0x2000  }
0x6e: {  	[sflag:s18] =	ssyncset.done $0x0  }
0x6f: {  	[sflag:s18] =	ssyncadd.s32 $0xFFFFE000  }
0x70: {  	_ =	swait.ge [sflag:s26], $0x2000  }
0x71: {  	[sflag:s26] =	ssyncset.done $0x0  }
0x72: {  	[sflag:s26] =	ssyncadd.s32 $0xFFFFE000  }
0x73: {  	[spmem:s2] =	stream.indirect.scatter.add.f32 [tilespmem:s24], [sflag:$0x3], $0x40, s30, s22, $0xb8;
	[tilespmem:$0x1D000] =	vst v63  }
0x74: {  	_ =	swait.ge [sflag:s18], $0x2000  }
0x75: {  	[sflag:s18] =	ssyncset.done $0x0  }
0x76: {  	s0 =	simm.s32 $0x0;
	[sflag:s18] =	ssyncadd.s32 $0xFFFFE000  }
0x77: {  	[tilespmem:s20], [sflag:$0x3] =	stream.linear.gather [hbm4b:s9+s0], $0x2800, $0x38;
	[tilespmem:$0x1D000] =	vst v63  }
0x78: {  	_ =	swait.ge [sflag:s18], $0x2800  }
0x79: {  	[sflag:s18] =	ssyncset.done $0x0  }
0x7a: {  	[sflag:s18] =	ssyncadd.s32 $0xFFFFD800  }
0x7b: {  	[tilespmem:s21], [sflag:$0x3] =	stream.linear.gather [hbm4b:s10+s0], $0x2800, $0x38;
	[tilespmem:$0x1D000] =	vst v63  }
0x7c: {  	_ =	swait.ge [sflag:s18], $0x2800  }
0x7d: {  	[sflag:s18] =	ssyncset.done $0x0  }
0x7e: {  	[sflag:s18] =	ssyncadd.s32 $0xFFFFD800  }
0x7f: {  	[tilespmem:s17], [sflag:$0x1] =	stream.indirect.gather [spmem:s3], $0x40, s20, s22, $0xb8;
	[tilespmem:$0x1D000] =	vst v63  }
0x80: {  	_ =	swait.ge [sflag:s23], $0x2000  }
0x81: {  	[sflag:s23] =	ssyncset.done $0x0  }
0x82: {  	s1 =	simm.s32 $0x14080;
	[sflag:s23] =	ssyncadd.s32 $0xFFFFE000  }
0x83: {  	[tilespmem:s24], [sflag:$0x2] =	stream.indirect.gather [spmem:s3], $0x40, s1, s22, $0xb8;
	[tilespmem:$0x1D000] =	vst v63  }
0x84: {  	s6 =	simm.s32 $0x16800  }
0x85: {  	[spmem:s2] =	stream.indirect.scatter.add.f32 [tilespmem:s17], [sflag:$0x3], $0x40, s6, s22, $0xb8;
	[tilespmem:$0x1D000] =	vst v63  }
0x86: {  	_ =	swait.ge [sflag:s18], $0x2000  }
0x87: {  	[sflag:s18] =	ssyncset.done $0x0  }
0x88: {  	[sflag:s18] =	ssyncadd.s32 $0xFFFFE000  }
0x89: {  	_ =	swait.ge [sflag:s26], $0x2000  }
0x8a: {  	[sflag:s26] =	ssyncset.done $0x0  }
0x8b: {  	s1 =	simm.s32 $0x14100;
	[sflag:s26] =	ssyncadd.s32 $0xFFFFE000  }
0x8c: {  	[tilespmem:s17], [sflag:$0x1] =	stream.indirect.gather [spmem:s3], $0x40, s1, s22, $0xb8;
	[tilespmem:$0x1D000] =	vst v63  }
0x8d: {  	s6 =	simm.s32 $0x16880  }
0x8e: {  	[spmem:s2] =	stream.indirect.scatter.add.f32 [tilespmem:s24], [sflag:$0x3], $0x40, s6, s22, $0xb8;
	[tilespmem:$0x1D000] =	vst v63  }
0x8f: {  	_ =	swait.ge [sflag:s18], $0x2000  }
0x90: {  	s0 =	simm.s32 $0x400;
	[sflag:s18] =	ssyncset.done $0x0  }
.LBB2_6:
0x91: {  	p0 =	sne.s32 s0, $0x9800  }
0x92: {  	[sflag:s18] =	ssyncadd.s32 $0xFFFFE000;
	s1 =	smov.u32 s0;
	s0 =	sadd.s32 $0x400, s0  }
0x93: {  	_ = 	snop  }
0x94: {  	_ =	swait.ge [sflag:s23], $0x2000  }
0x95: {  	s1 =	sshra.s32 s1, $0x2;
	[sflag:s23] =	ssyncset.done $0x0  }
0x96: {  	s6 =	sadd.s32 $0x14080, s1;
	[sflag:s23] =	ssyncadd.s32 $0xFFFFE000  }
0x97: {  	[tilespmem:s24], [sflag:$0x2] =	stream.indirect.gather [spmem:s3], $0x40, s6, s22, $0xb8;
	[tilespmem:$0x1D000] =	vst v63  }
0x98: {  	s6 =	sadd.s32 $0x16800, s1  }
0x99: {  	[spmem:s2] =	stream.indirect.scatter.add.f32 [tilespmem:s17], [sflag:$0x3], $0x40, s6, s22, $0xb8;
	[tilespmem:$0x1D000] =	vst v63  }
0x9a: {  	_ =	swait.ge [sflag:s18], $0x2000  }
0x9b: {  	[sflag:s18] =	ssyncset.done $0x0  }
0x9c: {  	[sflag:s18] =	ssyncadd.s32 $0xFFFFE000  }
0x9d: {  	_ =	swait.ge [sflag:s26], $0x2000  }
0x9e: {  	[sflag:s26] =	ssyncset.done $0x0  }
0x9f: {  	s6 =	sadd.s32 $0x14100, s1;
	[sflag:s26] =	ssyncadd.s32 $0xFFFFE000  }
0xa0: {  	[tilespmem:s17], [sflag:$0x1] =	stream.indirect.gather [spmem:s3], $0x40, s6, s22, $0xb8;
	[tilespmem:$0x1D000] =	vst v63  }
.Ltmp2:
0xa1: {  	_ = 	snop;
	(pc) =	sbr.rel @p0 .LBB2_6-.Ltmp2, $4  }
0xa2: {  	s1 =	sadd.s32 $0x16880, s1  }
0xa3: {  	[spmem:s2] =	stream.indirect.scatter.add.f32 [tilespmem:s24], [sflag:$0x3], $0x40, s1, s22, $0xb8;
	[tilespmem:$0x1D000] =	vst v63  }
0xa4: {  	_ =	swait.ge [sflag:s18], $0x2000  }
0xa5: {  	[sflag:s18] =	ssyncset.done $0x0  }
0xa6: {  	[sflag:s18] =	ssyncadd.s32 $0xFFFFE000  }
0xa7: {  	_ =	swait.ge [sflag:s23], $0x2000  }
0xa8: {  	[sflag:s23] =	ssyncset.done $0x0  }
0xa9: {  	[sflag:s23] =	ssyncadd.s32 $0xFFFFE000  }
0xaa: {  	[tilespmem:s24], [sflag:$0x2] =	stream.indirect.gather [spmem:s3], $0x40, s28, s22, $0xb8;
	[tilespmem:$0x1D000] =	vst v63  }
0xab: {  	_ = 	snop  }
0xac: {  	[spmem:s2] =	stream.indirect.scatter.add.f32 [tilespmem:s17], [sflag:$0x3], $0x40, s29, s22, $0xb8;
	[tilespmem:$0x1D000] =	vst v63  }
0xad: {  	_ =	swait.ge [sflag:s18], $0x2000  }
0xae: {  	[sflag:s18] =	ssyncset.done $0x0  }
0xaf: {  	[sflag:s18] =	ssyncadd.s32 $0xFFFFE000  }
0xb0: {  	_ =	swait.ge [sflag:s26], $0x2000  }
0xb1: {  	[sflag:s26] =	ssyncset.done $0x0  }
0xb2: {  	[sflag:s26] =	ssyncadd.s32 $0xFFFFE000  }
0xb3: {  	[spmem:s2] =	stream.indirect.scatter.add.f32 [tilespmem:s24], [sflag:$0x3], $0x40, s30, s22, $0xb8;
	[tilespmem:$0x1D000] =	vst v63  }
0xb4: {  	_ =	swait.ge [sflag:s18], $0x2000  }
0xb5: {  	s4 =	sadd.s32 $0x1, s4;
	[sflag:s18] =	ssyncset.done $0x0  }
0xb6: {  	p0 =	sne.s32 s4, s12;
	[sflag:s18] =	ssyncadd.s32 $0xFFFFE000  }
.Ltmp3:
0xb7: {  	[bflag:$0x0] =	sbarrier.arrive $0xFFFF;
	(pc) =	sbr.rel @p0 .LBB2_1-.Ltmp3, $4  }
0xb8: {  	[hbm:s11], [sflag:s31] =	dma.local [spmem:s25], $0x1400  }
0xb9: {  	_ =	swait.ge [sflag:s18], $0x1400  }
0xba: {  	[sflag:s18] =	ssyncset.done $0x0  }
0xbb: {  	[sflag:s18] =	ssyncadd.s32 $0xFFFFEC00  }
0xbc: {  	_ =	sfence.sel $0x180000  }
0xbd: {  	[bflag:$0x0] =	sbarrier.arrive $0xFFFF  }
0xbe: {  	_ =	strace $0x9000004A  }
0xbf: {  	s0 =	stileid.u32;
	[bflag:$0x2] =	sbarrier.arrive $0xFFFF  }
0xc0: {  	p0 =	sne.s32 s0, $0x0;
	s0 =	rddreg [dreg:$0x3]  }
0xc1: {  	s0 =	sadd.s32 @!p0 $0x100000, s0  }
0xc2: {  	[sflag:s0] =	ssyncadd.tile.s32 @!p0 $0x1;
	_ =	shalt  }
.Lfunc_end2:
_tile_overlayer_lowered:
.L_overlay_start_2:
0xc3: {  	(tag) =	ssettag $0x2  }
0xc4: {  	s0 =	rddreg [dreg:$0x0];
	s2 =	stileid.u32  }
0xc5: {  	s1 =	rddreg [dreg:$0x1];
	p0 =	sne.s32 s2, $0x0  }
0xc6: {  	s3 =	rddreg [dreg:$0x2];
	[bflag:$0x3] =	sbarrier.arrive $0xFFFF;
	s2 =	simm.s32 @!p0 $0x1C03  }
0xc7: {  	[timem:s3], [sflag:s2] =	dma.local @!p0 [hbm:s0], s1  }
0xc8: {  	s0 =	simm.s32 @!p0 $0x3  }
0xc9: {  	_ =	swait.ge @!p0 [sflag:s0], s1  }
0xca: {  	s1 =	ssub.s32 @!p0 $0x0, s1;
	[sflag:s0] =	ssyncset.done @!p0 $0x0  }
0xcb: {  	[sflag:s0] =	ssyncadd.s32 @!p0 s1  }
0xcc: {  	[bflag:$0x3] =	sbarrier.arrive $0xFFFF  }
0xcd: {  	_ =	shalt  }

// kernel: kernel.15.cloned.1.call-start
scs
__scs_entry_jumppad:
0x0: {  	(pc) =	sbr.rel $0x88, $3  }
0x1: {  	(tag) =	ssettag $0x0;
	lr =	simm.s32 $0x1  }
0x2: {  	[smem:$0x3F97] =	sst lr;
	_ =	strace $0xD0000000  }
0x3: {  	_ = 	snop  }
0x4: {  	_ = 	snop  }
0x5: {  	_ = 	snop  }
0x6: {  	_ = 	snop  }
0x7: {  	_ = 	snop  }
__scs_overlays_trampoline_lowered:
0x8: {  	[smem:$0x3FA6] =	sst s0  }
0x9: {  	[smem:$0x3FA7] =	sst s1  }
0xa: {  	[smem:$0x3FA8] =	sst s2  }
0xb: {  	[smem:$0x3FA9] =	sst s3  }
0xc: {  	[smem:$0x3FAA] =	sst s4  }
0xd: {  	[smem:$0x3FAB] =	sst s5  }
0xe: {  	[smem:$0x3FAC] =	sst s6  }
0xf: {  	[smem:$0x3FAD] =	sst s7  }
0x10: {  	[smem:$0x3FAE] =	sst s8  }
0x11: {  	[smem:$0x3FAF] =	sst s9;
	s0 =	simm.s32 @!p0 $0x0  }
0x12: {  	s1 =	sld [smem:$0x3F95];
	s0 =	simm.s32 @p0 $0x1  }
0x13: {  	[smem:$0x3FB0] =	sst s0;
	s0 =	simm.s32 @!p1 $0x0  }
0x14: {  	s2 =	sld [smem:$0x3F94];
	s0 =	simm.s32 @p1 $0x1  }
0x15: {  	[smem:$0x3FB1] =	sst s0;
	s0 =	simm.s32 @!p2 $0x0  }
0x16: {  	s3 =	sld [smem:$0x3FDB];
	s0 =	simm.s32 @p2 $0x1  }
0x17: {  	s4 =	simm.s32 $0x1BF5;
	[smem:$0x3FB3] =	sst s0  }
0x18: {  	s0 =	sld [smem:$0x3F96];
	_ =	swait.ge [sflag:s4], $0x0  }
0x19: {  	s7 =	sld [smem:$0x3F97]  }
0x1a: {  	s8 =	sadd.s32 $0xFFFFE003, lr  }
0x1b: {  	s9 =	sadd.s32 $0xFFFFFEF7, lr;
	s5 =	simm.s32 $0xFFFFFFFF;
	p2 =	slt.u32 s8, $0xFFFFF086  }
0x1c: {  	p1 =	slt.u32 s9, $0xF7A;
	s5 =	simm.s32 @!p2 $0x0  }
0x1d: {  	s5 =	simm.s32 @p1 $0x1;
	p0 =	seq.s32 s7, s2  }
0x1e: {  	s7 =	smul.u32 @!p0 $0xF7A, s2;
	p2 =	seq.s32 @!p0 s5, $0x0  }
0x1f: {  	s9 =	smul.u32 $0xF7A, s1;
	s8 =	simm.s32 @!p0 $0x1BF5;
	p2 =	por !p2, p0  }
0x20: {  	[sflag:s8] =	ssyncset.s32 @!p0 $0xFFFFF086;
	s6 =	sadd.s32 @!p0 s3, s7;
	s7 =	simm.s32 @!p0 $0x108  }
0x21: {  	s3 =	sadd.s32 s3, s9;
	s6 =	sadd.s32 @!p0 $0x88, s6;
	s7 =	simm.s32 @p2 $0x1082  }
0x22: {  	[simem:s7], [sflag:s8] =	dma.local @!p0 [hbm:s6], $0xF7A  }
0x23: {  	s9 =	sor.u32 $0xD0000000, s2;
	s6 =	simm.s32 $0x108;
	_ =	swait.ge @!p0 [sflag:s8], $0x0  }
0x24: {  	s3 =	sadd.s32 $0x88, s3;
	s6 =	simm.s32 @!p1 $0x1082;
	[sflag:s4] =	ssyncset.s32 $0xFFFFF086  }
0x25: {  	[simem:s6], [sflag:s4] =	dma.local [hbm:s3], $0xF7A  }
0x26: {  	[smem:$0x3F97] =	sst s1;
	(tag) =	ssettag s2;
	_ =	strace s9  }
0x27: {  	s1 =	sld [smem:$0x3FA7]  }
0x28: {  	s2 =	sld [smem:$0x3FA8]  }
0x29: {  	s4 =	sld [smem:$0x3FAA]  }
0x2a: {  	p0 =	seq.s32 s5, $0x0;
	s5 =	sld [smem:$0x3FAB]  }
0x2b: {  	s6 =	sld [smem:$0x3FAC]  }
0x2c: {  	s7 =	sld [smem:$0x3FAD]  }
0x2d: {  	s3 =	simm.s32 $0x108;
	s8 =	sld [smem:$0x3FAE]  }
0x2e: {  	s3 =	simm.s32 @!p0 $0x1082;
	s9 =	sld [smem:$0x3FAF]  }
0x2f: {  	lr =	sadd.s32 s0, s3;
	s0 =	sld [smem:$0x3FA6]  }
0x30: {  	s3 =	sld [smem:$0x3FA9]  }
0x31: {  	[smem:$0x3FB2] =	sst s10  }
0x32: {  	s10 =	sld [smem:$0x3FB0];
	_ =	sdelay $0x3  }
0x33: {  	p0 =	seq.s32 s10, $0x1;
	s10 =	sld [smem:$0x3FB2];
	_ =	sdelay $0x3  }
0x34: {  	[smem:$0x3FB2] =	sst s10  }
0x35: {  	s10 =	sld [smem:$0x3FB1];
	_ =	sdelay $0x3  }
0x36: {  	p1 =	seq.s32 s10, $0x1;
	s10 =	sld [smem:$0x3FB2];
	_ =	sdelay $0x3  }
0x37: {  	[smem:$0x3FB2] =	sst s10  }
0x38: {  	s10 =	sld [smem:$0x3FB3]  }
0x39: {  	_ = 	snop;
	(pc) =	sbr.ind lr, $3  }
0x3a: {  	_ = 	snop  }
0x3b: {  	_ = 	snop  }
0x3c: {  	p2 =	seq.s32 s10, $0x1;
	s10 =	sld [smem:$0x3FB2]  }
0x3d: {  	_ =	shalt  }
0x3e: {  	_ =	shalt  }
0x3f: {  	_ =	shalt  }
0x40: {  	_ =	shalt  }
0x41: {  	_ =	shalt  }
0x42: {  	_ =	shalt  }
0x43: {  	_ =	shalt  }
0x44: {  	_ =	shalt  }
0x45: {  	_ =	shalt  }
0x46: {  	_ =	shalt  }
0x47: {  	_ =	shalt  }
0x48: {  	_ =	shalt  }
0x49: {  	_ =	shalt  }
0x4a: {  	_ =	shalt  }
0x4b: {  	_ =	shalt  }
0x4c: {  	_ =	shalt  }
0x4d: {  	_ =	shalt  }
0x4e: {  	_ =	shalt  }
0x4f: {  	_ =	shalt  }
0x50: {  	_ =	shalt  }
0x51: {  	_ =	shalt  }
0x52: {  	_ =	shalt  }
0x53: {  	_ =	shalt  }
0x54: {  	_ =	shalt  }
0x55: {  	_ =	shalt  }
0x56: {  	_ =	shalt  }
0x57: {  	_ =	shalt  }
0x58: {  	_ =	shalt  }
0x59: {  	_ =	shalt  }
0x5a: {  	_ =	shalt  }
0x5b: {  	_ =	shalt  }
0x5c: {  	_ =	shalt  }
0x5d: {  	_ =	shalt  }
0x5e: {  	_ =	shalt  }
0x5f: {  	_ =	shalt  }
0x60: {  	_ =	shalt  }
0x61: {  	_ =	shalt  }
0x62: {  	_ =	shalt  }
0x63: {  	_ =	shalt  }
0x64: {  	_ =	shalt  }
0x65: {  	_ =	shalt  }
0x66: {  	_ =	shalt  }
0x67: {  	_ =	shalt  }
0x68: {  	_ =	shalt  }
0x69: {  	_ =	shalt  }
0x6a: {  	_ =	shalt  }
0x6b: {  	_ =	shalt  }
0x6c: {  	_ =	shalt  }
0x6d: {  	_ =	shalt  }
0x6e: {  	_ =	shalt  }
0x6f: {  	_ =	shalt  }
0x70: {  	_ =	shalt  }
0x71: {  	_ =	shalt  }
0x72: {  	_ =	shalt  }
0x73: {  	_ =	shalt  }
0x74: {  	_ =	shalt  }
0x75: {  	_ =	shalt  }
0x76: {  	_ =	shalt  }
0x77: {  	_ =	shalt  }
0x78: {  	_ =	shalt  }
0x79: {  	_ =	shalt  }
0x7a: {  	_ =	shalt  }
0x7b: {  	_ =	shalt  }
0x7c: {  	_ =	shalt  }
0x7d: {  	_ =	shalt  }
0x7e: {  	_ =	shalt  }
0x7f: {  	_ =	shalt  }
0x80: {  	_ =	shalt  }
0x81: {  	_ =	shalt  }
0x82: {  	_ =	shalt  }
0x83: {  	_ =	shalt  }
0x84: {  	_ =	shalt  }
0x85: {  	_ =	shalt  }
0x86: {  	_ =	shalt  }
0x87: {  	_ =	shalt  }
.Lfunc_end0:
.L_simem_size_0:
called_computation.2_lowered:
.L_overlay_start_0:
0x88: {  	s2 =	sld [smem:$0x3FD9]  }
0x89: {  	s3 =	sld [smem:$0x3FFE];
	_ =	sdelay $0x1  }
0x8a: {  	s1 =	srdreg.scid  }
0x8b: {  	s0 =	sand.u32 $0x1, s1  }
0x8c: {  	s16 =	sshll.u32 s0, $0xA;
	s2 =	sadd.s32 s3, s2  }
0x8d: {  	s2 =	sadd.s32 s2, s16  }
0x8e: {  	[smem:$0x3FBE] =	sst s2  }
0x8f: {  	_ = 	snop  }
0x90: {  	(tm) =	ssettm $0x1  }
0x91: {  	s17 =	sld [smem:$0x3FFB];
	_ =	sdelay $0x3  }
0x92: {  	_ =	strace s17  }
0x93: {  	s2 =	sld [smem:$0x3FFC];
	_ =	sdelay $0x3  }
0x94: {  	_ =	strace s2  }
0x95: {  	s2 =	sld [smem:$0x3FFD];
	_ =	sdelay $0x3  }
0x96: {  	_ =	strace s2  }
0x97: {  	_ =	strace $0x8FFFFFFF  }
0x98: {  	s18 =	sld [smem:$0x3FDB];
	_ =	sdelay $0x1  }
0x99: {  	s19 =	simm.s32 $_scs_section_size  }
0x9a: {  	s4 =	simm.s32 $_size__tile_overlayer_lowered;
	s5 =	simm.s32 $_tile_overlayer_lowered  }
0x9b: {  	s22 =	simm.s32 $0x1BFF;
	s21 =	sshll.u32 s5, $0x1;
	s2 =	sadd.s32 s19, s18  }
0x9c: {  	s6 =	simm.s32 $0x0;
	s20 =	sshll.u32 s4, $0x1;
	s4 =	sadd.s32 s21, s2  }
0x9d: {  	[timem:s6], [sflag:s22] =	dma.local [hbm:s4], s20  }
0x9e: {  	_ =	swait.ge [sflag:s22], s20  }
0x9f: {  	s3 =	ssub.s32 $0x0, s20;
	[sflag:s22] =	ssyncset.done $0x0  }
0xa0: {  	[sflag:s22] =	ssyncadd.s32 s3;
	_ =	sdelay $0x1  }
0xa1: {  	s23 =	simm.s32 $0x1B8B  }
0xa2: {  	_ =	swait.ge [sflag:s23], $0x1  }
0xa3: {  	[sflag:s23] =	ssyncset.done $0x0  }
0xa4: {  	s25 =	simm.s32 $0x1B8E;
	s24 =	sld [smem:$0x3FFE];
	[sflag:s23] =	ssyncadd.s32 $0xFFFFFFFF  }
0xa5: {  	s26 =	simm.s32 $execute0_lowered;
	[smem:$0x3FD2] =	sst s25  }
0xa6: {  	s4 =	sshll.u32 s26, $0x1;
	_ =	strace $0x8000004C;
	[dreg:$0x1] =	wrdreg $0xFFFFFFFF  }
0xa7: {  	s28 =	simm.s32 $_size_execute0_lowered;
	s2 =	sadd.s32 s2, s4;
	[dreg:$0x0] =	wrdreg $0x0  }
0xa8: {  	s4 =	sshll.u32 s28, $0x1;
	[dreg:$0x2] =	wrdreg s2  }
0xa9: {  	[dreg:$0x3] =	wrdreg s4  }
0xaa: {  	[dreg:$0x4] =	wrdreg $0xC0  }
0xab: {  	_ =	task [dreg:s6], $0x5FFFF  }
0xac: {  	[dreg:$0x1] =	wrdreg $0xFFFFFFFF  }
0xad: {  	[dreg:$0x0] =	wrdreg $0x60  }
0xae: {  	[dreg:$0x2] =	wrdreg s24  }
0xaf: {  	[dreg:$0x3] =	wrdreg $0xA0000  }
0xb0: {  	[dreg:$0x4] =	wrdreg $0x0  }
0xb1: {  	[dreg:$0x5] =	wrdreg $0x9  }
0xb2: {  	_ =	task.clear_ibuf [dreg:s6], $0x6FFFF;
	_ =	strace $0x9000004C  }
0xb3: {  	s29 =	simm.s32 $0x9;
	_ =	strace $0x8000004E  }
0xb4: {  	_ =	swait.ge [sflag:s29], $0x1  }
0xb5: {  	[sflag:s29] =	ssyncadd.s32 $0xFFFFFFFF  }
0xb6: {  	_ =	strace $0x9000004E  }
0xb7: {  	_ =	sfence  }
0xb8: {  	s30 =	sld [smem:$0x0];
	_ =	sdelay $0x2  }
0xb9: {  	s31 =	sshll.u32 s1, $0xD;
	s1 =	sshrl.u32 s1, $0x2  }
0xba: {  	s3 =	sand.u32 $0x4000, s31;
	s1 =	sadd.s32 s1, s30  }
0xbb: {  	s0 =	sor.u32 s3, s0;
	s1 =	sshll.u32 s1, $0x11  }
0xbc: {  	s0 =	sor.u32 s1, s0  }
0xbd: {  	s0 =	sadd.s32 $0x8F2B, s0  }
0xbe: {  	[sflag:s0] =	ssyncadd.remote.s32 $0x1  }
0xbf: {  	_ =	sfence.sel $0xFFFF  }
0xc0: {  	[dreg:$0x0] =	wrdreg $0xFFFFFFFF;
	(pc) =	sbr.abs _section_cstart, $3  }
0xc1: {  	[dreg:$0x1] =	wrdreg $0xFFFFFFFF  }
0xc2: {  	_ =	task.clear_ibuf [dreg:s6], $0x2FFFF;
	_ =	strace $0x9FFFFFFF  }
0xc3: {  	(tm) =	ssettm $0x7FFFFFFF  }
tec
execute0_lowered:
.L_overlay_start_1:
0x0: {  	(tag) =	ssettag $0x1  }
0x1: {  	s0 =	rddreg [dreg:$0x0]  }
0x2: {  	s2 =	rddreg [dreg:$0x1]  }
0x3: {  	s3 =	rddreg [dreg:$0x2];
	s5 =	srdreg.scid  }
0x4: {  	s1 =	stileid.u32;
	s4 =	simm.s32 $0x0;
	s17 =	simm.s32 $0x19000  }
0x5: {  	s18 =	simm.s32 $0x3;
	s20 =	simm.s32 $0x14000;
	s21 =	simm.s32 $0x16800  }
0x6: {  	s22 =	simm.s32 $0x80;
	s23 =	simm.s32 $0x1;
	s24 =	simm.s32 $0x1B000  }
0x7: {  	s28 =	simm.s32 $0x16780;
	s29 =	simm.s32 $0x18F00;
	s12 =	smul.u32 $0xA000, s1  }
0x8: {  	s30 =	simm.s32 $0x18F80;
	s5 =	sand.u32 $0x1, s5;
	s7 =	smul.u32 $0x28000, s1  }
0x9: {  	[smem:$0x7FF] =	sst s4;
	s9 =	sadd.s32 $0x16800, s0;
	s8 =	smul.u32 $0x5000, s1  }
0xa: {  	s10 =	sadd.s32 $0x2800, s0;
	s6 =	smul.u32 $0xA0000, s5;
	s5 =	ssub.s32 $0x2, s5  }
0xb: {  	_ =	strace $0x8000004D;
	s25 =	sshrl.u32 s5, $0x1;
	s7 =	sshrl.u32 s7, $0x2  }
0xc: {  	s8 =	sshrl.u32 s8, $0x3;
	s19 =	sadd.s32 s12, s3;
	s31 =	sadd.s32 s12, s2  }
0xd: {  	s6 =	sadd.s32 s12, s6;
	s13 =	ssub.s32 s5, s25;
	s5 =	sadd.s32 s7, s2  }
0xe: {  	s11 =	sadd.s32 $0x500, s8;
	s7 =	sadd.s32 s9, s8;
	s8 =	sadd.s32 s10, s8  }
0xf: {  	s19 =	sshrl.u32 s19, $0x3;
	s25 =	sshrl.u32 s31, $0x3;
	s6 =	sshrl.u32 s6, $0x3  }
0x10: {  	s9 =	sadd.s32 s9, s11;
	s10 =	sadd.s32 s10, s11;
	s12 =	smax.u32 s13, $0x1  }
0x11: {  	s13 =	sadd.s32 $0x2000, s5;
	s14 =	sadd.s32 $0x4000, s5;
	s0 =	sadd.s32 s6, s0  }
0x12: {  	s15 =	sadd.s32 $0x6000, s5;
	s16 =	sadd.s32 $0x8000, s5;
	s26 =	sadd.s32 $0x20800, s0  }
0x13: {  	v0 =	vimm.f32 $0.0e+00;
	s11 =	sadd.s32 $0xC0800, s0;
	[dreg:$0x4] =	wrdreg s26;
	s26 =	simm.s32 $0x2  }
.LBB2_1:
0x14: {  	s31 =	simm.s32 $0x100;
	s0 =	simm.s32 $0x0  }
.LBB2_2:
0x15: {  	p0 =	sne.s32 s31, $0x7F00;
	[tilespmem:s0+$0x19030] =	vst v0;
	s1 =	smov.u32 s31;
	s31 =	sadd.s32 $0x100, s31  }
.Ltmp0:
0x16: {  	[tilespmem:s0+$0x19020] =	vst v0;
	(pc) =	sbr.rel @p0 .LBB2_2-.Ltmp0, $3  }
0x17: {  	[tilespmem:s0+$0x19000] =	vst v0  }
0x18: {  	[tilespmem:s0+$0x19010] =	vst v0;
	_ =	sdelay $0x1  }
0x19: {  	s0 =	sshra.s32 s1, $0x2  }
0x1a: {  	[tilespmem:s0+$0x19030] =	vst v0  }
0x1b: {  	[tilespmem:s0+$0x19020] =	vst v0  }
0x1c: {  	[tilespmem:s0+$0x19000] =	vst v0  }
0x1d: {  	[tilespmem:s0+$0x19010] =	vst v0  }
0x1e: {  	[spmem:s5] =	stream.linear.scatter [tilespmem:s17], [sflag:$0x3], $0x2000, $0x38;
	[tilespmem:$0x1D000] =	vst v63  }
0x1f: {  	_ =	swait.ge [sflag:s18], $0x2000  }
0x20: {  	[sflag:s18] =	ssyncset.done $0x0  }
0x21: {  	[sflag:s18] =	ssyncadd.s32 $0xFFFFE000  }
0x22: {  	[spmem:s13] =	stream.linear.scatter [tilespmem:s17], [sflag:$0x3], $0x2000, $0x38;
	[tilespmem:$0x1D000] =	vst v63  }
0x23: {  	_ =	swait.ge [sflag:s18], $0x2000  }
0x24: {  	[sflag:s18] =	ssyncset.done $0x0  }
0x25: {  	[sflag:s18] =	ssyncadd.s32 $0xFFFFE000  }
0x26: {  	[spmem:s14] =	stream.linear.scatter [tilespmem:s17], [sflag:$0x3], $0x2000, $0x38;
	[tilespmem:$0x1D000] =	vst v63  }
0x27: {  	_ =	swait.ge [sflag:s18], $0x2000  }
0x28: {  	[sflag:s18] =	ssyncset.done $0x0  }
0x29: {  	[sflag:s18] =	ssyncadd.s32 $0xFFFFE000  }
0x2a: {  	[spmem:s15] =	stream.linear.scatter [tilespmem:s17], [sflag:$0x3], $0x2000, $0x38;
	[tilespmem:$0x1D000] =	vst v63  }
0x2b: {  	_ =	swait.ge [sflag:s18], $0x2000  }
0x2c: {  	[sflag:s18] =	ssyncset.done $0x0  }
0x2d: {  	[sflag:s18] =	ssyncadd.s32 $0xFFFFE000  }
0x2e: {  	[spmem:s16] =	stream.linear.scatter [tilespmem:s17], [sflag:$0x3], $0x2000, $0x38;
	[tilespmem:$0x1D000] =	vst v63  }
0x2f: {  	s6 =	stileid.u32;
	_ =	swait.ge [sflag:s18], $0x2000  }
0x30: {  	s0 =	sshll.u32 s6, $0x6;
	[sflag:s18] =	ssyncset.done $0x0  }
0x31: {  	s31 =	sor.u32 $0x1C03, s0;
	s1 =	rddreg [dreg:$0x4];
	[sflag:s18] =	ssyncadd.s32 $0xFFFFE000  }
0x32: {  	[spmem:s19], [sflag:s31] =	dma.local [hbm:s1], $0x1400  }
0x33: {  	_ =	swait.ge [sflag:s18], $0x1400  }
0x34: {  	[sflag:s18] =	ssyncset.done $0x0  }
0x35: {  	[sflag:s18] =	ssyncadd.s32 $0xFFFFEC00  }
0x36: {  	s6 =	simm.s32 $0x0;
	[bflag:$0x0] =	sbarrier.arrive $0xFFFF  }
0x37: {  	[tilespmem:s20], [sflag:$0x3] =	stream.linear.gather [hbm4b:s7+s6], $0x2800, $0x38;
	[tilespmem:$0x1D000] =	vst v63  }
0x38: {  	_ =	swait.ge [sflag:s18], $0x2800  }
0x39: {  	[sflag:s18] =	ssyncset.done $0x0  }
0x3a: {  	[sflag:s18] =	ssyncadd.s32 $0xFFFFD800  }
0x3b: {  	[tilespmem:s21], [sflag:$0x3] =	stream.linear.gather [hbm4b:s8+s6], $0x2800, $0x38;
	[tilespmem:$0x1D000] =	vst v63  }
0x3c: {  	_ =	swait.ge [sflag:s18], $0x2800  }
0x3d: {  	[sflag:s18] =	ssyncset.done $0x0  }
0x3e: {  	[sflag:s18] =	ssyncadd.s32 $0xFFFFD800  }
0x3f: {  	[tilespmem:s17], [sflag:$0x1] =	stream.indirect.gather [spmem:s3], $0x40, s20, s22, $0xb8;
	[tilespmem:$0x1D000] =	vst v63  }
0x40: {  	_ =	swait.ge [sflag:s23], $0x2000  }
0x41: {  	[sflag:s23] =	ssyncset.done $0x0  }
0x42: {  	s1 =	simm.s32 $0x14080;
	[sflag:s23] =	ssyncadd.s32 $0xFFFFE000  }
0x43: {  	[tilespmem:s24], [sflag:$0x2] =	stream.indirect.gather [spmem:s3], $0x40, s1, s22, $0xb8;
	[tilespmem:$0x1D000] =	vst v63  }
0x44: {  	s6 =	simm.s32 $0x16800  }
0x45: {  	[spmem:s2] =	stream.indirect.scatter.add.f32 [tilespmem:s17], [sflag:$0x3], $0x40, s6, s22, $0xb8;
	[tilespmem:$0x1D000] =	vst v63  }
0x46: {  	_ =	swait.ge [sflag:s18], $0x2000  }
0x47: {  	[sflag:s18] =	ssyncset.done $0x0  }
0x48: {  	[sflag:s18] =	ssyncadd.s32 $0xFFFFE000  }
0x49: {  	_ =	swait.ge [sflag:s26], $0x2000  }
0x4a: {  	[sflag:s26] =	ssyncset.done $0x0  }
0x4b: {  	s1 =	simm.s32 $0x14100;
	[sflag:s26] =	ssyncadd.s32 $0xFFFFE000  }
0x4c: {  	[tilespmem:s17], [sflag:$0x1] =	stream.indirect.gather [spmem:s3], $0x40, s1, s22, $0xb8;
	[tilespmem:$0x1D000] =	vst v63  }
0x4d: {  	s6 =	simm.s32 $0x16880  }
0x4e: {  	[spmem:s2] =	stream.indirect.scatter.add.f32 [tilespmem:s24], [sflag:$0x3], $0x40, s6, s22, $0xb8;
	[tilespmem:$0x1D000] =	vst v63  }
0x4f: {  	_ =	swait.ge [sflag:s18], $0x2000  }
0x50: {  	s0 =	simm.s32 $0x400;
	[sflag:s18] =	ssyncset.done $0x0  }
.LBB2_4:
0x51: {  	p0 =	sne.s32 s0, $0x9800  }
0x52: {  	[sflag:s18] =	ssyncadd.s32 $0xFFFFE000;
	s1 =	smov.u32 s0;
	s0 =	sadd.s32 $0x400, s0  }
0x53: {  	_ = 	snop  }
0x54: {  	_ =	swait.ge [sflag:s23], $0x2000  }
0x55: {  	s1 =	sshra.s32 s1, $0x2;
	[sflag:s23] =	ssyncset.done $0x0  }
0x56: {  	s6 =	sadd.s32 $0x14080, s1;
	[sflag:s23] =	ssyncadd.s32 $0xFFFFE000  }
0x57: {  	[tilespmem:s24], [sflag:$0x2] =	stream.indirect.gather [spmem:s3], $0x40, s6, s22, $0xb8;
	[tilespmem:$0x1D000] =	vst v63  }
0x58: {  	s6 =	sadd.s32 $0x16800, s1  }
0x59: {  	[spmem:s2] =	stream.indirect.scatter.add.f32 [tilespmem:s17], [sflag:$0x3], $0x40, s6, s22, $0xb8;
	[tilespmem:$0x1D000] =	vst v63  }
0x5a: {  	_ =	swait.ge [sflag:s18], $0x2000  }
0x5b: {  	[sflag:s18] =	ssyncset.done $0x0  }
0x5c: {  	[sflag:s18] =	ssyncadd.s32 $0xFFFFE000  }
0x5d: {  	_ =	swait.ge [sflag:s26], $0x2000  }
0x5e: {  	[sflag:s26] =	ssyncset.done $0x0  }
0x5f: {  	s6 =	sadd.s32 $0x14100, s1;
	[sflag:s26] =	ssyncadd.s32 $0xFFFFE000  }
0x60: {  	[tilespmem:s17], [sflag:$0x1] =	stream.indirect.gather [spmem:s3], $0x40, s6, s22, $0xb8;
	[tilespmem:$0x1D000] =	vst v63  }
.Ltmp1:
0x61: {  	_ = 	snop;
	(pc) =	sbr.rel @p0 .LBB2_4-.Ltmp1, $4  }
0x62: {  	s1 =	sadd.s32 $0x16880, s1  }
0x63: {  	[spmem:s2] =	stream.indirect.scatter.add.f32 [tilespmem:s24], [sflag:$0x3], $0x40, s1, s22, $0xb8;
	[tilespmem:$0x1D000] =	vst v63  }
0x64: {  	_ =	swait.ge [sflag:s18], $0x2000  }
0x65: {  	[sflag:s18] =	ssyncset.done $0x0  }
0x66: {  	[sflag:s18] =	ssyncadd.s32 $0xFFFFE000  }
0x67: {  	_ =	swait.ge [sflag:s23], $0x2000  }
0x68: {  	[sflag:s23] =	ssyncset.done $0x0  }
0x69: {  	[sflag:s23] =	ssyncadd.s32 $0xFFFFE000  }
0x6a: {  	[tilespmem:s24], [sflag:$0x2] =	stream.indirect.gather [spmem:s3], $0x40, s28, s22, $0xb8;
	[tilespmem:$0x1D000] =	vst v63  }
0x6b: {  	_ = 	snop  }
0x6c: {  	[spmem:s2] =	stream.indirect.scatter.add.f32 [tilespmem:s17], [sflag:$0x3], $0x40, s29, s22, $0xb8;
	[tilespmem:$0x1D000] =	vst v63  }
0x6d: {  	_ =	swait.ge [sflag:s18], $0x2000  }
0x6e: {  	[sflag:s18] =	ssyncset.done $0x0  }
0x6f: {  	[sflag:s18] =	ssyncadd.s32 $0xFFFFE000  }
0x70: {  	_ =	swait.ge [sflag:s26], $0x2000  }
0x71: {  	[sflag:s26] =	ssyncset.done $0x0  }
0x72: {  	[sflag:s26] =	ssyncadd.s32 $0xFFFFE000  }
0x73: {  	[spmem:s2] =	stream.indirect.scatter.add.f32 [tilespmem:s24], [sflag:$0x3], $0x40, s30, s22, $0xb8;
	[tilespmem:$0x1D000] =	vst v63  }
0x74: {  	_ =	swait.ge [sflag:s18], $0x2000  }
0x75: {  	[sflag:s18] =	ssyncset.done $0x0  }
0x76: {  	s0 =	simm.s32 $0x0;
	[sflag:s18] =	ssyncadd.s32 $0xFFFFE000  }
0x77: {  	[tilespmem:s20], [sflag:$0x3] =	stream.linear.gather [hbm4b:s9+s0], $0x2800, $0x38;
	[tilespmem:$0x1D000] =	vst v63  }
0x78: {  	_ =	swait.ge [sflag:s18], $0x2800  }
0x79: {  	[sflag:s18] =	ssyncset.done $0x0  }
0x7a: {  	[sflag:s18] =	ssyncadd.s32 $0xFFFFD800  }
0x7b: {  	[tilespmem:s21], [sflag:$0x3] =	stream.linear.gather [hbm4b:s10+s0], $0x2800, $0x38;
	[tilespmem:$0x1D000] =	vst v63  }
0x7c: {  	_ =	swait.ge [sflag:s18], $0x2800  }
0x7d: {  	[sflag:s18] =	ssyncset.done $0x0  }
0x7e: {  	[sflag:s18] =	ssyncadd.s32 $0xFFFFD800  }
0x7f: {  	[tilespmem:s17], [sflag:$0x1] =	stream.indirect.gather [spmem:s3], $0x40, s20, s22, $0xb8;
	[tilespmem:$0x1D000] =	vst v63  }
0x80: {  	_ =	swait.ge [sflag:s23], $0x2000  }
0x81: {  	[sflag:s23] =	ssyncset.done $0x0  }
0x82: {  	s1 =	simm.s32 $0x14080;
	[sflag:s23] =	ssyncadd.s32 $0xFFFFE000  }
0x83: {  	[tilespmem:s24], [sflag:$0x2] =	stream.indirect.gather [spmem:s3], $0x40, s1, s22, $0xb8;
	[tilespmem:$0x1D000] =	vst v63  }
0x84: {  	s6 =	simm.s32 $0x16800  }
0x85: {  	[spmem:s2] =	stream.indirect.scatter.add.f32 [tilespmem:s17], [sflag:$0x3], $0x40, s6, s22, $0xb8;
	[tilespmem:$0x1D000] =	vst v63  }
0x86: {  	_ =	swait.ge [sflag:s18], $0x2000  }
0x87: {  	[sflag:s18] =	ssyncset.done $0x0  }
0x88: {  	[sflag:s18] =	ssyncadd.s32 $0xFFFFE000  }
0x89: {  	_ =	swait.ge [sflag:s26], $0x2000  }
0x8a: {  	[sflag:s26] =	ssyncset.done $0x0  }
0x8b: {  	s1 =	simm.s32 $0x14100;
	[sflag:s26] =	ssyncadd.s32 $0xFFFFE000  }
0x8c: {  	[tilespmem:s17], [sflag:$0x1] =	stream.indirect.gather [spmem:s3], $0x40, s1, s22, $0xb8;
	[tilespmem:$0x1D000] =	vst v63  }
0x8d: {  	s6 =	simm.s32 $0x16880  }
0x8e: {  	[spmem:s2] =	stream.indirect.scatter.add.f32 [tilespmem:s24], [sflag:$0x3], $0x40, s6, s22, $0xb8;
	[tilespmem:$0x1D000] =	vst v63  }
0x8f: {  	_ =	swait.ge [sflag:s18], $0x2000  }
0x90: {  	s0 =	simm.s32 $0x400;
	[sflag:s18] =	ssyncset.done $0x0  }
.LBB2_6:
0x91: {  	p0 =	sne.s32 s0, $0x9800  }
0x92: {  	[sflag:s18] =	ssyncadd.s32 $0xFFFFE000;
	s1 =	smov.u32 s0;
	s0 =	sadd.s32 $0x400, s0  }
0x93: {  	_ = 	snop  }
0x94: {  	_ =	swait.ge [sflag:s23], $0x2000  }
0x95: {  	s1 =	sshra.s32 s1, $0x2;
	[sflag:s23] =	ssyncset.done $0x0  }
0x96: {  	s6 =	sadd.s32 $0x14080, s1;
	[sflag:s23] =	ssyncadd.s32 $0xFFFFE000  }
0x97: {  	[tilespmem:s24], [sflag:$0x2] =	stream.indirect.gather [spmem:s3], $0x40, s6, s22, $0xb8;
	[tilespmem:$0x1D000] =	vst v63  }
0x98: {  	s6 =	sadd.s32 $0x16800, s1  }
0x99: {  	[spmem:s2] =	stream.indirect.scatter.add.f32 [tilespmem:s17], [sflag:$0x3], $0x40, s6, s22, $0xb8;
	[tilespmem:$0x1D000] =	vst v63  }
0x9a: {  	_ =	swait.ge [sflag:s18], $0x2000  }
0x9b: {  	[sflag:s18] =	ssyncset.done $0x0  }
0x9c: {  	[sflag:s18] =	ssyncadd.s32 $0xFFFFE000  }
0x9d: {  	_ =	swait.ge [sflag:s26], $0x2000  }
0x9e: {  	[sflag:s26] =	ssyncset.done $0x0  }
0x9f: {  	s6 =	sadd.s32 $0x14100, s1;
	[sflag:s26] =	ssyncadd.s32 $0xFFFFE000  }
0xa0: {  	[tilespmem:s17], [sflag:$0x1] =	stream.indirect.gather [spmem:s3], $0x40, s6, s22, $0xb8;
	[tilespmem:$0x1D000] =	vst v63  }
.Ltmp2:
0xa1: {  	_ = 	snop;
	(pc) =	sbr.rel @p0 .LBB2_6-.Ltmp2, $4  }
0xa2: {  	s1 =	sadd.s32 $0x16880, s1  }
0xa3: {  	[spmem:s2] =	stream.indirect.scatter.add.f32 [tilespmem:s24], [sflag:$0x3], $0x40, s1, s22, $0xb8;
	[tilespmem:$0x1D000] =	vst v63  }
0xa4: {  	_ =	swait.ge [sflag:s18], $0x2000  }
0xa5: {  	[sflag:s18] =	ssyncset.done $0x0  }
0xa6: {  	[sflag:s18] =	ssyncadd.s32 $0xFFFFE000  }
0xa7: {  	_ =	swait.ge [sflag:s23], $0x2000  }
0xa8: {  	[sflag:s23] =	ssyncset.done $0x0  }
0xa9: {  	[sflag:s23] =	ssyncadd.s32 $0xFFFFE000  }
0xaa: {  	[tilespmem:s24], [sflag:$0x2] =	stream.indirect.gather [spmem:s3], $0x40, s28, s22, $0xb8;
	[tilespmem:$0x1D000] =	vst v63  }
0xab: {  	_ = 	snop  }
0xac: {  	[spmem:s2] =	stream.indirect.scatter.add.f32 [tilespmem:s17], [sflag:$0x3], $0x40, s29, s22, $0xb8;
	[tilespmem:$0x1D000] =	vst v63  }
0xad: {  	_ =	swait.ge [sflag:s18], $0x2000  }
0xae: {  	[sflag:s18] =	ssyncset.done $0x0  }
0xaf: {  	[sflag:s18] =	ssyncadd.s32 $0xFFFFE000  }
0xb0: {  	_ =	swait.ge [sflag:s26], $0x2000  }
0xb1: {  	[sflag:s26] =	ssyncset.done $0x0  }
0xb2: {  	[sflag:s26] =	ssyncadd.s32 $0xFFFFE000  }
0xb3: {  	[spmem:s2] =	stream.indirect.scatter.add.f32 [tilespmem:s24], [sflag:$0x3], $0x40, s30, s22, $0xb8;
	[tilespmem:$0x1D000] =	vst v63  }
0xb4: {  	_ =	swait.ge [sflag:s18], $0x2000  }
0xb5: {  	s4 =	sadd.s32 $0x1, s4;
	[sflag:s18] =	ssyncset.done $0x0  }
0xb6: {  	p0 =	sne.s32 s4, s12;
	[sflag:s18] =	ssyncadd.s32 $0xFFFFE000  }
.Ltmp3:
0xb7: {  	[bflag:$0x0] =	sbarrier.arrive $0xFFFF;
	(pc) =	sbr.rel @p0 .LBB2_1-.Ltmp3, $4  }
0xb8: {  	[hbm:s11], [sflag:s31] =	dma.local [spmem:s25], $0x1400  }
0xb9: {  	_ =	swait.ge [sflag:s18], $0x1400  }
0xba: {  	[sflag:s18] =	ssyncset.done $0x0  }
0xbb: {  	[sflag:s18] =	ssyncadd.s32 $0xFFFFEC00  }
0xbc: {  	_ =	sfence.sel $0x180000  }
0xbd: {  	[bflag:$0x0] =	sbarrier.arrive $0xFFFF  }
0xbe: {  	_ =	strace $0x9000004D  }
0xbf: {  	s0 =	stileid.u32;
	[bflag:$0x2] =	sbarrier.arrive $0xFFFF  }
0xc0: {  	p0 =	sne.s32 s0, $0x0;
	s0 =	rddreg [dreg:$0x3]  }
0xc1: {  	s0 =	sadd.s32 @!p0 $0x100000, s0  }
0xc2: {  	[sflag:s0] =	ssyncadd.tile.s32 @!p0 $0x1;
	_ =	shalt  }
.Lfunc_end2:
_tile_overlayer_lowered:
.L_overlay_start_2:
0xc3: {  	(tag) =	ssettag $0x2  }
0xc4: {  	s0 =	rddreg [dreg:$0x0];
	s2 =	stileid.u32  }
0xc5: {  	s1 =	rddreg [dreg:$0x1];
	p0 =	sne.s32 s2, $0x0  }
0xc6: {  	s3 =	rddreg [dreg:$0x2];
	[bflag:$0x3] =	sbarrier.arrive $0xFFFF;
	s2 =	simm.s32 @!p0 $0x1C03  }
0xc7: {  	[timem:s3], [sflag:s2] =	dma.local @!p0 [hbm:s0], s1  }
0xc8: {  	s0 =	simm.s32 @!p0 $0x3  }
0xc9: {  	_ =	swait.ge @!p0 [sflag:s0], s1  }
0xca: {  	s1 =	ssub.s32 @!p0 $0x0, s1;
	[sflag:s0] =	ssyncset.done @!p0 $0x0  }
0xcb: {  	[sflag:s0] =	ssyncadd.s32 @!p0 s1  }
0xcc: {  	[bflag:$0x3] =	sbarrier.arrive $0xFFFF  }
0xcd: {  	_ =	shalt  }

// kernel: kernel.18.cloned.1.call-start
scs
__scs_entry_jumppad:
0x0: {  	(pc) =	sbr.rel $0x88, $3  }
0x1: {  	(tag) =	ssettag $0x0;
	lr =	simm.s32 $0x1  }
0x2: {  	[smem:$0x3F97] =	sst lr;
	_ =	strace $0xD0000000  }
0x3: {  	_ = 	snop  }
0x4: {  	_ = 	snop  }
0x5: {  	_ = 	snop  }
0x6: {  	_ = 	snop  }
0x7: {  	_ = 	snop  }
__scs_overlays_trampoline_lowered:
0x8: {  	[smem:$0x3FA6] =	sst s0  }
0x9: {  	[smem:$0x3FA7] =	sst s1  }
0xa: {  	[smem:$0x3FA8] =	sst s2  }
0xb: {  	[smem:$0x3FA9] =	sst s3  }
0xc: {  	[smem:$0x3FAA] =	sst s4  }
0xd: {  	[smem:$0x3FAB] =	sst s5  }
0xe: {  	[smem:$0x3FAC] =	sst s6  }
0xf: {  	[smem:$0x3FAD] =	sst s7  }
0x10: {  	[smem:$0x3FAE] =	sst s8  }
0x11: {  	[smem:$0x3FAF] =	sst s9;
	s0 =	simm.s32 @!p0 $0x0  }
0x12: {  	s1 =	sld [smem:$0x3F95];
	s0 =	simm.s32 @p0 $0x1  }
0x13: {  	[smem:$0x3FB0] =	sst s0;
	s0 =	simm.s32 @!p1 $0x0  }
0x14: {  	s2 =	sld [smem:$0x3F94];
	s0 =	simm.s32 @p1 $0x1  }
0x15: {  	[smem:$0x3FB1] =	sst s0;
	s0 =	simm.s32 @!p2 $0x0  }
0x16: {  	s3 =	sld [smem:$0x3FDB];
	s0 =	simm.s32 @p2 $0x1  }
0x17: {  	s4 =	simm.s32 $0x1BF5;
	[smem:$0x3FB3] =	sst s0  }
0x18: {  	s0 =	sld [smem:$0x3F96];
	_ =	swait.ge [sflag:s4], $0x0  }
0x19: {  	s7 =	sld [smem:$0x3F97]  }
0x1a: {  	s8 =	sadd.s32 $0xFFFFE003, lr  }
0x1b: {  	s9 =	sadd.s32 $0xFFFFFEF7, lr;
	s5 =	simm.s32 $0xFFFFFFFF;
	p2 =	slt.u32 s8, $0xFFFFF086  }
0x1c: {  	p1 =	slt.u32 s9, $0xF7A;
	s5 =	simm.s32 @!p2 $0x0  }
0x1d: {  	s5 =	simm.s32 @p1 $0x1;
	p0 =	seq.s32 s7, s2  }
0x1e: {  	s7 =	smul.u32 @!p0 $0xF7A, s2;
	p2 =	seq.s32 @!p0 s5, $0x0  }
0x1f: {  	s9 =	smul.u32 $0xF7A, s1;
	s8 =	simm.s32 @!p0 $0x1BF5;
	p2 =	por !p2, p0  }
0x20: {  	[sflag:s8] =	ssyncset.s32 @!p0 $0xFFFFF086;
	s6 =	sadd.s32 @!p0 s3, s7;
	s7 =	simm.s32 @!p0 $0x108  }
0x21: {  	s3 =	sadd.s32 s3, s9;
	s6 =	sadd.s32 @!p0 $0x88, s6;
	s7 =	simm.s32 @p2 $0x1082  }
0x22: {  	[simem:s7], [sflag:s8] =	dma.local @!p0 [hbm:s6], $0xF7A  }
0x23: {  	s9 =	sor.u32 $0xD0000000, s2;
	s6 =	simm.s32 $0x108;
	_ =	swait.ge @!p0 [sflag:s8], $0x0  }
0x24: {  	s3 =	sadd.s32 $0x88, s3;
	s6 =	simm.s32 @!p1 $0x1082;
	[sflag:s4] =	ssyncset.s32 $0xFFFFF086  }
0x25: {  	[simem:s6], [sflag:s4] =	dma.local [hbm:s3], $0xF7A  }
0x26: {  	[smem:$0x3F97] =	sst s1;
	(tag) =	ssettag s2;
	_ =	strace s9  }
0x27: {  	s1 =	sld [smem:$0x3FA7]  }
0x28: {  	s2 =	sld [smem:$0x3FA8]  }
0x29: {  	s4 =	sld [smem:$0x3FAA]  }
0x2a: {  	p0 =	seq.s32 s5, $0x0;
	s5 =	sld [smem:$0x3FAB]  }
0x2b: {  	s6 =	sld [smem:$0x3FAC]  }
0x2c: {  	s7 =	sld [smem:$0x3FAD]  }
0x2d: {  	s3 =	simm.s32 $0x108;
	s8 =	sld [smem:$0x3FAE]  }
0x2e: {  	s3 =	simm.s32 @!p0 $0x1082;
	s9 =	sld [smem:$0x3FAF]  }
0x2f: {  	lr =	sadd.s32 s0, s3;
	s0 =	sld [smem:$0x3FA6]  }
0x30: {  	s3 =	sld [smem:$0x3FA9]  }
0x31: {  	[smem:$0x3FB2] =	sst s10  }
0x32: {  	s10 =	sld [smem:$0x3FB0];
	_ =	sdelay $0x3  }
0x33: {  	p0 =	seq.s32 s10, $0x1;
	s10 =	sld [smem:$0x3FB2];
	_ =	sdelay $0x3  }
0x34: {  	[smem:$0x3FB2] =	sst s10  }
0x35: {  	s10 =	sld [smem:$0x3FB1];
	_ =	sdelay $0x3  }
0x36: {  	p1 =	seq.s32 s10, $0x1;
	s10 =	sld [smem:$0x3FB2];
	_ =	sdelay $0x3  }
0x37: {  	[smem:$0x3FB2] =	sst s10  }
0x38: {  	s10 =	sld [smem:$0x3FB3]  }
0x39: {  	_ = 	snop;
	(pc) =	sbr.ind lr, $3  }
0x3a: {  	_ = 	snop  }
0x3b: {  	_ = 	snop  }
0x3c: {  	p2 =	seq.s32 s10, $0x1;
	s10 =	sld [smem:$0x3FB2]  }
0x3d: {  	_ =	shalt  }
0x3e: {  	_ =	shalt  }
0x3f: {  	_ =	shalt  }
0x40: {  	_ =	shalt  }
0x41: {  	_ =	shalt  }
0x42: {  	_ =	shalt  }
0x43: {  	_ =	shalt  }
0x44: {  	_ =	shalt  }
0x45: {  	_ =	shalt  }
0x46: {  	_ =	shalt  }
0x47: {  	_ =	shalt  }
0x48: {  	_ =	shalt  }
0x49: {  	_ =	shalt  }
0x4a: {  	_ =	shalt  }
0x4b: {  	_ =	shalt  }
0x4c: {  	_ =	shalt  }
0x4d: {  	_ =	shalt  }
0x4e: {  	_ =	shalt  }
0x4f: {  	_ =	shalt  }
0x50: {  	_ =	shalt  }
0x51: {  	_ =	shalt  }
0x52: {  	_ =	shalt  }
0x53: {  	_ =	shalt  }
0x54: {  	_ =	shalt  }
0x55: {  	_ =	shalt  }
0x56: {  	_ =	shalt  }
0x57: {  	_ =	shalt  }
0x58: {  	_ =	shalt  }
0x59: {  	_ =	shalt  }
0x5a: {  	_ =	shalt  }
0x5b: {  	_ =	shalt  }
0x5c: {  	_ =	shalt  }
0x5d: {  	_ =	shalt  }
0x5e: {  	_ =	shalt  }
0x5f: {  	_ =	shalt  }
0x60: {  	_ =	shalt  }
0x61: {  	_ =	shalt  }
0x62: {  	_ =	shalt  }
0x63: {  	_ =	shalt  }
0x64: {  	_ =	shalt  }
0x65: {  	_ =	shalt  }
0x66: {  	_ =	shalt  }
0x67: {  	_ =	shalt  }
0x68: {  	_ =	shalt  }
0x69: {  	_ =	shalt  }
0x6a: {  	_ =	shalt  }
0x6b: {  	_ =	shalt  }
0x6c: {  	_ =	shalt  }
0x6d: {  	_ =	shalt  }
0x6e: {  	_ =	shalt  }
0x6f: {  	_ =	shalt  }
0x70: {  	_ =	shalt  }
0x71: {  	_ =	shalt  }
0x72: {  	_ =	shalt  }
0x73: {  	_ =	shalt  }
0x74: {  	_ =	shalt  }
0x75: {  	_ =	shalt  }
0x76: {  	_ =	shalt  }
0x77: {  	_ =	shalt  }
0x78: {  	_ =	shalt  }
0x79: {  	_ =	shalt  }
0x7a: {  	_ =	shalt  }
0x7b: {  	_ =	shalt  }
0x7c: {  	_ =	shalt  }
0x7d: {  	_ =	shalt  }
0x7e: {  	_ =	shalt  }
0x7f: {  	_ =	shalt  }
0x80: {  	_ =	shalt  }
0x81: {  	_ =	shalt  }
0x82: {  	_ =	shalt  }
0x83: {  	_ =	shalt  }
0x84: {  	_ =	shalt  }
0x85: {  	_ =	shalt  }
0x86: {  	_ =	shalt  }
0x87: {  	_ =	shalt  }
.Lfunc_end0:
.L_simem_size_0:
called_computation.3_lowered:
.L_overlay_start_0:
0x88: {  	s2 =	sld [smem:$0x3FD9]  }
0x89: {  	s3 =	sld [smem:$0x3FFE];
	_ =	sdelay $0x1  }
0x8a: {  	s1 =	srdreg.scid  }
0x8b: {  	s0 =	sand.u32 $0x1, s1  }
0x8c: {  	s17 =	sshll.u32 s0, $0xA;
	s2 =	sadd.s32 s3, s2  }
0x8d: {  	s2 =	sadd.s32 s2, s17  }
0x8e: {  	[smem:$0x3FBE] =	sst s2  }
0x8f: {  	_ = 	snop  }
0x90: {  	s2 =	sld [smem:$0x3FD0];
	(tm) =	ssettm $0x1  }
0x91: {  	s18 =	sld [smem:$0x3FFB];
	_ =	sdelay $0x3  }
0x92: {  	_ =	strace s18  }
0x93: {  	s3 =	sld [smem:$0x3FFC];
	_ =	sdelay $0x3  }
0x94: {  	_ =	strace s3  }
0x95: {  	s3 =	sld [smem:$0x3FFD];
	_ =	sdelay $0x3  }
0x96: {  	_ =	strace s3  }
0x97: {  	_ =	strace $0x8FFFFFFF  }
0x98: {  	s19 =	sld [smem:$0x3FDB];
	_ =	sdelay $0x1  }
0x99: {  	s4 =	simm.s32 $_scs_section_size  }
0x9a: {  	s5 =	simm.s32 $_size__tile_overlayer_lowered;
	s6 =	simm.s32 $_tile_overlayer_lowered  }
0x9b: {  	s22 =	simm.s32 $0x1BFF;
	s21 =	sshll.u32 s6, $0x1;
	s3 =	sadd.s32 s4, s19  }
0x9c: {  	s7 =	simm.s32 $0x0;
	s20 =	sshll.u32 s5, $0x1;
	s5 =	sadd.s32 s21, s3  }
0x9d: {  	[timem:s7], [sflag:s22] =	dma.local [hbm:s5], s20  }
0x9e: {  	_ =	swait.ge [sflag:s22], s20  }
0x9f: {  	s4 =	ssub.s32 $0x0, s20;
	[sflag:s22] =	ssyncset.done $0x0  }
0xa0: {  	[sflag:s22] =	ssyncadd.s32 s4;
	_ =	sdelay $0x1  }
0xa1: {  	s23 =	simm.s32 $0x1B8B  }
0xa2: {  	_ =	swait.ge [sflag:s23], $0x1  }
0xa3: {  	[sflag:s23] =	ssyncset.done $0x0  }
0xa4: {  	s25 =	simm.s32 $0x1B8E;
	s24 =	sld [smem:$0x3FFE];
	[sflag:s23] =	ssyncadd.s32 $0xFFFFFFFF  }
0xa5: {  	s26 =	simm.s32 $execute0_lowered;
	[smem:$0x3FD2] =	sst s25  }
0xa6: {  	s5 =	sshll.u32 s26, $0x1;
	_ =	strace $0x8000004F;
	[dreg:$0x1] =	wrdreg $0xFFFFFFFF  }
0xa7: {  	s28 =	simm.s32 $_size_execute0_lowered;
	s3 =	sadd.s32 s3, s5;
	[dreg:$0x0] =	wrdreg $0x0  }
0xa8: {  	s5 =	sshll.u32 s28, $0x1;
	[dreg:$0x2] =	wrdreg s3  }
0xa9: {  	[dreg:$0x3] =	wrdreg s5  }
0xaa: {  	[dreg:$0x4] =	wrdreg $0xC0  }
0xab: {  	_ =	task [dreg:s7], $0x5FFFF  }
0xac: {  	[dreg:$0x1] =	wrdreg $0xFFFFFFFF  }
0xad: {  	[dreg:$0x0] =	wrdreg $0x60  }
0xae: {  	[dreg:$0x2] =	wrdreg s24  }
0xaf: {  	[dreg:$0x3] =	wrdreg s2  }
0xb0: {  	[dreg:$0x4] =	wrdreg $0x9  }
0xb1: {  	_ =	task.clear_ibuf [dreg:s7], $0x5FFFF;
	_ =	strace $0x9000004F  }
0xb2: {  	s29 =	simm.s32 $0x9;
	_ =	strace $0x80000051  }
0xb3: {  	_ =	swait.ge [sflag:s29], $0x1  }
0xb4: {  	[sflag:s29] =	ssyncadd.s32 $0xFFFFFFFF  }
0xb5: {  	_ =	strace $0x90000051  }
0xb6: {  	_ =	sfence  }
0xb7: {  	s30 =	sld [smem:$0x0];
	_ =	sdelay $0x2  }
0xb8: {  	s31 =	sshll.u32 s1, $0xD;
	s1 =	sshrl.u32 s1, $0x2  }
0xb9: {  	s3 =	sand.u32 $0x4000, s31;
	s1 =	sadd.s32 s1, s30  }
0xba: {  	s0 =	sor.u32 s3, s0;
	s1 =	sshll.u32 s1, $0x11  }
0xbb: {  	s0 =	sor.u32 s1, s0  }
0xbc: {  	s0 =	sadd.s32 $0x8F2B, s0  }
0xbd: {  	[sflag:s0] =	ssyncadd.remote.s32 $0x1  }
0xbe: {  	_ =	sfence.sel $0xFFFF  }
0xbf: {  	[dreg:$0x0] =	wrdreg $0xFFFFFFFF;
	(pc) =	sbr.abs _section_cstart, $3  }
0xc0: {  	[dreg:$0x1] =	wrdreg $0xFFFFFFFF  }
0xc1: {  	_ =	task.clear_ibuf [dreg:s7], $0x2FFFF;
	_ =	strace $0x9FFFFFFF  }
0xc2: {  	(tm) =	ssettm $0x7FFFFFFF  }
0xc3: {  	_ =	shalt  }
tec
execute0_lowered:
.L_overlay_start_1:
0x0: {  	(tag) =	ssettag $0x1  }
0x1: {  	s6 =	rddreg [dreg:$0x0]  }
0x2: {  	s7 =	rddreg [dreg:$0x1]  }
0x3: {  	s0 =	rddreg [dreg:$0x2]  }
0x4: {  	s1 =	simm.s32 $0x0;
	s5 =	srdreg.scid;
	s2 =	stileid.u32  }
0x5: {  	s12 =	simm.s32 $0x80;
	s13 =	simm.s32 $0x400;
	s14 =	simm.s32 $0x5000  }
0x6: {  	s15 =	simm.s32 $0x5200;
	s16 =	simm.s32 $0x5600;
	s17 =	simm.s32 $0x5400  }
0x7: {  	s18 =	simm.s32 $0x0;
	[smem:$0x7FF] =	sst s1;
	s3 =	sadd.s32 $0x2800, s6  }
0x8: {  	s4 =	sadd.s32 $0x2E00, s6;
	s5 =	sand.u32 $0x1, s5;
	s8 =	sshll.u32 s2, $0x6  }
0x9: {  	s10 =	sshll.u32 s2, $0x4;
	_ =	strace $0x80000050;
	s9 =	sshll.u32 s5, $0xA  }
0xa: {  	s8 =	sand.u32 $0x200, s8;
	s29 =	sand.u32 $0x70, s10;
	s30 =	ssub.s32 $0x2, s5  }
0xb: {  	s5 =	sadd.s32 $0x3400, s6;
	s8 =	sor.u32 s9, s8;
	s31 =	sshrl.u32 s30, $0x1  }
0xc: {  	s10 =	simm.s32 $0x1;
	s8 =	sor.u32 s29, s8;
	s9 =	ssub.s32 s30, s31  }
0xd: {  	s11 =	sadd.s32 s8, s6;
	s6 =	sadd.s32 s7, s8;
	s9 =	smax.u32 s9, $0x1  }
0xe: {  	s7 =	sadd.s32 $0xC800, s11;
	s8 =	sadd.s32 $0x3600, s11;
	s11 =	simm.s32 $0x2800  }
.LBB2_1:
0xf: {  	[tilespmem:s1], [sflag:$0x1] =	stream.linear.gather [hbm4b:s3+s1], $0x2800, $0x38;
	[tilespmem:$0x5680] =	vst v63  }
0x10: {  	_ =	swait.ge [sflag:s10], $0x2800  }
0x11: {  	[sflag:s10] =	ssyncset.done $0x0  }
0x12: {  	[sflag:s10] =	ssyncadd.s32 $0xFFFFD800  }
0x13: {  	[tilespmem:s11], [sflag:$0x1] =	stream.linear.gather [hbm4b:s4+s1], $0x2800, $0x38;
	[tilespmem:$0x5680] =	vst v63  }
0x14: {  	_ =	swait.ge [sflag:s10], $0x2800  }
0x15: {  	[sflag:s10] =	ssyncset.done $0x0  }
0x16: {  	[sflag:s10] =	ssyncadd.s32 $0xFFFFD800  }
0x17: {  	[tilespmem:s14], [sflag:$0x1] =	stream.strided.gather [hbm4b:s6+s12], $0x200, s13, s12, $0x38;
	[tilespmem:$0x5680] =	vst v63  }
0x18: {  	_ =	swait.ge [sflag:s10], $0x200  }
0x19: {  	[sflag:s10] =	ssyncset.done $0x0  }
0x1a: {  	[sflag:s10] =	ssyncadd.s32 $0xFFFFFE00  }
0x1b: {  	[tilespmem:s15], [sflag:$0x1] =	stream.strided.gather [hbm4b:s7+s12], $0x200, s13, s12, $0x38;
	[tilespmem:$0x5680] =	vst v63  }
0x1c: {  	_ =	swait.ge [sflag:s10], $0x200  }
0x1d: {  	[sflag:s10] =	ssyncset.done $0x0  }
0x1e: {  	[sflag:s10] =	ssyncadd.s32 $0xFFFFFE00  }
0x1f: {  	[tilespmem:s16], [sflag:$0x1] =	stream.linear.gather [hbm4b:s5+s1], $0x80, $0x38;
	[tilespmem:$0x5680] =	vst v63  }
0x20: {  	_ =	swait.ge [sflag:s10], $0x80  }
0x21: {  	[sflag:s10] =	ssyncset.done $0x0  }
0x22: {  	s19 =	simm.s32 $0x0;
	[sflag:s10] =	ssyncadd.s32 $0xFFFFFF80  }
0x23: {  	v0 =	vld [tilespmem:s19+$0x5200]  }
0x24: {  	v1 =	vld [tilespmem:s19+$0x5000];
	_ =	sdelay $0x6  }
0x25: {  	v2 =	vld.idx.msk [tilespmem:v0+s11+$0x0], $0xffff  }
0x26: {  	v1 =	vld.idx.msk [tilespmem:v1+s1+$0x0], $0xffff;
	_ =	sdelay $0x1  }
0x27: {  	v0 =	vld [tilespmem:$0x5600];
	_ =	sdelay $0x2  }
0x28: {  	v1 =	vadd.f32 v2, v1;
	_ =	sdelay $0x1  }
0x29: {  	v1 =	vadd.f32 v1, v0;
	_ =	sdelay $0x1  }
0x2a: {  	v1 =	vsub.f32 $0.0e+00, v1;
	_ =	sdelay $0x1  }
0x2b: {  	v1 =	vmul.f32 $1.442695020e+00, v1;
	_ =	sdelay $0x1  }
0x2c: {  	(erf) = vpow2.f32 v1;
	_ =	sdelay $0x8  }
0x2d: {  	v1 =	vpop (erf)  }
0x2e: {  	v1 =	vadd.f32 $1.000000000e+00, v1;
	_ =	sdelay $0x1  }
0x2f: {  	(erf) = vrcp.f32 v1;
	_ =	sdelay $0x1  }
0x30: {  	s21 =	simm.s32 $0x10  }
0x31: {  	s20 =	simm.s32 $0x80;
	v1 =	vld [tilespmem:s21+$0x5200]  }
.LBB2_2:
0x32: {  	p0 =	sne.s32 s20, $0x7C0;
	v2 =	vld [tilespmem:s21+$0x5000];
	_ =	sdelay $0x4  }
0x33: {  	v3 =	vpop (erf)  }
0x34: {  	[tilespmem:s19+$0x5400] =	vst v3;
	s19 =	smov.u32 s21  }
0x35: {  	v1 =	vld.idx.msk [tilespmem:v1+s11+$0x0], $0xffff  }
0x36: {  	v2 =	vld.idx.msk [tilespmem:v2+s1+$0x0], $0xffff;
	_ =	sdelay $0x5  }
0x37: {  	v1 =	vadd.f32 v1, v2;
	_ =	sdelay $0x1  }
0x38: {  	v1 =	vadd.f32 v1, v0;
	_ =	sdelay $0x1  }
0x39: {  	v1 =	vsub.f32 $0.0e+00, v1;
	_ =	sdelay $0x1  }
0x3a: {  	v1 =	vmul.f32 $1.442695020e+00, v1;
	_ =	sdelay $0x1  }
0x3b: {  	(erf) = vpow2.f32 v1;
	_ =	sdelay $0x8  }
0x3c: {  	v1 =	vpop (erf)  }
0x3d: {  	v1 =	vadd.f32 $1.000000000e+00, v1  }
.Ltmp0:
0x3e: {  	(pc) =	sbr.rel @p0 .LBB2_2-.Ltmp0, $3  }
0x3f: {  	(erf) = vrcp.f32 v1;
	_ =	sdelay $0x1  }
0x40: {  	s21 =	sshra.s32 s20, $0x2  }
0x41: {  	s20 =	sadd.s32 $0x40, s20;
	v1 =	vld [tilespmem:s21+$0x5200]  }
0x42: {  	_ = 	snop  }
0x43: {  	v2 =	vld [tilespmem:s21+$0x5000];
	_ =	sdelay $0x4  }
0x44: {  	v3 =	vpop (erf)  }
0x45: {  	[tilespmem:s19+$0x5400] =	vst v3  }
0x46: {  	v1 =	vld.idx.msk [tilespmem:v1+s11+$0x0], $0xffff  }
0x47: {  	v2 =	vld.idx.msk [tilespmem:v2+s1+$0x0], $0xffff;
	_ =	sdelay $0x4  }
0x48: {  	v1 =	vadd.f32 v1, v2;
	_ =	sdelay $0x1  }
0x49: {  	v0 =	vadd.f32 v1, v0;
	_ =	sdelay $0x1  }
0x4a: {  	v0 =	vsub.f32 $0.0e+00, v0;
	_ =	sdelay $0x1  }
0x4b: {  	v0 =	vmul.f32 $1.442695020e+00, v0;
	_ =	sdelay $0x1  }
0x4c: {  	(erf) = vpow2.f32 v0;
	_ =	sdelay $0x8  }
0x4d: {  	v0 =	vpop (erf)  }
0x4e: {  	v0 =	vadd.f32 $1.000000000e+00, v0;
	_ =	sdelay $0x1  }
0x4f: {  	(erf) = vrcp.f32 v0;
	_ =	sdelay $0x7  }
0x50: {  	s18 =	sadd.s32 $0x1, s18  }
0x51: {  	p0 =	sne.s32 s18, s9;
	v0 =	vpop (erf)  }
.Ltmp1:
0x52: {  	[tilespmem:s21+$0x5400] =	vst v0;
	(pc) =	sbr.rel @p0 .LBB2_1-.Ltmp1, $4  }
0x53: {  	[hbm4b:s8+s12] =	stream.strided.scatter [tilespmem:s17], [sflag:$0x1], $0x200, s13, s12, $0x38;
	[tilespmem:$0x5680] =	vst v63  }
0x54: {  	_ =	swait.ge [sflag:s10], $0x200  }
0x55: {  	[sflag:s10] =	ssyncset.done $0x0  }
0x56: {  	[sflag:s10] =	ssyncadd.s32 $0xFFFFFE00  }
0x57: {  	_ =	sfence.sel $0x180000  }
0x58: {  	[bflag:$0x0] =	sbarrier.arrive $0xFFFF  }
0x59: {  	p0 =	sne.s32 s2, $0x0;
	_ =	strace $0x90000050  }
0x5a: {  	s0 =	sadd.s32 @!p0 $0x100000, s0;
	[bflag:$0x2] =	sbarrier.arrive $0xFFFF  }
0x5b: {  	[sflag:s0] =	ssyncadd.tile.s32 @!p0 $0x1;
	_ =	shalt  }
.Lfunc_end2:
_tile_overlayer_lowered:
.L_overlay_start_2:
0x5c: {  	(tag) =	ssettag $0x2  }
0x5d: {  	s0 =	rddreg [dreg:$0x0];
	s2 =	stileid.u32  }
0x5e: {  	s1 =	rddreg [dreg:$0x1];
	p0 =	sne.s32 s2, $0x0  }
0x5f: {  	s3 =	rddreg [dreg:$0x2];
	[bflag:$0x3] =	sbarrier.arrive $0xFFFF;
	s2 =	simm.s32 @!p0 $0x1C01  }
0x60: {  	[timem:s3], [sflag:s2] =	dma.local @!p0 [hbm:s0], s1  }
0x61: {  	s0 =	simm.s32 @!p0 $0x1  }
0x62: {  	_ =	swait.ge @!p0 [sflag:s0], s1  }
0x63: {  	s1 =	ssub.s32 @!p0 $0x0, s1;
	[sflag:s0] =	ssyncset.done @!p0 $0x0  }
0x64: {  	[sflag:s0] =	ssyncadd.s32 @!p0 s1  }
0x65: {  	[bflag:$0x3] =	sbarrier.arrive $0xFFFF  }
0x66: {  	_ =	shalt  }

// kernel: kernel.9.cloned.1.call-start
scs
__scs_entry_jumppad:
0x0: {  	(pc) =	sbr.rel $0x88, $3  }
0x1: {  	(tag) =	ssettag $0x0;
	lr =	simm.s32 $0x1  }
0x2: {  	[smem:$0x3F97] =	sst lr;
	_ =	strace $0xD0000000  }
0x3: {  	_ = 	snop  }
0x4: {  	_ = 	snop  }
0x5: {  	_ = 	snop  }
0x6: {  	_ = 	snop  }
0x7: {  	_ = 	snop  }
__scs_overlays_trampoline_lowered:
0x8: {  	[smem:$0x3FA6] =	sst s0  }
0x9: {  	[smem:$0x3FA7] =	sst s1  }
0xa: {  	[smem:$0x3FA8] =	sst s2  }
0xb: {  	[smem:$0x3FA9] =	sst s3  }
0xc: {  	[smem:$0x3FAA] =	sst s4  }
0xd: {  	[smem:$0x3FAB] =	sst s5  }
0xe: {  	[smem:$0x3FAC] =	sst s6  }
0xf: {  	[smem:$0x3FAD] =	sst s7  }
0x10: {  	[smem:$0x3FAE] =	sst s8  }
0x11: {  	[smem:$0x3FAF] =	sst s9;
	s0 =	simm.s32 @!p0 $0x0  }
0x12: {  	s1 =	sld [smem:$0x3F95];
	s0 =	simm.s32 @p0 $0x1  }
0x13: {  	[smem:$0x3FB0] =	sst s0;
	s0 =	simm.s32 @!p1 $0x0  }
0x14: {  	s2 =	sld [smem:$0x3F94];
	s0 =	simm.s32 @p1 $0x1  }
0x15: {  	[smem:$0x3FB1] =	sst s0;
	s0 =	simm.s32 @!p2 $0x0  }
0x16: {  	s3 =	sld [smem:$0x3FDB];
	s0 =	simm.s32 @p2 $0x1  }
0x17: {  	s4 =	simm.s32 $0x1BF5;
	[smem:$0x3FB3] =	sst s0  }
0x18: {  	s0 =	sld [smem:$0x3F96];
	_ =	swait.ge [sflag:s4], $0x0  }
0x19: {  	s7 =	sld [smem:$0x3F97]  }
0x1a: {  	s8 =	sadd.s32 $0xFFFFE003, lr  }
0x1b: {  	s9 =	sadd.s32 $0xFFFFFEF7, lr;
	s5 =	simm.s32 $0xFFFFFFFF;
	p2 =	slt.u32 s8, $0xFFFFF086  }
0x1c: {  	p1 =	slt.u32 s9, $0xF7A;
	s5 =	simm.s32 @!p2 $0x0  }
0x1d: {  	s5 =	simm.s32 @p1 $0x1;
	p0 =	seq.s32 s7, s2  }
0x1e: {  	s7 =	smul.u32 @!p0 $0xF7A, s2;
	p2 =	seq.s32 @!p0 s5, $0x0  }
0x1f: {  	s9 =	smul.u32 $0xF7A, s1;
	s8 =	simm.s32 @!p0 $0x1BF5;
	p2 =	por !p2, p0  }
0x20: {  	[sflag:s8] =	ssyncset.s32 @!p0 $0xFFFFF086;
	s6 =	sadd.s32 @!p0 s3, s7;
	s7 =	simm.s32 @!p0 $0x108  }
0x21: {  	s3 =	sadd.s32 s3, s9;
	s6 =	sadd.s32 @!p0 $0x88, s6;
	s7 =	simm.s32 @p2 $0x1082  }
0x22: {  	[simem:s7], [sflag:s8] =	dma.local @!p0 [hbm:s6], $0xF7A  }
0x23: {  	s9 =	sor.u32 $0xD0000000, s2;
	s6 =	simm.s32 $0x108;
	_ =	swait.ge @!p0 [sflag:s8], $0x0  }
0x24: {  	s3 =	sadd.s32 $0x88, s3;
	s6 =	simm.s32 @!p1 $0x1082;
	[sflag:s4] =	ssyncset.s32 $0xFFFFF086  }
0x25: {  	[simem:s6], [sflag:s4] =	dma.local [hbm:s3], $0xF7A  }
0x26: {  	[smem:$0x3F97] =	sst s1;
	(tag) =	ssettag s2;
	_ =	strace s9  }
0x27: {  	s1 =	sld [smem:$0x3FA7]  }
0x28: {  	s2 =	sld [smem:$0x3FA8]  }
0x29: {  	s4 =	sld [smem:$0x3FAA]  }
0x2a: {  	p0 =	seq.s32 s5, $0x0;
	s5 =	sld [smem:$0x3FAB]  }
0x2b: {  	s6 =	sld [smem:$0x3FAC]  }
0x2c: {  	s7 =	sld [smem:$0x3FAD]  }
0x2d: {  	s3 =	simm.s32 $0x108;
	s8 =	sld [smem:$0x3FAE]  }
0x2e: {  	s3 =	simm.s32 @!p0 $0x1082;
	s9 =	sld [smem:$0x3FAF]  }
0x2f: {  	lr =	sadd.s32 s0, s3;
	s0 =	sld [smem:$0x3FA6]  }
0x30: {  	s3 =	sld [smem:$0x3FA9]  }
0x31: {  	[smem:$0x3FB2] =	sst s10  }
0x32: {  	s10 =	sld [smem:$0x3FB0];
	_ =	sdelay $0x3  }
0x33: {  	p0 =	seq.s32 s10, $0x1;
	s10 =	sld [smem:$0x3FB2];
	_ =	sdelay $0x3  }
0x34: {  	[smem:$0x3FB2] =	sst s10  }
0x35: {  	s10 =	sld [smem:$0x3FB1];
	_ =	sdelay $0x3  }
0x36: {  	p1 =	seq.s32 s10, $0x1;
	s10 =	sld [smem:$0x3FB2];
	_ =	sdelay $0x3  }
0x37: {  	[smem:$0x3FB2] =	sst s10  }
0x38: {  	s10 =	sld [smem:$0x3FB3]  }
0x39: {  	_ = 	snop;
	(pc) =	sbr.ind lr, $3  }
0x3a: {  	_ = 	snop  }
0x3b: {  	_ = 	snop  }
0x3c: {  	p2 =	seq.s32 s10, $0x1;
	s10 =	sld [smem:$0x3FB2]  }
0x3d: {  	_ =	shalt  }
0x3e: {  	_ =	shalt  }
0x3f: {  	_ =	shalt  }
0x40: {  	_ =	shalt  }
0x41: {  	_ =	shalt  }
0x42: {  	_ =	shalt  }
0x43: {  	_ =	shalt  }
0x44: {  	_ =	shalt  }
0x45: {  	_ =	shalt  }
0x46: {  	_ =	shalt  }
0x47: {  	_ =	shalt  }
0x48: {  	_ =	shalt  }
0x49: {  	_ =	shalt  }
0x4a: {  	_ =	shalt  }
0x4b: {  	_ =	shalt  }
0x4c: {  	_ =	shalt  }
0x4d: {  	_ =	shalt  }
0x4e: {  	_ =	shalt  }
0x4f: {  	_ =	shalt  }
0x50: {  	_ =	shalt  }
0x51: {  	_ =	shalt  }
0x52: {  	_ =	shalt  }
0x53: {  	_ =	shalt  }
0x54: {  	_ =	shalt  }
0x55: {  	_ =	shalt  }
0x56: {  	_ =	shalt  }
0x57: {  	_ =	shalt  }
0x58: {  	_ =	shalt  }
0x59: {  	_ =	shalt  }
0x5a: {  	_ =	shalt  }
0x5b: {  	_ =	shalt  }
0x5c: {  	_ =	shalt  }
0x5d: {  	_ =	shalt  }
0x5e: {  	_ =	shalt  }
0x5f: {  	_ =	shalt  }
0x60: {  	_ =	shalt  }
0x61: {  	_ =	shalt  }
0x62: {  	_ =	shalt  }
0x63: {  	_ =	shalt  }
0x64: {  	_ =	shalt  }
0x65: {  	_ =	shalt  }
0x66: {  	_ =	shalt  }
0x67: {  	_ =	shalt  }
0x68: {  	_ =	shalt  }
0x69: {  	_ =	shalt  }
0x6a: {  	_ =	shalt  }
0x6b: {  	_ =	shalt  }
0x6c: {  	_ =	shalt  }
0x6d: {  	_ =	shalt  }
0x6e: {  	_ =	shalt  }
0x6f: {  	_ =	shalt  }
0x70: {  	_ =	shalt  }
0x71: {  	_ =	shalt  }
0x72: {  	_ =	shalt  }
0x73: {  	_ =	shalt  }
0x74: {  	_ =	shalt  }
0x75: {  	_ =	shalt  }
0x76: {  	_ =	shalt  }
0x77: {  	_ =	shalt  }
0x78: {  	_ =	shalt  }
0x79: {  	_ =	shalt  }
0x7a: {  	_ =	shalt  }
0x7b: {  	_ =	shalt  }
0x7c: {  	_ =	shalt  }
0x7d: {  	_ =	shalt  }
0x7e: {  	_ =	shalt  }
0x7f: {  	_ =	shalt  }
0x80: {  	_ =	shalt  }
0x81: {  	_ =	shalt  }
0x82: {  	_ =	shalt  }
0x83: {  	_ =	shalt  }
0x84: {  	_ =	shalt  }
0x85: {  	_ =	shalt  }
0x86: {  	_ =	shalt  }
0x87: {  	_ =	shalt  }
.Lfunc_end0:
.L_simem_size_0:
called_computation_lowered:
.L_overlay_start_0:
0x88: {  	s2 =	sld [smem:$0x3FD9]  }
0x89: {  	s3 =	sld [smem:$0x3FFE];
	_ =	sdelay $0x1  }
0x8a: {  	s1 =	srdreg.scid  }
0x8b: {  	s0 =	sand.u32 $0x1, s1  }
0x8c: {  	s16 =	sshll.u32 s0, $0xA;
	s2 =	sadd.s32 s3, s2  }
0x8d: {  	s2 =	sadd.s32 s2, s16  }
0x8e: {  	[smem:$0x3FBE] =	sst s2  }
0x8f: {  	_ = 	snop  }
0x90: {  	(tm) =	ssettm $0x1  }
0x91: {  	s17 =	sld [smem:$0x3FFB];
	_ =	sdelay $0x3  }
0x92: {  	_ =	strace s17  }
0x93: {  	s2 =	sld [smem:$0x3FFC];
	_ =	sdelay $0x3  }
0x94: {  	_ =	strace s2  }
0x95: {  	s2 =	sld [smem:$0x3FFD];
	_ =	sdelay $0x3  }
0x96: {  	_ =	strace s2  }
0x97: {  	_ =	strace $0x8FFFFFFF  }
0x98: {  	s18 =	sld [smem:$0x3FDB];
	_ =	sdelay $0x1  }
0x99: {  	s19 =	simm.s32 $_scs_section_size  }
0x9a: {  	s4 =	simm.s32 $_size__tile_overlayer_lowered;
	s5 =	simm.s32 $_tile_overlayer_lowered  }
0x9b: {  	s22 =	simm.s32 $0x1BFF;
	s21 =	sshll.u32 s5, $0x1;
	s2 =	sadd.s32 s19, s18  }
0x9c: {  	s6 =	simm.s32 $0x0;
	s20 =	sshll.u32 s4, $0x1;
	s4 =	sadd.s32 s21, s2  }
0x9d: {  	[timem:s6], [sflag:s22] =	dma.local [hbm:s4], s20  }
0x9e: {  	_ =	swait.ge [sflag:s22], s20  }
0x9f: {  	s3 =	ssub.s32 $0x0, s20;
	[sflag:s22] =	ssyncset.done $0x0  }
0xa0: {  	[sflag:s22] =	ssyncadd.s32 s3;
	_ =	sdelay $0x1  }
0xa1: {  	s23 =	simm.s32 $0x1B8B  }
0xa2: {  	_ =	swait.ge [sflag:s23], $0x1  }
0xa3: {  	[sflag:s23] =	ssyncset.done $0x0  }
0xa4: {  	s25 =	simm.s32 $0x1B8E;
	s24 =	sld [smem:$0x3FFE];
	[sflag:s23] =	ssyncadd.s32 $0xFFFFFFFF  }
0xa5: {  	s26 =	simm.s32 $execute0_lowered;
	[smem:$0x3FD2] =	sst s25  }
0xa6: {  	s4 =	sshll.u32 s26, $0x1;
	_ =	strace $0x80000046;
	[dreg:$0x1] =	wrdreg $0xFFFFFFFF  }
0xa7: {  	s28 =	simm.s32 $_size_execute0_lowered;
	s2 =	sadd.s32 s2, s4;
	[dreg:$0x0] =	wrdreg $0x0  }
0xa8: {  	s4 =	sshll.u32 s28, $0x1;
	[dreg:$0x2] =	wrdreg s2  }
0xa9: {  	[dreg:$0x3] =	wrdreg s4  }
0xaa: {  	[dreg:$0x4] =	wrdreg $0xC0  }
0xab: {  	_ =	task [dreg:s6], $0x5FFFF  }
0xac: {  	[dreg:$0x1] =	wrdreg $0xFFFFFFFF  }
0xad: {  	[dreg:$0x0] =	wrdreg $0x60  }
0xae: {  	[dreg:$0x2] =	wrdreg s24  }
0xaf: {  	[dreg:$0x3] =	wrdreg $0x0  }
0xb0: {  	[dreg:$0x4] =	wrdreg $0x9  }
0xb1: {  	_ =	task.clear_ibuf [dreg:s6], $0x5FFFF;
	_ =	strace $0x90000046  }
0xb2: {  	s29 =	simm.s32 $0x9;
	_ =	strace $0x80000048  }
0xb3: {  	_ =	swait.ge [sflag:s29], $0x1  }
0xb4: {  	[sflag:s29] =	ssyncadd.s32 $0xFFFFFFFF  }
0xb5: {  	_ =	strace $0x90000048  }
0xb6: {  	_ =	sfence  }
0xb7: {  	s30 =	sld [smem:$0x0];
	_ =	sdelay $0x2  }
0xb8: {  	s31 =	sshll.u32 s1, $0xD;
	s1 =	sshrl.u32 s1, $0x2  }
0xb9: {  	s3 =	sand.u32 $0x4000, s31;
	s1 =	sadd.s32 s1, s30  }
0xba: {  	s0 =	sor.u32 s3, s0;
	s1 =	sshll.u32 s1, $0x11  }
0xbb: {  	s0 =	sor.u32 s1, s0  }
0xbc: {  	s0 =	sadd.s32 $0x8F2B, s0  }
0xbd: {  	[sflag:s0] =	ssyncadd.remote.s32 $0x1  }
0xbe: {  	_ =	sfence.sel $0xFFFF  }
0xbf: {  	[dreg:$0x0] =	wrdreg $0xFFFFFFFF;
	(pc) =	sbr.abs _section_cstart, $3  }
0xc0: {  	[dreg:$0x1] =	wrdreg $0xFFFFFFFF  }
0xc1: {  	_ =	task.clear_ibuf [dreg:s6], $0x2FFFF;
	_ =	strace $0x9FFFFFFF  }
0xc2: {  	(tm) =	ssettm $0x7FFFFFFF  }
0xc3: {  	_ =	shalt  }
tec
execute0_lowered:
.L_overlay_start_1:
0x0: {  	(tag) =	ssettag $0x1  }
0x1: {  	s4 =	rddreg [dreg:$0x0]  }
0x2: {  	s2 =	rddreg [dreg:$0x1];
	s3 =	srdreg.scid  }
0x3: {  	s1 =	stileid.u32;
	s0 =	rddreg [dreg:$0x2];
	s10 =	simm.s32 $0x2800  }
0x4: {  	s11 =	simm.s32 $0x80;
	s12 =	simm.s32 $0x5000;
	s5 =	sand.u32 $0x1, s3  }
0x5: {  	s6 =	smul.u32 $0x2800, s1;
	s3 =	simm.s32 $0x0;
	s13 =	sshll.u32 s1, $0x6  }
0x6: {  	s7 =	sshll.u32 s5, $0x4;
	s8 =	smul.u32 $0x28000, s5;
	[smem:$0x7FF] =	sst s3  }
0x7: {  	s5 =	ssub.s32 $0x2, s5;
	s13 =	sor.u32 $0x1C01, s13;
	s7 =	sor.u32 s1, s7  }
0x8: {  	s9 =	sshrl.u32 s5, $0x1;
	s7 =	smul.u32 $0x500, s7;
	s8 =	sadd.s32 s6, s8  }
0x9: {  	_ =	strace $0x80000047;
	s9 =	ssub.s32 s5, s9;
	s8 =	sshrl.u32 s8, $0x3  }
0xa: {  	s7 =	sadd.s32 s7, s4;
	s8 =	sadd.s32 s8, s4;
	s4 =	sadd.s32 s6, s2  }
0xb: {  	s5 =	sadd.s32 $0x2800, s7;
	s6 =	sadd.s32 $0xC800, s8;
	s7 =	smax.u32 s9, $0x1  }
0xc: {  	v0 =	vimm.f32 $0.0e+00;
	v1 =	vimm.f32 $1.000000000e+00;
	s8 =	simm.s32 $0x5800;
	s9 =	simm.s32 $0x1;
	s14 =	sshrl.u32 s4, $0x3  }
.LBB2_1:
0xd: {  	s15 =	simm.s32 $0x0  }
.LBB2_2:
0xe: {  	p0 =	sne.s32 s15, $0x9FC0  }
.Ltmp0:
0xf: {  	_ = 	snop;
	(pc) =	sbr.rel @p0 .LBB2_2-.Ltmp0, $3  }
0x10: {  	_ =	sdelay $0x1  }
0x11: {  	s16 =	sshra.s32 s15, $0x2  }
0x12: {  	s15 =	sadd.s32 $0x40, s15;
	[tilespmem:s16+$0x5800] =	vst v0  }
0x13: {  	s15 =	simm.s32 $0x40;
	s16 =	simm.s32 $0x0  }
.LBB2_4:
0x14: {  	p0 =	sne.s32 s15, $0x1FC0;
	[tilespmem:s16+$0x5000] =	vst v1;
	s16 =	smov.u32 s15;
	s15 =	sadd.s32 $0x40, s15  }
.Ltmp1:
0x15: {  	(pc) =	sbr.rel @p0 .LBB2_4-.Ltmp1, $2  }
0x16: {  	_ =	sdelay $0x2  }
0x17: {  	s16 =	sshra.s32 s16, $0x2  }
0x18: {  	[tilespmem:s16+$0x5000] =	vst v1  }
0x19: {  	[spmem:s4] =	stream.linear.scatter [tilespmem:s8], [sflag:$0x1], $0x2800, $0x38;
	[tilespmem:$0x8000] =	vst v63  }
0x1a: {  	_ =	swait.ge [sflag:s9], $0x2800  }
0x1b: {  	[sflag:s9] =	ssyncset.done $0x0  }
0x1c: {  	s15 =	simm.s32 $0x0;
	[sflag:s9] =	ssyncadd.s32 $0xFFFFD800  }
0x1d: {  	[tilespmem:s10], [sflag:$0x1] =	stream.linear.gather [hbm4b:s5+s15], $0x2800, $0x38;
	[tilespmem:$0x8000] =	vst v63  }
0x1e: {  	_ =	swait.ge [sflag:s9], $0x2800  }
0x1f: {  	[sflag:s9] =	ssyncset.done $0x0  }
0x20: {  	[sflag:s9] =	ssyncadd.s32 $0xFFFFD800  }
0x21: {  	s31 =	simm.s32 $0x2800;
	[bflag:$0x0] =	sbarrier.arrive $0xFFFF  }
0x22: {  	[spmem:s2] =	stream.indirect.scatter.add.f32 [tilespmem:s12], [sflag:$0x1], $0x10, s31, s11, $0xb8;
	[tilespmem:$0x8000] =	vst v63  }
0x23: {  	s15 =	simm.s32 $0x200;
	_ =	swait.ge [sflag:s9], $0x800  }
.LBB2_6:
0x24: {  	s16 =	sshra.s32 s15, $0x2;
	[sflag:s9] =	ssyncset.done $0x0;
	p0 =	sne.s32 s15, $0x9E00  }
.Ltmp2:
0x25: {  	s16 =	sadd.s32 $0x2800, s16;
	[sflag:s9] =	ssyncadd.s32 $0xFFFFF800;
	(pc) =	sbr.rel @p0 .LBB2_6-.Ltmp2, $3  }
0x26: {  	[spmem:s2] =	stream.indirect.scatter.add.f32 [tilespmem:s12], [sflag:$0x1], $0x10, s16, s11, $0xb8;
	[tilespmem:$0x8000] =	vst v63  }
0x27: {  	s15 =	sadd.s32 $0x200, s15;
	_ =	sdelay $0x1  }
0x28: {  	_ =	swait.ge [sflag:s9], $0x800  }
0x29: {  	[sflag:s9] =	ssyncset.done $0x0;
	s3 =	sadd.s32 $0x1, s3  }
0x2a: {  	[sflag:s9] =	ssyncadd.s32 $0xFFFFF800;
	p0 =	sne.s32 s3, s7  }
.Ltmp3:
0x2b: {  	[bflag:$0x0] =	sbarrier.arrive $0xFFFF;
	(pc) =	sbr.rel @p0 .LBB2_1-.Ltmp3, $4  }
0x2c: {  	[hbm:s6], [sflag:s13] =	dma.local [spmem:s14], $0x500  }
0x2d: {  	_ =	swait.ge [sflag:s9], $0x500  }
0x2e: {  	[sflag:s9] =	ssyncset.done $0x0  }
0x2f: {  	[sflag:s9] =	ssyncadd.s32 $0xFFFFFB00  }
0x30: {  	_ =	sfence.sel $0x180000  }
0x31: {  	[bflag:$0x0] =	sbarrier.arrive $0xFFFF  }
0x32: {  	p0 =	sne.s32 s1, $0x0;
	_ =	strace $0x90000047  }
0x33: {  	s0 =	sadd.s32 @!p0 $0x100000, s0;
	[bflag:$0x2] =	sbarrier.arrive $0xFFFF  }
0x34: {  	[sflag:s0] =	ssyncadd.tile.s32 @!p0 $0x1;
	_ =	shalt  }
.Lfunc_end2:
_tile_overlayer_lowered:
.L_overlay_start_2:
0x35: {  	(tag) =	ssettag $0x2  }
0x36: {  	s0 =	rddreg [dreg:$0x0];
	s2 =	stileid.u32  }
0x37: {  	s1 =	rddreg [dreg:$0x1];
	p0 =	sne.s32 s2, $0x0  }
0x38: {  	s3 =	rddreg [dreg:$0x2];
	[bflag:$0x3] =	sbarrier.arrive $0xFFFF;
	s2 =	simm.s32 @!p0 $0x1C01  }
0x39: {  	[timem:s3], [sflag:s2] =	dma.local @!p0 [hbm:s0], s1  }
0x3a: {  	s0 =	simm.s32 @!p0 $0x1  }
0x3b: {  	_ =	swait.ge @!p0 [sflag:s0], s1  }
0x3c: {  	s1 =	ssub.s32 @!p0 $0x0, s1;
	[sflag:s0] =	ssyncset.done @!p0 $0x0  }
0x3d: {  	[sflag:s0] =	ssyncadd.s32 @!p0 s1  }
0x3e: {  	[bflag:$0x3] =	sbarrier.arrive $0xFFFF  }
0x3f: {  	_ =	shalt  }

</sc_bundles>
